<compile_context>
chip_gen: v7x
topology: tpu7x:2x2x1
jax: 0.10.2.dev20260603
libtpu: 0.0.44.dev20260713+nightly
codegen_flags: <defaults>
</compile_context>

<pallas_src>
import functools

import jax
import jax.numpy as jnp
from jax import lax
from jax.experimental import pallas as pl
from jax.experimental.pallas import tpu as pltpu
from jax.experimental.pallas import tpu_sc as plsc

NEG = -1e9
B = 4
C = 4
N = 20000
NP = 20480
NV = NP // 16
L2N = NV // 16
M = 100
KS = 128
SCORE_T = 0.05
IOU_T = 0.5
F32 = jnp.float32
I32 = jnp.int32


def _tc_decode_body(roi_ref, d_ref, p_ref, sc_ref, bx_ref):
    ay1 = roi_ref[0, 0:1, :]
    ax1 = roi_ref[0, 1:2, :]
    ay2 = roi_ref[0, 2:3, :]
    ax2 = roi_ref[0, 3:4, :]
    aw = ax2 - ax1
    ah = ay2 - ay1
    acx = ax1 + 0.5 * aw
    acy = ay1 + 0.5 * ah
    p0 = p_ref[0, 0:1, :]
    p1 = p_ref[0, 1:2, :]
    p2 = p_ref[0, 2:3, :]
    p3 = p_ref[0, 3:4, :]
    bg = p0 >= jnp.maximum(p1, jnp.maximum(p2, p3))
    for c in range(C):
        dy = d_ref[0, c, 0:1, :] * 0.1
        dx = d_ref[0, c, 1:2, :] * 0.1
        dh = d_ref[0, c, 2:3, :] * 0.2
        dw = d_ref[0, c, 3:4, :] * 0.2
        bw = jnp.exp(dw) * aw
        bh = jnp.exp(dh) * ah
        bcx = dx * aw + acx
        bcy = dy * ah + acy
        y1 = bcy - 0.5 * bh
        x1 = bcx - 0.5 * bw
        y2 = bh + y1
        x2 = bw + x1
        bx_ref[0, c, 0:1, :] = jnp.clip(y1, 0.0, 1.0)
        bx_ref[0, c, 1:2, :] = jnp.clip(x1, 0.0, 1.0)
        bx_ref[0, c, 2:3, :] = jnp.clip(y2, 0.0, 1.0)
        bx_ref[0, c, 3:4, :] = jnp.clip(x2, 0.0, 1.0)
        pc = (p0, p1, p2, p3)[c]
        s = jnp.where(bg, 0.0, pc)
        sc_ref[0, c:c + 1, :] = jnp.where(s > SCORE_T, s, NEG)


def _tc_decode(roi_t, d_t, p_t):
    return pl.pallas_call(
        _tc_decode_body,
        grid=(B,),
        in_specs=[
            pl.BlockSpec((1, 4, NP), lambda g: (g, 0, 0)),
            pl.BlockSpec((1, C, 4, NP), lambda g: (g, 0, 0, 0)),
            pl.BlockSpec((1, 4, NP), lambda g: (g, 0, 0)),
        ],
        out_specs=[
            pl.BlockSpec((1, C, NP), lambda g: (g, 0, 0)),
            pl.BlockSpec((1, C, 4, NP), lambda g: (g, 0, 0, 0)),
        ],
        out_shape=[
            jax.ShapeDtypeStruct((B, C, NP), F32),
            jax.ShapeDtypeStruct((B, C, 4, NP), F32),
        ],
    )(roi_t, d_t, p_t)


def _smax(v):
    return lax.reduce_max(v, (0,))


def _arglane(v, top):
    return plsc.all_reduce_ffs(v == top)[0]


def _bc(x):
    return jnp.broadcast_to(x, (16,))


def _st1(ref, idxs, val):
    mask = lax.iota(I32, 16) < 1
    plsc.store_scatter(ref, [_bc(jnp.asarray(i, I32)) for i in idxs],
                       _bc(val), mask=mask)


def _ld1(ref, idxs):
    return plsc.load_gather(ref, [_bc(jnp.asarray(i, I32)) for i in idxs])


def _mesh():
    return plsc.VectorSubcoreMesh(core_axis_name="c", subcore_axis_name="s")


def _sc_nms_body(sc_hbm, bx_hbm, ob_hbm, ol_hbm, os_hbm,
                 s_v, b_v, l1_v, l2_v, l3_v, ks_v, kb_v,
                 shb_sh, shs_sh, mb_v, ms_v, l1m_v, ob_v, ol_v, os_v,
                 sem, sem2):
    core = lax.axis_index("c")
    sub = lax.axis_index("s")
    bslot = lax.shift_right_logical(sub, 2)

    @pl.when(sub < 8)
    def _():
        cc = jnp.bitwise_and(sub, 3)
        wid = (core * 2 + bslot) * C + cc
        box_cp = pltpu.async_copy(bx_hbm.at[wid], b_v, sem)
        sc_cp = pltpu.async_copy(sc_hbm.at[wid], s_v, sem2)

        for i in range(KS // 16):
            kb_v[0, pl.ds(i * 16, 16)] = jnp.full((16,), -4.0, F32)
            kb_v[1, pl.ds(i * 16, 16)] = jnp.full((16,), -4.0, F32)
            kb_v[2, pl.ds(i * 16, 16)] = jnp.full((16,), -4.0, F32)
            kb_v[3, pl.ds(i * 16, 16)] = jnp.full((16,), -4.0, F32)
            ks_v[pl.ds(i * 16, 16)] = jnp.full((16,), NEG, F32)

        sc_cp.wait()

        def build1(i, _):
            for u in range(8):
                g = i * 8 + u
                _st1(l1_v, [g], _smax(s_v[pl.ds(g * 16, 16)]))
            return 0
        lax.fori_loop(0, NV // 8, build1, 0)

        def build2(i, _):
            for u in range(8):
                g = i * 8 + u
                _st1(l2_v, [g], _smax(l1_v[pl.ds(g * 16, 16)]))
            return 0
        lax.fori_loop(0, L2N // 8, build2, 0)

        l3_v[pl.ds(0, 16)] = jnp.full((16,), NEG, F32)
        for g in range(L2N // 16):
            _st1(l3_v, [g], _smax(l2_v[pl.ds(g * 16, 16)]))

        box_cp.wait()

        def cond(carry):
            k, cont = carry
            return jnp.logical_and(k < M, cont > 0)

        def body(carry):
            k, _ = carry
            ii = lax.iota(I32, 16)
            v3 = l3_v[pl.ds(0, 16)]
            top = _smax(v3)
            valid = top > NEG / 2.0
            l3 = _arglane(v3, top)
            v2 = l2_v[pl.ds(l3 * 16, 16)]
            i2 = _arglane(v2, top)
            j1 = l3 * 16 + i2
            v1 = l1_v[pl.ds(j1 * 16, 16)]
            i1 = _arglane(v1, top)
            blk = j1 * 16 + i1
            vs = s_v[pl.ds(blk * 16, 16)]
            i0 = _arglane(vs, top)
            n = blk * 16 + i0

            cy1 = _ld1(b_v, [0, n])
            cx1 = _ld1(b_v, [1, n])
            cy2 = _ld1(b_v, [2, n])
            cx2 = _ld1(b_v, [3, n])
            a1 = jnp.maximum(cy2 - cy1, 0.0) * jnp.maximum(cx2 - cx1, 0.0)

            acc = jnp.zeros((16,), F32)
            for vv in range(KS // 16):
                ky1 = kb_v[0, pl.ds(vv * 16, 16)]
                kx1 = kb_v[1, pl.ds(vv * 16, 16)]
                ky2 = kb_v[2, pl.ds(vv * 16, 16)]
                kx2 = kb_v[3, pl.ds(vv * 16, 16)]
                yy1 = jnp.maximum(cy1, ky1)
                xx1 = jnp.maximum(cx1, kx1)
                yy2 = jnp.minimum(cy2, ky2)
                xx2 = jnp.minimum(cx2, kx2)
                inter = jnp.maximum(yy2 - yy1, 0.0) * jnp.maximum(xx2 - xx1, 0.0)
                a2 = jnp.maximum(ky2 - ky1, 0.0) * jnp.maximum(kx2 - kx1, 0.0)
                union = a1 + a2 - inter
                iou = jnp.where(union > 0.0, inter / union, 0.0)
                acc = jnp.maximum(acc, iou)
            sup = _smax(acc) > IOU_T
            keep = jnp.logical_and(valid, jnp.logical_not(sup))

            vs2 = jnp.where(ii == i0, NEG, vs)
            s_v[pl.ds(blk * 16, 16)] = vs2
            m1 = _smax(vs2)
            v1n = jnp.where(ii == i1, m1, v1)
            l1_v[pl.ds(j1 * 16, 16)] = v1n
            m2 = _smax(v1n)
            v2n = jnp.where(ii == i2, m2, v2)
            l2_v[pl.ds(l3 * 16, 16)] = v2n
            m3 = _smax(v2n)
            l3_v[pl.ds(0, 16)] = jnp.where(ii == l3, m3, v3)

            @pl.when(keep)
            def _():
                _st1(kb_v, [0, k], cy1)
                _st1(kb_v, [1, k], cx1)
                _st1(kb_v, [2, k], cy2)
                _st1(kb_v, [3, k], cx2)
                _st1(ks_v, [k], top)

            return (k + keep.astype(I32), valid.astype(I32))

        lax.while_loop(cond, body, (jnp.int32(0), jnp.int32(1)))

        pltpu.sync_copy(kb_v, shb_sh.at[bslot, cc])
        pltpu.sync_copy(ks_v, shs_sh.at[bslot, cc])

    plsc.subcore_barrier()

    @pl.when(jnp.logical_and(sub >= 8, sub < 10))
    def _():
        ms = sub - 8
        bout = core * 2 + ms
        pltpu.sync_copy(shb_sh.at[ms], mb_v)
        for c0 in range(C):
            pltpu.sync_copy(shs_sh.at[ms, c0], ms_v.at[pl.ds(c0 * KS, KS)])

        nv = C * KS // 16

        def build1(i, _):
            _st1(l1m_v, [i], _smax(ms_v[pl.ds(i * 16, 16)]))
            return 0
        lax.fori_loop(0, nv, build1, 0)

        def zo(i, _):
            ob_v[pl.ds(i * 16, 16)] = jnp.zeros((16,), F32)
            return 0
        lax.fori_loop(0, 4 * M // 16, zo, 0)
        for i in range(6):
            ol_v[pl.ds(i * 16, 16)] = jnp.zeros((16,), F32)
            os_v[pl.ds(i * 16, 16)] = jnp.zeros((16,), F32)
        ol_v[pl.ds(104 - 16, 16)] = jnp.zeros((16,), F32)
        os_v[pl.ds(104 - 16, 16)] = jnp.zeros((16,), F32)

        def emit(i, _):
            va = l1m_v[pl.ds(0, 16)]
            vb = l1m_v[pl.ds(16, 16)]
            top = jnp.maximum(_smax(va), _smax(vb))
            fa = _arglane(va, top)
            fb = _arglane(vb, top)
            j = jnp.where(fa < 16, fa, 16 + fb)
            vsc = ms_v[pl.ds(j * 16, 16)]
            n = j * 16 + _arglane(vsc, top)
            valid = top > NEG / 2.0

            cls = lax.shift_right_logical(n, 7)
            slot = jnp.bitwise_and(n, KS - 1)
            y1 = _ld1(mb_v, [cls, 0, slot])
            x1 = _ld1(mb_v, [cls, 1, slot])
            y2 = _ld1(mb_v, [cls, 2, slot])
            x2 = _ld1(mb_v, [cls, 3, slot])

            @pl.when(valid)
            def _():
                _st1(ms_v, [n], jnp.float32(NEG))
                _st1(l1m_v, [j], _smax(ms_v[pl.ds(j * 16, 16)]))
                _st1(ob_v, [4 * i], y1)
                _st1(ob_v, [4 * i + 1], x1)
                _st1(ob_v, [4 * i + 2], y2)
                _st1(ob_v, [4 * i + 3], x2)
                _st1(ol_v, [i], cls.astype(F32))
                _st1(os_v, [i], top)
            return 0

        lax.fori_loop(0, M, emit, 0)

        pltpu.sync_copy(ob_v, ob_hbm.at[bout])
        pltpu.sync_copy(ol_v, ol_hbm.at[bout])
        pltpu.sync_copy(os_v, os_hbm.at[bout])


def _sc_nms(scores, boxes):
    f = functools.partial(
        pl.kernel,
        mesh=_mesh(),
        compiler_params=pltpu.CompilerParams(needs_layout_passes=False),
        out_type=[
            jax.ShapeDtypeStruct((B, 4 * M), F32),
            jax.ShapeDtypeStruct((B, 104), F32),
            jax.ShapeDtypeStruct((B, 104), F32),
        ],
        scratch_types=[
            pltpu.VMEM((NP,), F32),
            pltpu.VMEM((4, NP), F32),
            pltpu.VMEM((NV,), F32),
            pltpu.VMEM((L2N,), F32),
            pltpu.VMEM((16,), F32),
            pltpu.VMEM((KS,), F32),
            pltpu.VMEM((4, KS), F32),
            pltpu.VMEM_SHARED((2, C, 4, KS), F32),
            pltpu.VMEM_SHARED((2, C, KS), F32),
            pltpu.VMEM((C, 4, KS), F32),
            pltpu.VMEM((C * KS,), F32),
            pltpu.VMEM((C * KS // 16,), F32),
            pltpu.VMEM((4 * M,), F32),
            pltpu.VMEM((104,), F32),
            pltpu.VMEM((104,), F32),
            pltpu.SemaphoreType.DMA,
            pltpu.SemaphoreType.DMA,
        ],
    )(_sc_nms_body)
    return f(scores, boxes)


def kernel(roi_bboxes, pred_deltas, pred_label_probs):
    pad = NP - N
    roi_t = jnp.pad(jnp.transpose(roi_bboxes, (0, 2, 1)), ((0, 0), (0, 0), (0, pad)))
    d = pred_deltas.reshape(B, N, C, 4)
    d_t = jnp.pad(jnp.transpose(d, (0, 2, 3, 1)), ((0, 0), (0, 0), (0, 0), (0, pad)))
    p_t = jnp.pad(jnp.transpose(pred_label_probs, (0, 2, 1)), ((0, 0), (0, 0), (0, pad)))

    scores, boxes = _tc_decode(roi_t, d_t, p_t)
    scores = scores.reshape(B * C, NP)
    boxes = boxes.reshape(B * C, 4, NP)
    ob, ol, os_ = _sc_nms(scores, boxes)

    final_boxes = ob.reshape(B, M, 4)
    final_labels = ol[:, :M]
    final_scores = os_[:, :M]
    return (final_boxes, final_labels, final_scores)

# --- scband reference (transcript-rebuilt; emitter-appended) ---
"""Pipeline reference for scband-decoder-74122545594383 (READ-ONLY COPY).

The authoritative reference and input builder live on the scoring server;
editing this copy changes nothing except your own understanding.
"""

import jax, jax.numpy as jnp
import numpy as np

VARIANCES = jnp.array([0.1, 0.1, 0.2, 0.2], dtype=jnp.float32)
TOTAL_LABELS = 4
MAX_TOTAL_SIZE = 100
SCORE_THRESHOLD = 0.05
IOU_THRESHOLD = 0.5
NEG = -1e9


def get_bboxes_from_deltas(anchors, deltas):
    all_anc_width = anchors[..., 3] - anchors[..., 1]
    all_anc_height = anchors[..., 2] - anchors[..., 0]
    all_anc_ctr_x = anchors[..., 1] + 0.5 * all_anc_width
    all_anc_ctr_y = anchors[..., 0] + 0.5 * all_anc_height
    all_bbox_width = jnp.exp(deltas[..., 3]) * all_anc_width
    all_bbox_height = jnp.exp(deltas[..., 2]) * all_anc_height
    all_bbox_ctr_x = (deltas[..., 1] * all_anc_width) + all_anc_ctr_x
    all_bbox_ctr_y = (deltas[..., 0] * all_anc_height) + all_anc_ctr_y
    y1 = all_bbox_ctr_y - (0.5 * all_bbox_height)
    x1 = all_bbox_ctr_x - (0.5 * all_bbox_width)
    y2 = all_bbox_height + y1
    x2 = all_bbox_width + x1
    return jnp.stack([y1, x1, y2, x2], axis=-1)


def _iou_one_to_many(box, boxes):
    yy1 = jnp.maximum(box[0], boxes[:, 0])
    xx1 = jnp.maximum(box[1], boxes[:, 1])
    yy2 = jnp.minimum(box[2], boxes[:, 2])
    xx2 = jnp.minimum(box[3], boxes[:, 3])
    inter = jnp.maximum(yy2 - yy1, 0.0) * jnp.maximum(xx2 - xx1, 0.0)
    area1 = jnp.maximum(box[2] - box[0], 0.0) * jnp.maximum(box[3] - box[1], 0.0)
    area2 = jnp.maximum(boxes[:, 2] - boxes[:, 0], 0.0) * jnp.maximum(boxes[:, 3] - boxes[:, 1], 0.0)
    union = area1 + area2 - inter
    return jnp.where(union > 0.0, inter / union, 0.0)


def _nms_per_class(boxes, scores):
    scores = jnp.where(scores > SCORE_THRESHOLD, scores, NEG)

    def body(sc, _):
        idx = jnp.argmax(sc)
        best = sc[idx]
        box = boxes[idx]
        ious = _iou_one_to_many(box, boxes)
        sup = ious > IOU_THRESHOLD
        new_sc = jnp.where(sup, NEG, sc)
        new_sc = new_sc.at[idx].set(NEG)
        valid = best > NEG / 2.0
        return new_sc, (box, jnp.where(valid, best, NEG), valid)

    _, (sel_boxes, sel_scores, valids) = jax.lax.scan(body, scores, None, length=MAX_TOTAL_SIZE)
    return sel_boxes, sel_scores, valids


def _combined_nms_single(boxes_b, scores_b):
    # boxes_b: [N, C, 4], scores_b: [N, C]
    sel_boxes, sel_scores, _ = jax.vmap(_nms_per_class, in_axes=(1, 1))(boxes_b, scores_b)
    # sel_boxes: [C, M, 4], sel_scores: [C, M]
    classes = jnp.broadcast_to(jnp.arange(TOTAL_LABELS, dtype=jnp.float32)[:, None], sel_scores.shape)
    flat_scores = sel_scores.reshape(-1)
    flat_boxes = sel_boxes.reshape(-1, 4)
    flat_classes = classes.reshape(-1)
    top_scores, top_idx = jax.lax.top_k(flat_scores, MAX_TOTAL_SIZE)
    valid = top_scores > NEG / 2.0
    final_boxes = jnp.where(valid[:, None], flat_boxes[top_idx], 0.0)
    final_scores = jnp.where(valid, top_scores, 0.0)
    final_classes = jnp.where(valid, flat_classes[top_idx], 0.0)
    return final_boxes, final_scores, final_classes


def _forward(roi_bboxes, pred_deltas, pred_label_probs):
    batch_size = roi_bboxes.shape[0]
    pred_deltas = pred_deltas.reshape(batch_size, -1, TOTAL_LABELS, 4)
    pred_deltas = pred_deltas * VARIANCES
    expanded_roi_bboxes = jnp.tile(roi_bboxes[:, :, None, :], (1, 1, TOTAL_LABELS, 1))
    pred_bboxes = get_bboxes_from_deltas(expanded_roi_bboxes, pred_deltas)
    pred_bboxes = jnp.clip(pred_bboxes, 0.0, 1.0)
    pred_labels_map = jnp.argmax(pred_label_probs, axis=-1)[..., None]
    pred_labels = jnp.where(pred_labels_map != 0, pred_label_probs, jnp.zeros_like(pred_label_probs))
    final_bboxes, final_scores, final_labels = jax.vmap(_combined_nms_single)(pred_bboxes, pred_labels)
    return (jax.lax.stop_gradient(final_bboxes),
            jax.lax.stop_gradient(final_labels),
            jax.lax.stop_gradient(final_scores))


def setup_inputs(seed: int = 0) -> dict:
    key = jax.random.key(seed)
    k1, k2, k3 = jax.random.split(key, 3)
    B, N, C = 4, 20000, TOTAL_LABELS
    coords = jax.random.uniform(k1, (B, N, 2, 2), dtype=jnp.float32)
    mins = coords.min(axis=2)
    maxs = coords.max(axis=2)
    roi_bboxes = jnp.stack([mins[..., 0], mins[..., 1], maxs[..., 0], maxs[..., 1]], axis=-1)
    pred_deltas = jax.random.normal(k2, (B, N, C * 4), dtype=jnp.float32) * 0.2
    pred_label_probs = jax.nn.softmax(jax.random.normal(k3, (B, N, C), dtype=jnp.float32) * 2.0, axis=-1)
    return {"roi_bboxes": roi_bboxes, "pred_deltas": pred_deltas, "pred_label_probs": pred_label_probs}


def reference(roi_bboxes, pred_deltas, pred_label_probs):
    return _forward(roi_bboxes, pred_deltas, pred_label_probs)

if __name__ == "__main__":
    import jax
    _d = setup_inputs()
    print(jax.jit(kernel)(*tuple(_d.values())))

</pallas_src>

<mosaic_0001>
#map = affine_map<(d0, d1) -> (0, 0)>
#map1 = affine_map<(d0, d1) -> (0, 0, 0)>
module attributes {stable_mosaic.version = 14 : i64} {
  func.func @_sc_nms_body(%arg0: i32, %arg1: i32, %arg2: memref<16x20480xf32, #tpu.memory_space<hbm>>, %arg3: memref<16x4x20480xf32, #tpu.memory_space<hbm>>, %arg4: memref<4x400xf32, #tpu.memory_space<hbm>>, %arg5: memref<4x104xf32, #tpu.memory_space<hbm>>, %arg6: memref<4x104xf32, #tpu.memory_space<hbm>>, %arg7: memref<20480xf32, #tpu.memory_space<vmem>>, %arg8: memref<4x20480xf32, #tpu.memory_space<vmem>>, %arg9: memref<1280xf32, #tpu.memory_space<vmem>>, %arg10: memref<80xf32, #tpu.memory_space<vmem>>, %arg11: memref<16xf32, #tpu.memory_space<vmem>>, %arg12: memref<128xf32, #tpu.memory_space<vmem>>, %arg13: memref<4x128xf32, #tpu.memory_space<vmem>>, %arg14: memref<2x4x4x128xf32, #tpu.memory_space<vmem_shared>>, %arg15: memref<2x4x128xf32, #tpu.memory_space<vmem_shared>>, %arg16: memref<4x4x128xf32, #tpu.memory_space<vmem>>, %arg17: memref<512xf32, #tpu.memory_space<vmem>>, %arg18: memref<32xf32, #tpu.memory_space<vmem>>, %arg19: memref<400xf32, #tpu.memory_space<vmem>>, %arg20: memref<104xf32, #tpu.memory_space<vmem>>, %arg21: memref<104xf32, #tpu.memory_space<vmem>>, %arg22: memref<!tpu.dma_semaphore, #tpu.memory_space<semaphore_mem>>, %arg23: memref<!tpu.dma_semaphore, #tpu.memory_space<semaphore_mem>>) attributes {dimension_semantics = [#tpu.dimension_semantics<core_parallel>, #tpu.dimension_semantics<subcore_parallel>], iteration_bounds = array<i64: 2, 16>, scalar_prefetch = 0 : i64, scratch_operands = 17 : i64, tpu.core_type = #tpu.core_type<sc_vector_subcore>, window_params = [{transform_indices = #map}, {transform_indices = #map1}, {transform_indices = #map}, {transform_indices = #map}, {transform_indices = #map}]} {
    %shift_right_logical3A = arith.constant 2 : i32
    %shift_right_logical3A_0 = arith.shrui %arg1, %shift_right_logical3A : i32
    %lt3A = arith.constant 8 : i32
    %lt3A_1 = arith.cmpi slt, %arg1, %lt3A : i32
    %convert_element_type3A = arith.extui %lt3A_1 : i1 to i32
    %cond3A = arith.constant 0 : i32
    %cond3A_2 = arith.cmpi ne, %convert_element_type3A, %cond3A : i32
    scf.if %cond3A_2 {
      %and3A_9 = arith.constant 3 : i32
      %and3A_10 = arith.andi %arg1, %and3A_9 : i32
      %mul3A = arith.constant 2 : i32
      %mul3A_11 = arith.muli %arg0, %mul3A : i32
      %add3A = arith.addi %mul3A_11, %shift_right_logical3A_0 : i32
      %mul3A_12 = arith.constant 4 : i32
      %mul3A_13 = arith.muli %add3A, %mul3A_12 : i32
      %add3A_14 = arith.addi %mul3A_13, %and3A_10 : i32
      %dma_start3A = arith.constant 0 : i32
      %dma_start3A_15 = arith.constant 0 : i32
      %dma_start3A_16 = tpu.memref_slice %arg3[%add3A_14, %dma_start3A, %dma_start3A_15] : memref<16x4x20480xf32, #tpu.memory_space<hbm>> -> memref<1x4x20480xf32, #tpu.memory_space<hbm>>
      %dma_start3A_17 = tpu.memref_squeeze %dma_start3A_16 : memref<1x4x20480xf32, #tpu.memory_space<hbm>> -> memref<4x20480xf32, #tpu.memory_space<hbm>>
      %dma_start3A_18 = arith.constant 0 : i32
      %dma_start3A_19 = arith.constant 0 : i32
      %dma_start3A_20 = tpu.memref_slice %arg3[%add3A_14, %dma_start3A_18, %dma_start3A_19] : memref<16x4x20480xf32, #tpu.memory_space<hbm>> -> memref<1x4x20480xf32, #tpu.memory_space<hbm>>
      %dma_start3A_21 = tpu.memref_squeeze %dma_start3A_20 : memref<1x4x20480xf32, #tpu.memory_space<hbm>> -> memref<4x20480xf32, #tpu.memory_space<hbm>>
      tpu.enqueue_dma source(%dma_start3A_21 : memref<4x20480xf32, #tpu.memory_space<hbm>>) target(%arg8 : memref<4x20480xf32, #tpu.memory_space<vmem>>) target_semaphore(%arg22 : memref<!tpu.dma_semaphore, #tpu.memory_space<semaphore_mem>>)
      %dma_start3A_22 = arith.constant 0 : i32
      %dma_start3A_23 = tpu.memref_slice %arg2[%add3A_14, %dma_start3A_22] : memref<16x20480xf32, #tpu.memory_space<hbm>> -> memref<1x20480xf32, #tpu.memory_space<hbm>>
      %dma_start3A_24 = tpu.memref_squeeze %dma_start3A_23 : memref<1x20480xf32, #tpu.memory_space<hbm>> -> memref<20480xf32, #tpu.memory_space<hbm>>
      %dma_start3A_25 = arith.constant 0 : i32
      %dma_start3A_26 = tpu.memref_slice %arg2[%add3A_14, %dma_start3A_25] : memref<16x20480xf32, #tpu.memory_space<hbm>> -> memref<1x20480xf32, #tpu.memory_space<hbm>>
      %dma_start3A_27 = tpu.memref_squeeze %dma_start3A_26 : memref<1x20480xf32, #tpu.memory_space<hbm>> -> memref<20480xf32, #tpu.memory_space<hbm>>
      tpu.enqueue_dma source(%dma_start3A_27 : memref<20480xf32, #tpu.memory_space<hbm>>) target(%arg7 : memref<20480xf32, #tpu.memory_space<vmem>>) target_semaphore(%arg23 : memref<!tpu.dma_semaphore, #tpu.memory_space<semaphore_mem>>)
      %broadcast_in_dim3A = arith.constant -4.000000e+00 : f32
      %broadcast_in_dim3A_28 = vector.broadcast %broadcast_in_dim3A : f32 to vector<16xf32>
      %swap3A = arith.constant 0 : i32
      %swap3A_29 = arith.index_cast %swap3A : i32 to index
      %swap3A_30 = arith.constant 0 : index
      %swap3A_31 = tpu.vector_load %arg13[%swap3A_29, %swap3A_30] {strides = array<i32>} : memref<4x128xf32, #tpu.memory_space<vmem>>, vector<16xf32>,
      tpu.vector_store %arg13[%swap3A_29, %swap3A_30], %broadcast_in_dim3A_28 {strides = array<i32>} : memref<4x128xf32, #tpu.memory_space<vmem>>, vector<16xf32>,
      %broadcast_in_dim3A_32 = arith.constant -4.000000e+00 : f32
      %broadcast_in_dim3A_33 = vector.broadcast %broadcast_in_dim3A_32 : f32 to vector<16xf32>
      %swap3A_34 = arith.constant 1 : i32
      %swap3A_35 = arith.index_cast %swap3A_34 : i32 to index
      %swap3A_36 = arith.constant 0 : index
      %swap3A_37 = tpu.vector_load %arg13[%swap3A_35, %swap3A_36] {strides = array<i32>} : memref<4x128xf32, #tpu.memory_space<vmem>>, vector<16xf32>,
      tpu.vector_store %arg13[%swap3A_35, %swap3A_36], %broadcast_in_dim3A_33 {strides = array<i32>} : memref<4x128xf32, #tpu.memory_space<vmem>>, vector<16xf32>,
      %broadcast_in_dim3A_38 = arith.constant -4.000000e+00 : f32
      %broadcast_in_dim3A_39 = vector.broadcast %broadcast_in_dim3A_38 : f32 to vector<16xf32>
      %swap3A_40 = arith.constant 2 : i32
      %swap3A_41 = arith.index_cast %swap3A_40 : i32 to index
      %swap3A_42 = arith.constant 0 : index
      %swap3A_43 = tpu.vector_load %arg13[%swap3A_41, %swap3A_42] {strides = array<i32>} : memref<4x128xf32, #tpu.memory_space<vmem>>, vector<16xf32>,
      tpu.vector_store %arg13[%swap3A_41, %swap3A_42], %broadcast_in_dim3A_39 {strides = array<i32>} : memref<4x128xf32, #tpu.memory_space<vmem>>, vector<16xf32>,
      %broadcast_in_dim3A_44 = arith.constant -4.000000e+00 : f32
      %broadcast_in_dim3A_45 = vector.broadcast %broadcast_in_dim3A_44 : f32 to vector<16xf32>
      %swap3A_46 = arith.constant 3 : i32
      %swap3A_47 = arith.index_cast %swap3A_46 : i32 to index
      %swap3A_48 = arith.constant 0 : index
      %swap3A_49 = tpu.vector_load %arg13[%swap3A_47, %swap3A_48] {strides = array<i32>} : memref<4x128xf32, #tpu.memory_space<vmem>>, vector<16xf32>,
      tpu.vector_store %arg13[%swap3A_47, %swap3A_48], %broadcast_in_dim3A_45 {strides = array<i32>} : memref<4x128xf32, #tpu.memory_space<vmem>>, vector<16xf32>,
      %broadcast_in_dim3A_50 = arith.constant -1.000000e+09 : f32
      %broadcast_in_dim3A_51 = vector.broadcast %broadcast_in_dim3A_50 : f32 to vector<16xf32>
      %swap3A_52 = arith.constant 0 : index
      %swap3A_53 = tpu.vector_load %arg12[%swap3A_52] {strides = array<i32>} : memref<128xf32, #tpu.memory_space<vmem>>, vector<16xf32>,
      tpu.vector_store %arg12[%swap3A_52], %broadcast_in_dim3A_51 {strides = array<i32>} : memref<128xf32, #tpu.memory_space<vmem>>, vector<16xf32>,
      %broadcast_in_dim3A_54 = arith.constant -4.000000e+00 : f32
      %broadcast_in_dim3A_55 = vector.broadcast %broadcast_in_dim3A_54 : f32 to vector<16xf32>
      %swap3A_56 = arith.constant 0 : i32
      %swap3A_57 = arith.index_cast %swap3A_56 : i32 to index
      %swap3A_58 = arith.constant 16 : index
      %swap3A_59 = tpu.vector_load %arg13[%swap3A_57, %swap3A_58] {strides = array<i32>} : memref<4x128xf32, #tpu.memory_space<vmem>>, vector<16xf32>,
      tpu.vector_store %arg13[%swap3A_57, %swap3A_58], %broadcast_in_dim3A_55 {strides = array<i32>} : memref<4x128xf32, #tpu.memory_space<vmem>>, vector<16xf32>,
      %broadcast_in_dim3A_60 = arith.constant -4.000000e+00 : f32
      %broadcast_in_dim3A_61 = vector.broadcast %broadcast_in_dim3A_60 : f32 to vector<16xf32>
      %swap3A_62 = arith.constant 1 : i32
      %swap3A_63 = arith.index_cast %swap3A_62 : i32 to index
      %swap3A_64 = arith.constant 16 : index
      %swap3A_65 = tpu.vector_load %arg13[%swap3A_63, %swap3A_64] {strides = array<i32>} : memref<4x128xf32, #tpu.memory_space<vmem>>, vector<16xf32>,
      tpu.vector_store %arg13[%swap3A_63, %swap3A_64], %broadcast_in_dim3A_61 {strides = array<i32>} : memref<4x128xf32, #tpu.memory_space<vmem>>, vector<16xf32>,
      %broadcast_in_dim3A_66 = arith.constant -4.000000e+00 : f32
      %broadcast_in_dim3A_67 = vector.broadcast %broadcast_in_dim3A_66 : f32 to vector<16xf32>
      %swap3A_68 = arith.constant 2 : i32
      %swap3A_69 = arith.index_cast %swap3A_68 : i32 to index
      %swap3A_70 = arith.constant 16 : index
      %swap3A_71 = tpu.vector_load %arg13[%swap3A_69, %swap3A_70] {strides = array<i32>} : memref<4x128xf32, #tpu.memory_space<vmem>>, vector<16xf32>,
      tpu.vector_store %arg13[%swap3A_69, %swap3A_70], %broadcast_in_dim3A_67 {strides = array<i32>} : memref<4x128xf32, #tpu.memory_space<vmem>>, vector<16xf32>,
      %broadcast_in_dim3A_72 = arith.constant -4.000000e+00 : f32
      %broadcast_in_dim3A_73 = vector.broadcast %broadcast_in_dim3A_72 : f32 to vector<16xf32>
      %swap3A_74 = arith.constant 3 : i32
      %swap3A_75 = arith.index_cast %swap3A_74 : i32 to index
      %swap3A_76 = arith.constant 16 : index
      %swap3A_77 = tpu.vector_load %arg13[%swap3A_75, %swap3A_76] {strides = array<i32>} : memref<4x128xf32, #tpu.memory_space<vmem>>, vector<16xf32>,
      tpu.vector_store %arg13[%swap3A_75, %swap3A_76], %broadcast_in_dim3A_73 {strides = array<i32>} : memref<4x128xf32, #tpu.memory_space<vmem>>, vector<16xf32>,
      %broadcast_in_dim3A_78 = arith.constant -1.000000e+09 : f32
      %broadcast_in_dim3A_79 = vector.broadcast %broadcast_in_dim3A_78 : f32 to vector<16xf32>
      %swap3A_80 = arith.constant 16 : index
      %swap3A_81 = tpu.vector_load %arg12[%swap3A_80] {strides = array<i32>} : memref<128xf32, #tpu.memory_space<vmem>>, vector<16xf32>,
      tpu.vector_store %arg12[%swap3A_80], %broadcast_in_dim3A_79 {strides = array<i32>} : memref<128xf32, #tpu.memory_space<vmem>>, vector<16xf32>,
      %broadcast_in_dim3A_82 = arith.constant -4.000000e+00 : f32
      %broadcast_in_dim3A_83 = vector.broadcast %broadcast_in_dim3A_82 : f32 to vector<16xf32>
      %swap3A_84 = arith.constant 0 : i32
      %swap3A_85 = arith.index_cast %swap3A_84 : i32 to index
      %swap3A_86 = arith.constant 32 : index
      %swap3A_87 = tpu.vector_load %arg13[%swap3A_85, %swap3A_86] {strides = array<i32>} : memref<4x128xf32, #tpu.memory_space<vmem>>, vector<16xf32>,
      tpu.vector_store %arg13[%swap3A_85, %swap3A_86], %broadcast_in_dim3A_83 {strides = array<i32>} : memref<4x128xf32, #tpu.memory_space<vmem>>, vector<16xf32>,
      %broadcast_in_dim3A_88 = arith.constant -4.000000e+00 : f32
      %broadcast_in_dim3A_89 = vector.broadcast %broadcast_in_dim3A_88 : f32 to vector<16xf32>
      %swap3A_90 = arith.constant 1 : i32
      %swap3A_91 = arith.index_cast %swap3A_90 : i32 to index
      %swap3A_92 = arith.constant 32 : index
      %swap3A_93 = tpu.vector_load %arg13[%swap3A_91, %swap3A_92] {strides = array<i32>} : memref<4x128xf32, #tpu.memory_space<vmem>>, vector<16xf32>,
      tpu.vector_store %arg13[%swap3A_91, %swap3A_92], %broadcast_in_dim3A_89 {strides = array<i32>} : memref<4x128xf32, #tpu.memory_space<vmem>>, vector<16xf32>,
      %broadcast_in_dim3A_94 = arith.constant -4.000000e+00 : f32
      %broadcast_in_dim3A_95 = vector.broadcast %broadcast_in_dim3A_94 : f32 to vector<16xf32>
      %swap3A_96 = arith.constant 2 : i32
      %swap3A_97 = arith.index_cast %swap3A_96 : i32 to index
      %swap3A_98 = arith.constant 32 : index
      %swap3A_99 = tpu.vector_load %arg13[%swap3A_97, %swap3A_98] {strides = array<i32>} : memref<4x128xf32, #tpu.memory_space<vmem>>, vector<16xf32>,
      tpu.vector_store %arg13[%swap3A_97, %swap3A_98], %broadcast_in_dim3A_95 {strides = array<i32>} : memref<4x128xf32, #tpu.memory_space<vmem>>, vector<16xf32>,
      %broadcast_in_dim3A_100 = arith.constant -4.000000e+00 : f32
      %broadcast_in_dim3A_101 = vector.broadcast %broadcast_in_dim3A_100 : f32 to vector<16xf32>
      %swap3A_102 = arith.constant 3 : i32
      %swap3A_103 = arith.index_cast %swap3A_102 : i32 to index
      %swap3A_104 = arith.constant 32 : index
      %swap3A_105 = tpu.vector_load %arg13[%swap3A_103, %swap3A_104] {strides = array<i32>} : memref<4x128xf32, #tpu.memory_space<vmem>>, vector<16xf32>,
      tpu.vector_store %arg13[%swap3A_103, %swap3A_104], %broadcast_in_dim3A_101 {strides = array<i32>} : memref<4x128xf32, #tpu.memory_space<vmem>>, vector<16xf32>,
      %broadcast_in_dim3A_106 = arith.constant -1.000000e+09 : f32
      %broadcast_in_dim3A_107 = vector.broadcast %broadcast_in_dim3A_106 : f32 to vector<16xf32>
      %swap3A_108 = arith.constant 32 : index
      %swap3A_109 = tpu.vector_load %arg12[%swap3A_108] {strides = array<i32>} : memref<128xf32, #tpu.memory_space<vmem>>, vector<16xf32>,
      tpu.vector_store %arg12[%swap3A_108], %broadcast_in_dim3A_107 {strides = array<i32>} : memref<128xf32, #tpu.memory_space<vmem>>, vector<16xf32>,
      %broadcast_in_dim3A_110 = arith.constant -4.000000e+00 : f32
      %broadcast_in_dim3A_111 = vector.broadcast %broadcast_in_dim3A_110 : f32 to vector<16xf32>
      %swap3A_112 = arith.constant 0 : i32
      %swap3A_113 = arith.index_cast %swap3A_112 : i32 to index
      %swap3A_114 = arith.constant 48 : index
      %swap3A_115 = tpu.vector_load %arg13[%swap3A_113, %swap3A_114] {strides = array<i32>} : memref<4x128xf32, #tpu.memory_space<vmem>>, vector<16xf32>,
      tpu.vector_store %arg13[%swap3A_113, %swap3A_114], %broadcast_in_dim3A_111 {strides = array<i32>} : memref<4x128xf32, #tpu.memory_space<vmem>>, vector<16xf32>,
      %broadcast_in_dim3A_116 = arith.constant -4.000000e+00 : f32
      %broadcast_in_dim3A_117 = vector.broadcast %broadcast_in_dim3A_116 : f32 to vector<16xf32>
      %swap3A_118 = arith.constant 1 : i32
      %swap3A_119 = arith.index_cast %swap3A_118 : i32 to index
      %swap3A_120 = arith.constant 48 : index
      %swap3A_121 = tpu.vector_load %arg13[%swap3A_119, %swap3A_120] {strides = array<i32>} : memref<4x128xf32, #tpu.memory_space<vmem>>, vector<16xf32>,
      tpu.vector_store %arg13[%swap3A_119, %swap3A_120], %broadcast_in_dim3A_117 {strides = array<i32>} : memref<4x128xf32, #tpu.memory_space<vmem>>, vector<16xf32>,
      %broadcast_in_dim3A_122 = arith.constant -4.000000e+00 : f32
      %broadcast_in_dim3A_123 = vector.broadcast %broadcast_in_dim3A_122 : f32 to vector<16xf32>
      %swap3A_124 = arith.constant 2 : i32
      %swap3A_125 = arith.index_cast %swap3A_124 : i32 to index
      %swap3A_126 = arith.constant 48 : index
      %swap3A_127 = tpu.vector_load %arg13[%swap3A_125, %swap3A_126] {strides = array<i32>} : memref<4x128xf32, #tpu.memory_space<vmem>>, vector<16xf32>,
      tpu.vector_store %arg13[%swap3A_125, %swap3A_126], %broadcast_in_dim3A_123 {strides = array<i32>} : memref<4x128xf32, #tpu.memory_space<vmem>>, vector<16xf32>,
      %broadcast_in_dim3A_128 = arith.constant -4.000000e+00 : f32
      %broadcast_in_dim3A_129 = vector.broadcast %broadcast_in_dim3A_128 : f32 to vector<16xf32>
      %swap3A_130 = arith.constant 3 : i32
      %swap3A_131 = arith.index_cast %swap3A_130 : i32 to index
      %swap3A_132 = arith.constant 48 : index
      %swap3A_133 = tpu.vector_load %arg13[%swap3A_131, %swap3A_132] {strides = array<i32>} : memref<4x128xf32, #tpu.memory_space<vmem>>, vector<16xf32>,
      tpu.vector_store %arg13[%swap3A_131, %swap3A_132], %broadcast_in_dim3A_129 {strides = array<i32>} : memref<4x128xf32, #tpu.memory_space<vmem>>, vector<16xf32>,
      %broadcast_in_dim3A_134 = arith.constant -1.000000e+09 : f32
      %broadcast_in_dim3A_135 = vector.broadcast %broadcast_in_dim3A_134 : f32 to vector<16xf32>
      %swap3A_136 = arith.constant 48 : index
      %swap3A_137 = tpu.vector_load %arg12[%swap3A_136] {strides = array<i32>} : memref<128xf32, #tpu.memory_space<vmem>>, vector<16xf32>,
      tpu.vector_store %arg12[%swap3A_136], %broadcast_in_dim3A_135 {strides = array<i32>} : memref<128xf32, #tpu.memory_space<vmem>>, vector<16xf32>,
      %broadcast_in_dim3A_138 = arith.constant -4.000000e+00 : f32
      %broadcast_in_dim3A_139 = vector.broadcast %broadcast_in_dim3A_138 : f32 to vector<16xf32>
      %swap3A_140 = arith.constant 0 : i32
      %swap3A_141 = arith.index_cast %swap3A_140 : i32 to index
      %swap3A_142 = arith.constant 64 : index
      %swap3A_143 = tpu.vector_load %arg13[%swap3A_141, %swap3A_142] {strides = array<i32>} : memref<4x128xf32, #tpu.memory_space<vmem>>, vector<16xf32>,
      tpu.vector_store %arg13[%swap3A_141, %swap3A_142], %broadcast_in_dim3A_139 {strides = array<i32>} : memref<4x128xf32, #tpu.memory_space<vmem>>, vector<16xf32>,
      %broadcast_in_dim3A_144 = arith.constant -4.000000e+00 : f32
      %broadcast_in_dim3A_145 = vector.broadcast %broadcast_in_dim3A_144 : f32 to vector<16xf32>
      %swap3A_146 = arith.constant 1 : i32
      %swap3A_147 = arith.index_cast %swap3A_146 : i32 to index
      %swap3A_148 = arith.constant 64 : index
      %swap3A_149 = tpu.vector_load %arg13[%swap3A_147, %swap3A_148] {strides = array<i32>} : memref<4x128xf32, #tpu.memory_space<vmem>>, vector<16xf32>,
      tpu.vector_store %arg13[%swap3A_147, %swap3A_148], %broadcast_in_dim3A_145 {strides = array<i32>} : memref<4x128xf32, #tpu.memory_space<vmem>>, vector<16xf32>,
      %broadcast_in_dim3A_150 = arith.constant -4.000000e+00 : f32
      %broadcast_in_dim3A_151 = vector.broadcast %broadcast_in_dim3A_150 : f32 to vector<16xf32>
      %swap3A_152 = arith.constant 2 : i32
      %swap3A_153 = arith.index_cast %swap3A_152 : i32 to index
      %swap3A_154 = arith.constant 64 : index
      %swap3A_155 = tpu.vector_load %arg13[%swap3A_153, %swap3A_154] {strides = array<i32>} : memref<4x128xf32, #tpu.memory_space<vmem>>, vector<16xf32>,
      tpu.vector_store %arg13[%swap3A_153, %swap3A_154], %broadcast_in_dim3A_151 {strides = array<i32>} : memref<4x128xf32, #tpu.memory_space<vmem>>, vector<16xf32>,
      %broadcast_in_dim3A_156 = arith.constant -4.000000e+00 : f32
      %broadcast_in_dim3A_157 = vector.broadcast %broadcast_in_dim3A_156 : f32 to vector<16xf32>
      %swap3A_158 = arith.constant 3 : i32
      %swap3A_159 = arith.index_cast %swap3A_158 : i32 to index
      %swap3A_160 = arith.constant 64 : index
      %swap3A_161 = tpu.vector_load %arg13[%swap3A_159, %swap3A_160] {strides = array<i32>} : memref<4x128xf32, #tpu.memory_space<vmem>>, vector<16xf32>,
      tpu.vector_store %arg13[%swap3A_159, %swap3A_160], %broadcast_in_dim3A_157 {strides = array<i32>} : memref<4x128xf32, #tpu.memory_space<vmem>>, vector<16xf32>,
      %broadcast_in_dim3A_162 = arith.constant -1.000000e+09 : f32
      %broadcast_in_dim3A_163 = vector.broadcast %broadcast_in_dim3A_162 : f32 to vector<16xf32>
      %swap3A_164 = arith.constant 64 : index
      %swap3A_165 = tpu.vector_load %arg12[%swap3A_164] {strides = array<i32>} : memref<128xf32, #tpu.memory_space<vmem>>, vector<16xf32>,
      tpu.vector_store %arg12[%swap3A_164], %broadcast_in_dim3A_163 {strides = array<i32>} : memref<128xf32, #tpu.memory_space<vmem>>, vector<16xf32>,
      %broadcast_in_dim3A_166 = arith.constant -4.000000e+00 : f32
      %broadcast_in_dim3A_167 = vector.broadcast %broadcast_in_dim3A_166 : f32 to vector<16xf32>
      %swap3A_168 = arith.constant 0 : i32
      %swap3A_169 = arith.index_cast %swap3A_168 : i32 to index
      %swap3A_170 = arith.constant 80 : index
      %swap3A_171 = tpu.vector_load %arg13[%swap3A_169, %swap3A_170] {strides = array<i32>} : memref<4x128xf32, #tpu.memory_space<vmem>>, vector<16xf32>,
      tpu.vector_store %arg13[%swap3A_169, %swap3A_170], %broadcast_in_dim3A_167 {strides = array<i32>} : memref<4x128xf32, #tpu.memory_space<vmem>>, vector<16xf32>,
      %broadcast_in_dim3A_172 = arith.constant -4.000000e+00 : f32
      %broadcast_in_dim3A_173 = vector.broadcast %broadcast_in_dim3A_172 : f32 to vector<16xf32>
      %swap3A_174 = arith.constant 1 : i32
      %swap3A_175 = arith.index_cast %swap3A_174 : i32 to index
      %swap3A_176 = arith.constant 80 : index
      %swap3A_177 = tpu.vector_load %arg13[%swap3A_175, %swap3A_176] {strides = array<i32>} : memref<4x128xf32, #tpu.memory_space<vmem>>, vector<16xf32>,
      tpu.vector_store %arg13[%swap3A_175, %swap3A_176], %broadcast_in_dim3A_173 {strides = array<i32>} : memref<4x128xf32, #tpu.memory_space<vmem>>, vector<16xf32>,
      %broadcast_in_dim3A_178 = arith.constant -4.000000e+00 : f32
      %broadcast_in_dim3A_179 = vector.broadcast %broadcast_in_dim3A_178 : f32 to vector<16xf32>
      %swap3A_180 = arith.constant 2 : i32
      %swap3A_181 = arith.index_cast %swap3A_180 : i32 to index
      %swap3A_182 = arith.constant 80 : index
      %swap3A_183 = tpu.vector_load %arg13[%swap3A_181, %swap3A_182] {strides = array<i32>} : memref<4x128xf32, #tpu.memory_space<vmem>>, vector<16xf32>,
      tpu.vector_store %arg13[%swap3A_181, %swap3A_182], %broadcast_in_dim3A_179 {strides = array<i32>} : memref<4x128xf32, #tpu.memory_space<vmem>>, vector<16xf32>,
      %broadcast_in_dim3A_184 = arith.constant -4.000000e+00 : f32
      %broadcast_in_dim3A_185 = vector.broadcast %broadcast_in_dim3A_184 : f32 to vector<16xf32>
      %swap3A_186 = arith.constant 3 : i32
      %swap3A_187 = arith.index_cast %swap3A_186 : i32 to index
      %swap3A_188 = arith.constant 80 : index
      %swap3A_189 = tpu.vector_load %arg13[%swap3A_187, %swap3A_188] {strides = array<i32>} : memref<4x128xf32, #tpu.memory_space<vmem>>, vector<16xf32>,
      tpu.vector_store %arg13[%swap3A_187, %swap3A_188], %broadcast_in_dim3A_185 {strides = array<i32>} : memref<4x128xf32, #tpu.memory_space<vmem>>, vector<16xf32>,
      %broadcast_in_dim3A_190 = arith.constant -1.000000e+09 : f32
      %broadcast_in_dim3A_191 = vector.broadcast %broadcast_in_dim3A_190 : f32 to vector<16xf32>
      %swap3A_192 = arith.constant 80 : index
      %swap3A_193 = tpu.vector_load %arg12[%swap3A_192] {strides = array<i32>} : memref<128xf32, #tpu.memory_space<vmem>>, vector<16xf32>,
      tpu.vector_store %arg12[%swap3A_192], %broadcast_in_dim3A_191 {strides = array<i32>} : memref<128xf32, #tpu.memory_space<vmem>>, vector<16xf32>,
      %broadcast_in_dim3A_194 = arith.constant -4.000000e+00 : f32
      %broadcast_in_dim3A_195 = vector.broadcast %broadcast_in_dim3A_194 : f32 to vector<16xf32>
      %swap3A_196 = arith.constant 0 : i32
      %swap3A_197 = arith.index_cast %swap3A_196 : i32 to index
      %swap3A_198 = arith.constant 96 : index
      %swap3A_199 = tpu.vector_load %arg13[%swap3A_197, %swap3A_198] {strides = array<i32>} : memref<4x128xf32, #tpu.memory_space<vmem>>, vector<16xf32>,
      tpu.vector_store %arg13[%swap3A_197, %swap3A_198], %broadcast_in_dim3A_195 {strides = array<i32>} : memref<4x128xf32, #tpu.memory_space<vmem>>, vector<16xf32>,
      %broadcast_in_dim3A_200 = arith.constant -4.000000e+00 : f32
      %broadcast_in_dim3A_201 = vector.broadcast %broadcast_in_dim3A_200 : f32 to vector<16xf32>
      %swap3A_202 = arith.constant 1 : i32
      %swap3A_203 = arith.index_cast %swap3A_202 : i32 to index
      %swap3A_204 = arith.constant 96 : index
      %swap3A_205 = tpu.vector_load %arg13[%swap3A_203, %swap3A_204] {strides = array<i32>} : memref<4x128xf32, #tpu.memory_space<vmem>>, vector<16xf32>,
      tpu.vector_store %arg13[%swap3A_203, %swap3A_204], %broadcast_in_dim3A_201 {strides = array<i32>} : memref<4x128xf32, #tpu.memory_space<vmem>>, vector<16xf32>,
      %broadcast_in_dim3A_206 = arith.constant -4.000000e+00 : f32
      %broadcast_in_dim3A_207 = vector.broadcast %broadcast_in_dim3A_206 : f32 to vector<16xf32>
      %swap3A_208 = arith.constant 2 : i32
      %swap3A_209 = arith.index_cast %swap3A_208 : i32 to index
      %swap3A_210 = arith.constant 96 : index
      %swap3A_211 = tpu.vector_load %arg13[%swap3A_209, %swap3A_210] {strides = array<i32>} : memref<4x128xf32, #tpu.memory_space<vmem>>, vector<16xf32>,
      tpu.vector_store %arg13[%swap3A_209, %swap3A_210], %broadcast_in_dim3A_207 {strides = array<i32>} : memref<4x128xf32, #tpu.memory_space<vmem>>, vector<16xf32>,
      %broadcast_in_dim3A_212 = arith.constant -4.000000e+00 : f32
      %broadcast_in_dim3A_213 = vector.broadcast %broadcast_in_dim3A_212 : f32 to vector<16xf32>
      %swap3A_214 = arith.constant 3 : i32
      %swap3A_215 = arith.index_cast %swap3A_214 : i32 to index
      %swap3A_216 = arith.constant 96 : index
      %swap3A_217 = tpu.vector_load %arg13[%swap3A_215, %swap3A_216] {strides = array<i32>} : memref<4x128xf32, #tpu.memory_space<vmem>>, vector<16xf32>,
      tpu.vector_store %arg13[%swap3A_215, %swap3A_216], %broadcast_in_dim3A_213 {strides = array<i32>} : memref<4x128xf32, #tpu.memory_space<vmem>>, vector<16xf32>,
      %broadcast_in_dim3A_218 = arith.constant -1.000000e+09 : f32
      %broadcast_in_dim3A_219 = vector.broadcast %broadcast_in_dim3A_218 : f32 to vector<16xf32>
      %swap3A_220 = arith.constant 96 : index
      %swap3A_221 = tpu.vector_load %arg12[%swap3A_220] {strides = array<i32>} : memref<128xf32, #tpu.memory_space<vmem>>, vector<16xf32>,
      tpu.vector_store %arg12[%swap3A_220], %broadcast_in_dim3A_219 {strides = array<i32>} : memref<128xf32, #tpu.memory_space<vmem>>, vector<16xf32>,
      %broadcast_in_dim3A_222 = arith.constant -4.000000e+00 : f32
      %broadcast_in_dim3A_223 = vector.broadcast %broadcast_in_dim3A_222 : f32 to vector<16xf32>
      %swap3A_224 = arith.constant 0 : i32
      %swap3A_225 = arith.index_cast %swap3A_224 : i32 to index
      %swap3A_226 = arith.constant 112 : index
      %swap3A_227 = tpu.vector_load %arg13[%swap3A_225, %swap3A_226] {strides = array<i32>} : memref<4x128xf32, #tpu.memory_space<vmem>>, vector<16xf32>,
      tpu.vector_store %arg13[%swap3A_225, %swap3A_226], %broadcast_in_dim3A_223 {strides = array<i32>} : memref<4x128xf32, #tpu.memory_space<vmem>>, vector<16xf32>,
      %broadcast_in_dim3A_228 = arith.constant -4.000000e+00 : f32
      %broadcast_in_dim3A_229 = vector.broadcast %broadcast_in_dim3A_228 : f32 to vector<16xf32>
      %swap3A_230 = arith.constant 1 : i32
      %swap3A_231 = arith.index_cast %swap3A_230 : i32 to index
      %swap3A_232 = arith.constant 112 : index
      %swap3A_233 = tpu.vector_load %arg13[%swap3A_231, %swap3A_232] {strides = array<i32>} : memref<4x128xf32, #tpu.memory_space<vmem>>, vector<16xf32>,
      tpu.vector_store %arg13[%swap3A_231, %swap3A_232], %broadcast_in_dim3A_229 {strides = array<i32>} : memref<4x128xf32, #tpu.memory_space<vmem>>, vector<16xf32>,
      %broadcast_in_dim3A_234 = arith.constant -4.000000e+00 : f32
      %broadcast_in_dim3A_235 = vector.broadcast %broadcast_in_dim3A_234 : f32 to vector<16xf32>
      %swap3A_236 = arith.constant 2 : i32
      %swap3A_237 = arith.index_cast %swap3A_236 : i32 to index
      %swap3A_238 = arith.constant 112 : index
      %swap3A_239 = tpu.vector_load %arg13[%swap3A_237, %swap3A_238] {strides = array<i32>} : memref<4x128xf32, #tpu.memory_space<vmem>>, vector<16xf32>,
      tpu.vector_store %arg13[%swap3A_237, %swap3A_238], %broadcast_in_dim3A_235 {strides = array<i32>} : memref<4x128xf32, #tpu.memory_space<vmem>>, vector<16xf32>,
      %broadcast_in_dim3A_240 = arith.constant -4.000000e+00 : f32
      %broadcast_in_dim3A_241 = vector.broadcast %broadcast_in_dim3A_240 : f32 to vector<16xf32>
      %swap3A_242 = arith.constant 3 : i32
      %swap3A_243 = arith.index_cast %swap3A_242 : i32 to index
      %swap3A_244 = arith.constant 112 : index
      %swap3A_245 = tpu.vector_load %arg13[%swap3A_243, %swap3A_244] {strides = array<i32>} : memref<4x128xf32, #tpu.memory_space<vmem>>, vector<16xf32>,
      tpu.vector_store %arg13[%swap3A_243, %swap3A_244], %broadcast_in_dim3A_241 {strides = array<i32>} : memref<4x128xf32, #tpu.memory_space<vmem>>, vector<16xf32>,
      %broadcast_in_dim3A_246 = arith.constant -1.000000e+09 : f32
      %broadcast_in_dim3A_247 = vector.broadcast %broadcast_in_dim3A_246 : f32 to vector<16xf32>
      %swap3A_248 = arith.constant 112 : index
      %swap3A_249 = tpu.vector_load %arg12[%swap3A_248] {strides = array<i32>} : memref<128xf32, #tpu.memory_space<vmem>>, vector<16xf32>,
      tpu.vector_store %arg12[%swap3A_248], %broadcast_in_dim3A_247 {strides = array<i32>} : memref<128xf32, #tpu.memory_space<vmem>>, vector<16xf32>,
      %dma_wait3A = arith.constant 0 : i32
      %dma_wait3A_250 = tpu.memref_slice %arg2[%add3A_14, %dma_wait3A] : memref<16x20480xf32, #tpu.memory_space<hbm>> -> memref<1x20480xf32, #tpu.memory_space<hbm>>
      %dma_wait3A_251 = tpu.memref_squeeze %dma_wait3A_250 : memref<1x20480xf32, #tpu.memory_space<hbm>> -> memref<20480xf32, #tpu.memory_space<hbm>>
      %dma_wait3A_252 = arith.constant 0 : i32
      %dma_wait3A_253 = tpu.memref_slice %arg2[%add3A_14, %dma_wait3A_252] : memref<16x20480xf32, #tpu.memory_space<hbm>> -> memref<1x20480xf32, #tpu.memory_space<hbm>>
      %dma_wait3A_254 = tpu.memref_squeeze %dma_wait3A_253 : memref<1x20480xf32, #tpu.memory_space<hbm>> -> memref<20480xf32, #tpu.memory_space<hbm>>
      tpu.wait_dma2 semaphore(%arg23 : memref<!tpu.dma_semaphore, #tpu.memory_space<semaphore_mem>>) src(%dma_wait3A_254 : memref<20480xf32, #tpu.memory_space<hbm>>) dst(%arg7 : memref<20480xf32, #tpu.memory_space<vmem>>)
      %scan3A = arith.constant 0 : i32
      %scan3A_255 = arith.constant 0 : i32
      %scan3A_256 = arith.constant 160 : i32
      %scan3A_257 = arith.addi %scan3A_255, %scan3A_256 : i32
      %scan3A_258 = arith.constant 1 : i32
      %scan3A_259 = scf.for %scan3A_344 = %scan3A_255 to %scan3A_257 step %scan3A_258 iter_args(%scan3A_345 = %scan3A) -> (i32)  : i32 {
        %mul3A_346 = arith.constant 8 : i32
        %mul3A_347 = arith.muli %scan3A_344, %mul3A_346 : i32
        %add3A_348 = arith.constant 0 : i32
        %add3A_349 = arith.addi %mul3A_347, %add3A_348 : i32
        %mul3A_350 = arith.constant 16 : i32
        %mul3A_351 = arith.muli %add3A_349, %mul3A_350 : i32
        %get3A_352 = arith.index_cast %mul3A_351 : i32 to index
        %get3A_353 = tpu.vector_load %arg7[%get3A_352] {strides = array<i32>} : memref<20480xf32, #tpu.memory_space<vmem>>, vector<16xf32>,
        %reduce_max3A_354 = arith.constant true
        %reduce_max3A_355 = vector.broadcast %reduce_max3A_354 : i1 to vector<16xi1>
        %reduce_max3A_356 = tpu.scan <max>, %get3A_353 masked %reduce_max3A_355 : vector<16xf32>, vector<16xi1> -> vector<16xf32>
        %reduce_max3A_357 = vector.extract %reduce_max3A_356[15] : f32 from vector<16xf32>
        %iota3A_358 = tpu.iota {dimensions = array<i32: 0>} : vector<16xi32>
        %lt3A_359 = arith.constant 1 : i32
        %lt3A_360 = vector.broadcast %lt3A_359 : i32 to vector<16xi32>
        %lt3A_361 = arith.cmpi slt, %iota3A_358, %lt3A_360 : vector<16xi32>
        %broadcast_in_dim3A_362 = vector.broadcast %add3A_349 : i32 to vector<16xi32>
        %broadcast_in_dim3A_363 = vector.broadcast %reduce_max3A_357 : f32 to vector<16xf32>
        tpu.vector_store_idx %arg9[%broadcast_in_dim3A_362], %broadcast_in_dim3A_363 masked %lt3A_361 : memref<1280xf32, #tpu.memory_space<vmem>>[vector<16xi32>], vector<16xf32>, vector<16xi1>
        %mul3A_364 = arith.constant 8 : i32
        %mul3A_365 = arith.muli %scan3A_344, %mul3A_364 : i32
        %add3A_366 = arith.constant 1 : i32
        %add3A_367 = arith.addi %mul3A_365, %add3A_366 : i32
        %mul3A_368 = arith.constant 16 : i32
        %mul3A_369 = arith.muli %add3A_367, %mul3A_368 : i32
        %get3A_370 = arith.index_cast %mul3A_369 : i32 to index
        %get3A_371 = tpu.vector_load %arg7[%get3A_370] {strides = array<i32>} : memref<20480xf32, #tpu.memory_space<vmem>>, vector<16xf32>,
        %reduce_max3A_372 = arith.constant true
        %reduce_max3A_373 = vector.broadcast %reduce_max3A_372 : i1 to vector<16xi1>
        %reduce_max3A_374 = tpu.scan <max>, %get3A_371 masked %reduce_max3A_373 : vector<16xf32>, vector<16xi1> -> vector<16xf32>
        %reduce_max3A_375 = vector.extract %reduce_max3A_374[15] : f32 from vector<16xf32>
        %iota3A_376 = tpu.iota {dimensions = array<i32: 0>} : vector<16xi32>
        %lt3A_377 = arith.constant 1 : i32
        %lt3A_378 = vector.broadcast %lt3A_377 : i32 to vector<16xi32>
        %lt3A_379 = arith.cmpi slt, %iota3A_376, %lt3A_378 : vector<16xi32>
        %broadcast_in_dim3A_380 = vector.broadcast %add3A_367 : i32 to vector<16xi32>
        %broadcast_in_dim3A_381 = vector.broadcast %reduce_max3A_375 : f32 to vector<16xf32>
        tpu.vector_store_idx %arg9[%broadcast_in_dim3A_380], %broadcast_in_dim3A_381 masked %lt3A_379 : memref<1280xf32, #tpu.memory_space<vmem>>[vector<16xi32>], vector<16xf32>, vector<16xi1>
        %mul3A_382 = arith.constant 8 : i32
        %mul3A_383 = arith.muli %scan3A_344, %mul3A_382 : i32
        %add3A_384 = arith.constant 2 : i32
        %add3A_385 = arith.addi %mul3A_383, %add3A_384 : i32
        %mul3A_386 = arith.constant 16 : i32
        %mul3A_387 = arith.muli %add3A_385, %mul3A_386 : i32
        %get3A_388 = arith.index_cast %mul3A_387 : i32 to index
        %get3A_389 = tpu.vector_load %arg7[%get3A_388] {strides = array<i32>} : memref<20480xf32, #tpu.memory_space<vmem>>, vector<16xf32>,
        %reduce_max3A_390 = arith.constant true
        %reduce_max3A_391 = vector.broadcast %reduce_max3A_390 : i1 to vector<16xi1>
        %reduce_max3A_392 = tpu.scan <max>, %get3A_389 masked %reduce_max3A_391 : vector<16xf32>, vector<16xi1> -> vector<16xf32>
        %reduce_max3A_393 = vector.extract %reduce_max3A_392[15] : f32 from vector<16xf32>
        %iota3A_394 = tpu.iota {dimensions = array<i32: 0>} : vector<16xi32>
        %lt3A_395 = arith.constant 1 : i32
        %lt3A_396 = vector.broadcast %lt3A_395 : i32 to vector<16xi32>
        %lt3A_397 = arith.cmpi slt, %iota3A_394, %lt3A_396 : vector<16xi32>
        %broadcast_in_dim3A_398 = vector.broadcast %add3A_385 : i32 to vector<16xi32>
        %broadcast_in_dim3A_399 = vector.broadcast %reduce_max3A_393 : f32 to vector<16xf32>
        tpu.vector_store_idx %arg9[%broadcast_in_dim3A_398], %broadcast_in_dim3A_399 masked %lt3A_397 : memref<1280xf32, #tpu.memory_space<vmem>>[vector<16xi32>], vector<16xf32>, vector<16xi1>
        %mul3A_400 = arith.constant 8 : i32
        %mul3A_401 = arith.muli %scan3A_344, %mul3A_400 : i32
        %add3A_402 = arith.constant 3 : i32
        %add3A_403 = arith.addi %mul3A_401, %add3A_402 : i32
        %mul3A_404 = arith.constant 16 : i32
        %mul3A_405 = arith.muli %add3A_403, %mul3A_404 : i32
        %get3A_406 = arith.index_cast %mul3A_405 : i32 to index
        %get3A_407 = tpu.vector_load %arg7[%get3A_406] {strides = array<i32>} : memref<20480xf32, #tpu.memory_space<vmem>>, vector<16xf32>,
        %reduce_max3A_408 = arith.constant true
        %reduce_max3A_409 = vector.broadcast %reduce_max3A_408 : i1 to vector<16xi1>
        %reduce_max3A_410 = tpu.scan <max>, %get3A_407 masked %reduce_max3A_409 : vector<16xf32>, vector<16xi1> -> vector<16xf32>
        %reduce_max3A_411 = vector.extract %reduce_max3A_410[15] : f32 from vector<16xf32>
        %iota3A_412 = tpu.iota {dimensions = array<i32: 0>} : vector<16xi32>
        %lt3A_413 = arith.constant 1 : i32
        %lt3A_414 = vector.broadcast %lt3A_413 : i32 to vector<16xi32>
        %lt3A_415 = arith.cmpi slt, %iota3A_412, %lt3A_414 : vector<16xi32>
        %broadcast_in_dim3A_416 = vector.broadcast %add3A_403 : i32 to vector<16xi32>
        %broadcast_in_dim3A_417 = vector.broadcast %reduce_max3A_411 : f32 to vector<16xf32>
        tpu.vector_store_idx %arg9[%broadcast_in_dim3A_416], %broadcast_in_dim3A_417 masked %lt3A_415 : memref<1280xf32, #tpu.memory_space<vmem>>[vector<16xi32>], vector<16xf32>, vector<16xi1>
        %mul3A_418 = arith.constant 8 : i32
        %mul3A_419 = arith.muli %scan3A_344, %mul3A_418 : i32
        %add3A_420 = arith.constant 4 : i32
        %add3A_421 = arith.addi %mul3A_419, %add3A_420 : i32
        %mul3A_422 = arith.constant 16 : i32
        %mul3A_423 = arith.muli %add3A_421, %mul3A_422 : i32
        %get3A_424 = arith.index_cast %mul3A_423 : i32 to index
        %get3A_425 = tpu.vector_load %arg7[%get3A_424] {strides = array<i32>} : memref<20480xf32, #tpu.memory_space<vmem>>, vector<16xf32>,
        %reduce_max3A_426 = arith.constant true
        %reduce_max3A_427 = vector.broadcast %reduce_max3A_426 : i1 to vector<16xi1>
        %reduce_max3A_428 = tpu.scan <max>, %get3A_425 masked %reduce_max3A_427 : vector<16xf32>, vector<16xi1> -> vector<16xf32>
        %reduce_max3A_429 = vector.extract %reduce_max3A_428[15] : f32 from vector<16xf32>
        %iota3A_430 = tpu.iota {dimensions = array<i32: 0>} : vector<16xi32>
        %lt3A_431 = arith.constant 1 : i32
        %lt3A_432 = vector.broadcast %lt3A_431 : i32 to vector<16xi32>
        %lt3A_433 = arith.cmpi slt, %iota3A_430, %lt3A_432 : vector<16xi32>
        %broadcast_in_dim3A_434 = vector.broadcast %add3A_421 : i32 to vector<16xi32>
        %broadcast_in_dim3A_435 = vector.broadcast %reduce_max3A_429 : f32 to vector<16xf32>
        tpu.vector_store_idx %arg9[%broadcast_in_dim3A_434], %broadcast_in_dim3A_435 masked %lt3A_433 : memref<1280xf32, #tpu.memory_space<vmem>>[vector<16xi32>], vector<16xf32>, vector<16xi1>
        %mul3A_436 = arith.constant 8 : i32
        %mul3A_437 = arith.muli %scan3A_344, %mul3A_436 : i32
        %add3A_438 = arith.constant 5 : i32
        %add3A_439 = arith.addi %mul3A_437, %add3A_438 : i32
        %mul3A_440 = arith.constant 16 : i32
        %mul3A_441 = arith.muli %add3A_439, %mul3A_440 : i32
        %get3A_442 = arith.index_cast %mul3A_441 : i32 to index
        %get3A_443 = tpu.vector_load %arg7[%get3A_442] {strides = array<i32>} : memref<20480xf32, #tpu.memory_space<vmem>>, vector<16xf32>,
        %reduce_max3A_444 = arith.constant true
        %reduce_max3A_445 = vector.broadcast %reduce_max3A_444 : i1 to vector<16xi1>
        %reduce_max3A_446 = tpu.scan <max>, %get3A_443 masked %reduce_max3A_445 : vector<16xf32>, vector<16xi1> -> vector<16xf32>
        %reduce_max3A_447 = vector.extract %reduce_max3A_446[15] : f32 from vector<16xf32>
        %iota3A_448 = tpu.iota {dimensions = array<i32: 0>} : vector<16xi32>
        %lt3A_449 = arith.constant 1 : i32
        %lt3A_450 = vector.broadcast %lt3A_449 : i32 to vector<16xi32>
        %lt3A_451 = arith.cmpi slt, %iota3A_448, %lt3A_450 : vector<16xi32>
        %broadcast_in_dim3A_452 = vector.broadcast %add3A_439 : i32 to vector<16xi32>
        %broadcast_in_dim3A_453 = vector.broadcast %reduce_max3A_447 : f32 to vector<16xf32>
        tpu.vector_store_idx %arg9[%broadcast_in_dim3A_452], %broadcast_in_dim3A_453 masked %lt3A_451 : memref<1280xf32, #tpu.memory_space<vmem>>[vector<16xi32>], vector<16xf32>, vector<16xi1>
        %mul3A_454 = arith.constant 8 : i32
        %mul3A_455 = arith.muli %scan3A_344, %mul3A_454 : i32
        %add3A_456 = arith.constant 6 : i32
        %add3A_457 = arith.addi %mul3A_455, %add3A_456 : i32
        %mul3A_458 = arith.constant 16 : i32
        %mul3A_459 = arith.muli %add3A_457, %mul3A_458 : i32
        %get3A_460 = arith.index_cast %mul3A_459 : i32 to index
        %get3A_461 = tpu.vector_load %arg7[%get3A_460] {strides = array<i32>} : memref<20480xf32, #tpu.memory_space<vmem>>, vector<16xf32>,
        %reduce_max3A_462 = arith.constant true
        %reduce_max3A_463 = vector.broadcast %reduce_max3A_462 : i1 to vector<16xi1>
        %reduce_max3A_464 = tpu.scan <max>, %get3A_461 masked %reduce_max3A_463 : vector<16xf32>, vector<16xi1> -> vector<16xf32>
        %reduce_max3A_465 = vector.extract %reduce_max3A_464[15] : f32 from vector<16xf32>
        %iota3A_466 = tpu.iota {dimensions = array<i32: 0>} : vector<16xi32>
        %lt3A_467 = arith.constant 1 : i32
        %lt3A_468 = vector.broadcast %lt3A_467 : i32 to vector<16xi32>
        %lt3A_469 = arith.cmpi slt, %iota3A_466, %lt3A_468 : vector<16xi32>
        %broadcast_in_dim3A_470 = vector.broadcast %add3A_457 : i32 to vector<16xi32>
        %broadcast_in_dim3A_471 = vector.broadcast %reduce_max3A_465 : f32 to vector<16xf32>
        tpu.vector_store_idx %arg9[%broadcast_in_dim3A_470], %broadcast_in_dim3A_471 masked %lt3A_469 : memref<1280xf32, #tpu.memory_space<vmem>>[vector<16xi32>], vector<16xf32>, vector<16xi1>
        %mul3A_472 = arith.constant 8 : i32
        %mul3A_473 = arith.muli %scan3A_344, %mul3A_472 : i32
        %add3A_474 = arith.constant 7 : i32
        %add3A_475 = arith.addi %mul3A_473, %add3A_474 : i32
        %mul3A_476 = arith.constant 16 : i32
        %mul3A_477 = arith.muli %add3A_475, %mul3A_476 : i32
        %get3A_478 = arith.index_cast %mul3A_477 : i32 to index
        %get3A_479 = tpu.vector_load %arg7[%get3A_478] {strides = array<i32>} : memref<20480xf32, #tpu.memory_space<vmem>>, vector<16xf32>,
        %reduce_max3A_480 = arith.constant true
        %reduce_max3A_481 = vector.broadcast %reduce_max3A_480 : i1 to vector<16xi1>
        %reduce_max3A_482 = tpu.scan <max>, %get3A_479 masked %reduce_max3A_481 : vector<16xf32>, vector<16xi1> -> vector<16xf32>
        %reduce_max3A_483 = vector.extract %reduce_max3A_482[15] : f32 from vector<16xf32>
        %iota3A_484 = tpu.iota {dimensions = array<i32: 0>} : vector<16xi32>
        %lt3A_485 = arith.constant 1 : i32
        %lt3A_486 = vector.broadcast %lt3A_485 : i32 to vector<16xi32>
        %lt3A_487 = arith.cmpi slt, %iota3A_484, %lt3A_486 : vector<16xi32>
        %broadcast_in_dim3A_488 = vector.broadcast %add3A_475 : i32 to vector<16xi32>
        %broadcast_in_dim3A_489 = vector.broadcast %reduce_max3A_483 : f32 to vector<16xf32>
        tpu.vector_store_idx %arg9[%broadcast_in_dim3A_488], %broadcast_in_dim3A_489 masked %lt3A_487 : memref<1280xf32, #tpu.memory_space<vmem>>[vector<16xi32>], vector<16xf32>, vector<16xi1>
        %scan3A_490 = arith.constant 0 : i32
        scf.yield %scan3A_490 : i32
      }
      %scan3A_260 = arith.constant 160 : i32
      %scan3A_261 = arith.constant 0 : i32
      %scan3A_262 = arith.constant 0 : i32
      %scan3A_263 = arith.constant 10 : i32
      %scan3A_264 = arith.addi %scan3A_262, %scan3A_263 : i32
      %scan3A_265 = arith.constant 1 : i32
      %scan3A_266 = scf.for %scan3A_344 = %scan3A_262 to %scan3A_264 step %scan3A_265 iter_args(%scan3A_345 = %scan3A_261) -> (i32)  : i32 {
        %mul3A_346 = arith.constant 8 : i32
        %mul3A_347 = arith.muli %scan3A_344, %mul3A_346 : i32
        %add3A_348 = arith.constant 0 : i32
        %add3A_349 = arith.addi %mul3A_347, %add3A_348 : i32
        %mul3A_350 = arith.constant 16 : i32
        %mul3A_351 = arith.muli %add3A_349, %mul3A_350 : i32
        %get3A_352 = arith.index_cast %mul3A_351 : i32 to index
        %get3A_353 = tpu.vector_load %arg9[%get3A_352] {strides = array<i32>} : memref<1280xf32, #tpu.memory_space<vmem>>, vector<16xf32>,
        %reduce_max3A_354 = arith.constant true
        %reduce_max3A_355 = vector.broadcast %reduce_max3A_354 : i1 to vector<16xi1>
        %reduce_max3A_356 = tpu.scan <max>, %get3A_353 masked %reduce_max3A_355 : vector<16xf32>, vector<16xi1> -> vector<16xf32>
        %reduce_max3A_357 = vector.extract %reduce_max3A_356[15] : f32 from vector<16xf32>
        %iota3A_358 = tpu.iota {dimensions = array<i32: 0>} : vector<16xi32>
        %lt3A_359 = arith.constant 1 : i32
        %lt3A_360 = vector.broadcast %lt3A_359 : i32 to vector<16xi32>
        %lt3A_361 = arith.cmpi slt, %iota3A_358, %lt3A_360 : vector<16xi32>
        %broadcast_in_dim3A_362 = vector.broadcast %add3A_349 : i32 to vector<16xi32>
        %broadcast_in_dim3A_363 = vector.broadcast %reduce_max3A_357 : f32 to vector<16xf32>
        tpu.vector_store_idx %arg10[%broadcast_in_dim3A_362], %broadcast_in_dim3A_363 masked %lt3A_361 : memref<80xf32, #tpu.memory_space<vmem>>[vector<16xi32>], vector<16xf32>, vector<16xi1>
        %mul3A_364 = arith.constant 8 : i32
        %mul3A_365 = arith.muli %scan3A_344, %mul3A_364 : i32
        %add3A_366 = arith.constant 1 : i32
        %add3A_367 = arith.addi %mul3A_365, %add3A_366 : i32
        %mul3A_368 = arith.constant 16 : i32
        %mul3A_369 = arith.muli %add3A_367, %mul3A_368 : i32
        %get3A_370 = arith.index_cast %mul3A_369 : i32 to index
        %get3A_371 = tpu.vector_load %arg9[%get3A_370] {strides = array<i32>} : memref<1280xf32, #tpu.memory_space<vmem>>, vector<16xf32>,
        %reduce_max3A_372 = arith.constant true
        %reduce_max3A_373 = vector.broadcast %reduce_max3A_372 : i1 to vector<16xi1>
        %reduce_max3A_374 = tpu.scan <max>, %get3A_371 masked %reduce_max3A_373 : vector<16xf32>, vector<16xi1> -> vector<16xf32>
        %reduce_max3A_375 = vector.extract %reduce_max3A_374[15] : f32 from vector<16xf32>
        %iota3A_376 = tpu.iota {dimensions = array<i32: 0>} : vector<16xi32>
        %lt3A_377 = arith.constant 1 : i32
        %lt3A_378 = vector.broadcast %lt3A_377 : i32 to vector<16xi32>
        %lt3A_379 = arith.cmpi slt, %iota3A_376, %lt3A_378 : vector<16xi32>
        %broadcast_in_dim3A_380 = vector.broadcast %add3A_367 : i32 to vector<16xi32>
        %broadcast_in_dim3A_381 = vector.broadcast %reduce_max3A_375 : f32 to vector<16xf32>
        tpu.vector_store_idx %arg10[%broadcast_in_dim3A_380], %broadcast_in_dim3A_381 masked %lt3A_379 : memref<80xf32, #tpu.memory_space<vmem>>[vector<16xi32>], vector<16xf32>, vector<16xi1>
        %mul3A_382 = arith.constant 8 : i32
        %mul3A_383 = arith.muli %scan3A_344, %mul3A_382 : i32
        %add3A_384 = arith.constant 2 : i32
        %add3A_385 = arith.addi %mul3A_383, %add3A_384 : i32
        %mul3A_386 = arith.constant 16 : i32
        %mul3A_387 = arith.muli %add3A_385, %mul3A_386 : i32
        %get3A_388 = arith.index_cast %mul3A_387 : i32 to index
        %get3A_389 = tpu.vector_load %arg9[%get3A_388] {strides = array<i32>} : memref<1280xf32, #tpu.memory_space<vmem>>, vector<16xf32>,
        %reduce_max3A_390 = arith.constant true
        %reduce_max3A_391 = vector.broadcast %reduce_max3A_390 : i1 to vector<16xi1>
        %reduce_max3A_392 = tpu.scan <max>, %get3A_389 masked %reduce_max3A_391 : vector<16xf32>, vector<16xi1> -> vector<16xf32>
        %reduce_max3A_393 = vector.extract %reduce_max3A_392[15] : f32 from vector<16xf32>
        %iota3A_394 = tpu.iota {dimensions = array<i32: 0>} : vector<16xi32>
        %lt3A_395 = arith.constant 1 : i32
        %lt3A_396 = vector.broadcast %lt3A_395 : i32 to vector<16xi32>
        %lt3A_397 = arith.cmpi slt, %iota3A_394, %lt3A_396 : vector<16xi32>
        %broadcast_in_dim3A_398 = vector.broadcast %add3A_385 : i32 to vector<16xi32>
        %broadcast_in_dim3A_399 = vector.broadcast %reduce_max3A_393 : f32 to vector<16xf32>
        tpu.vector_store_idx %arg10[%broadcast_in_dim3A_398], %broadcast_in_dim3A_399 masked %lt3A_397 : memref<80xf32, #tpu.memory_space<vmem>>[vector<16xi32>], vector<16xf32>, vector<16xi1>
        %mul3A_400 = arith.constant 8 : i32
        %mul3A_401 = arith.muli %scan3A_344, %mul3A_400 : i32
        %add3A_402 = arith.constant 3 : i32
        %add3A_403 = arith.addi %mul3A_401, %add3A_402 : i32
        %mul3A_404 = arith.constant 16 : i32
        %mul3A_405 = arith.muli %add3A_403, %mul3A_404 : i32
        %get3A_406 = arith.index_cast %mul3A_405 : i32 to index
        %get3A_407 = tpu.vector_load %arg9[%get3A_406] {strides = array<i32>} : memref<1280xf32, #tpu.memory_space<vmem>>, vector<16xf32>,
        %reduce_max3A_408 = arith.constant true
        %reduce_max3A_409 = vector.broadcast %reduce_max3A_408 : i1 to vector<16xi1>
        %reduce_max3A_410 = tpu.scan <max>, %get3A_407 masked %reduce_max3A_409 : vector<16xf32>, vector<16xi1> -> vector<16xf32>
        %reduce_max3A_411 = vector.extract %reduce_max3A_410[15] : f32 from vector<16xf32>
        %iota3A_412 = tpu.iota {dimensions = array<i32: 0>} : vector<16xi32>
        %lt3A_413 = arith.constant 1 : i32
        %lt3A_414 = vector.broadcast %lt3A_413 : i32 to vector<16xi32>
        %lt3A_415 = arith.cmpi slt, %iota3A_412, %lt3A_414 : vector<16xi32>
        %broadcast_in_dim3A_416 = vector.broadcast %add3A_403 : i32 to vector<16xi32>
        %broadcast_in_dim3A_417 = vector.broadcast %reduce_max3A_411 : f32 to vector<16xf32>
        tpu.vector_store_idx %arg10[%broadcast_in_dim3A_416], %broadcast_in_dim3A_417 masked %lt3A_415 : memref<80xf32, #tpu.memory_space<vmem>>[vector<16xi32>], vector<16xf32>, vector<16xi1>
        %mul3A_418 = arith.constant 8 : i32
        %mul3A_419 = arith.muli %scan3A_344, %mul3A_418 : i32
        %add3A_420 = arith.constant 4 : i32
        %add3A_421 = arith.addi %mul3A_419, %add3A_420 : i32
        %mul3A_422 = arith.constant 16 : i32
        %mul3A_423 = arith.muli %add3A_421, %mul3A_422 : i32
        %get3A_424 = arith.index_cast %mul3A_423 : i32 to index
        %get3A_425 = tpu.vector_load %arg9[%get3A_424] {strides = array<i32>} : memref<1280xf32, #tpu.memory_space<vmem>>, vector<16xf32>,
        %reduce_max3A_426 = arith.constant true
        %reduce_max3A_427 = vector.broadcast %reduce_max3A_426 : i1 to vector<16xi1>
        %reduce_max3A_428 = tpu.scan <max>, %get3A_425 masked %reduce_max3A_427 : vector<16xf32>, vector<16xi1> -> vector<16xf32>
        %reduce_max3A_429 = vector.extract %reduce_max3A_428[15] : f32 from vector<16xf32>
        %iota3A_430 = tpu.iota {dimensions = array<i32: 0>} : vector<16xi32>
        %lt3A_431 = arith.constant 1 : i32
        %lt3A_432 = vector.broadcast %lt3A_431 : i32 to vector<16xi32>
        %lt3A_433 = arith.cmpi slt, %iota3A_430, %lt3A_432 : vector<16xi32>
        %broadcast_in_dim3A_434 = vector.broadcast %add3A_421 : i32 to vector<16xi32>
        %broadcast_in_dim3A_435 = vector.broadcast %reduce_max3A_429 : f32 to vector<16xf32>
        tpu.vector_store_idx %arg10[%broadcast_in_dim3A_434], %broadcast_in_dim3A_435 masked %lt3A_433 : memref<80xf32, #tpu.memory_space<vmem>>[vector<16xi32>], vector<16xf32>, vector<16xi1>
        %mul3A_436 = arith.constant 8 : i32
        %mul3A_437 = arith.muli %scan3A_344, %mul3A_436 : i32
        %add3A_438 = arith.constant 5 : i32
        %add3A_439 = arith.addi %mul3A_437, %add3A_438 : i32
        %mul3A_440 = arith.constant 16 : i32
        %mul3A_441 = arith.muli %add3A_439, %mul3A_440 : i32
        %get3A_442 = arith.index_cast %mul3A_441 : i32 to index
        %get3A_443 = tpu.vector_load %arg9[%get3A_442] {strides = array<i32>} : memref<1280xf32, #tpu.memory_space<vmem>>, vector<16xf32>,
        %reduce_max3A_444 = arith.constant true
        %reduce_max3A_445 = vector.broadcast %reduce_max3A_444 : i1 to vector<16xi1>
        %reduce_max3A_446 = tpu.scan <max>, %get3A_443 masked %reduce_max3A_445 : vector<16xf32>, vector<16xi1> -> vector<16xf32>
        %reduce_max3A_447 = vector.extract %reduce_max3A_446[15] : f32 from vector<16xf32>
        %iota3A_448 = tpu.iota {dimensions = array<i32: 0>} : vector<16xi32>
        %lt3A_449 = arith.constant 1 : i32
        %lt3A_450 = vector.broadcast %lt3A_449 : i32 to vector<16xi32>
        %lt3A_451 = arith.cmpi slt, %iota3A_448, %lt3A_450 : vector<16xi32>
        %broadcast_in_dim3A_452 = vector.broadcast %add3A_439 : i32 to vector<16xi32>
        %broadcast_in_dim3A_453 = vector.broadcast %reduce_max3A_447 : f32 to vector<16xf32>
        tpu.vector_store_idx %arg10[%broadcast_in_dim3A_452], %broadcast_in_dim3A_453 masked %lt3A_451 : memref<80xf32, #tpu.memory_space<vmem>>[vector<16xi32>], vector<16xf32>, vector<16xi1>
        %mul3A_454 = arith.constant 8 : i32
        %mul3A_455 = arith.muli %scan3A_344, %mul3A_454 : i32
        %add3A_456 = arith.constant 6 : i32
        %add3A_457 = arith.addi %mul3A_455, %add3A_456 : i32
        %mul3A_458 = arith.constant 16 : i32
        %mul3A_459 = arith.muli %add3A_457, %mul3A_458 : i32
        %get3A_460 = arith.index_cast %mul3A_459 : i32 to index
        %get3A_461 = tpu.vector_load %arg9[%get3A_460] {strides = array<i32>} : memref<1280xf32, #tpu.memory_space<vmem>>, vector<16xf32>,
        %reduce_max3A_462 = arith.constant true
        %reduce_max3A_463 = vector.broadcast %reduce_max3A_462 : i1 to vector<16xi1>
        %reduce_max3A_464 = tpu.scan <max>, %get3A_461 masked %reduce_max3A_463 : vector<16xf32>, vector<16xi1> -> vector<16xf32>
        %reduce_max3A_465 = vector.extract %reduce_max3A_464[15] : f32 from vector<16xf32>
        %iota3A_466 = tpu.iota {dimensions = array<i32: 0>} : vector<16xi32>
        %lt3A_467 = arith.constant 1 : i32
        %lt3A_468 = vector.broadcast %lt3A_467 : i32 to vector<16xi32>
        %lt3A_469 = arith.cmpi slt, %iota3A_466, %lt3A_468 : vector<16xi32>
        %broadcast_in_dim3A_470 = vector.broadcast %add3A_457 : i32 to vector<16xi32>
        %broadcast_in_dim3A_471 = vector.broadcast %reduce_max3A_465 : f32 to vector<16xf32>
        tpu.vector_store_idx %arg10[%broadcast_in_dim3A_470], %broadcast_in_dim3A_471 masked %lt3A_469 : memref<80xf32, #tpu.memory_space<vmem>>[vector<16xi32>], vector<16xf32>, vector<16xi1>
        %mul3A_472 = arith.constant 8 : i32
        %mul3A_473 = arith.muli %scan3A_344, %mul3A_472 : i32
        %add3A_474 = arith.constant 7 : i32
        %add3A_475 = arith.addi %mul3A_473, %add3A_474 : i32
        %mul3A_476 = arith.constant 16 : i32
        %mul3A_477 = arith.muli %add3A_475, %mul3A_476 : i32
        %get3A_478 = arith.index_cast %mul3A_477 : i32 to index
        %get3A_479 = tpu.vector_load %arg9[%get3A_478] {strides = array<i32>} : memref<1280xf32, #tpu.memory_space<vmem>>, vector<16xf32>,
        %reduce_max3A_480 = arith.constant true
        %reduce_max3A_481 = vector.broadcast %reduce_max3A_480 : i1 to vector<16xi1>
        %reduce_max3A_482 = tpu.scan <max>, %get3A_479 masked %reduce_max3A_481 : vector<16xf32>, vector<16xi1> -> vector<16xf32>
        %reduce_max3A_483 = vector.extract %reduce_max3A_482[15] : f32 from vector<16xf32>
        %iota3A_484 = tpu.iota {dimensions = array<i32: 0>} : vector<16xi32>
        %lt3A_485 = arith.constant 1 : i32
        %lt3A_486 = vector.broadcast %lt3A_485 : i32 to vector<16xi32>
        %lt3A_487 = arith.cmpi slt, %iota3A_484, %lt3A_486 : vector<16xi32>
        %broadcast_in_dim3A_488 = vector.broadcast %add3A_475 : i32 to vector<16xi32>
        %broadcast_in_dim3A_489 = vector.broadcast %reduce_max3A_483 : f32 to vector<16xf32>
        tpu.vector_store_idx %arg10[%broadcast_in_dim3A_488], %broadcast_in_dim3A_489 masked %lt3A_487 : memref<80xf32, #tpu.memory_space<vmem>>[vector<16xi32>], vector<16xf32>, vector<16xi1>
        %scan3A_490 = arith.constant 0 : i32
        scf.yield %scan3A_490 : i32
      }
      %scan3A_267 = arith.constant 10 : i32
      %broadcast_in_dim3A_268 = arith.constant -1.000000e+09 : f32
      %broadcast_in_dim3A_269 = vector.broadcast %broadcast_in_dim3A_268 : f32 to vector<16xf32>
      %swap3A_270 = arith.constant 0 : index
      %swap3A_271 = tpu.vector_load %arg11[%swap3A_270] {strides = array<i32>} : memref<16xf32, #tpu.memory_space<vmem>>, vector<16xf32>,
      tpu.vector_store %arg11[%swap3A_270], %broadcast_in_dim3A_269 {strides = array<i32>} : memref<16xf32, #tpu.memory_space<vmem>>, vector<16xf32>,
      %get3A = arith.constant 0 : index
      %get3A_272 = tpu.vector_load %arg10[%get3A] {strides = array<i32>} : memref<80xf32, #tpu.memory_space<vmem>>, vector<16xf32>,
      %reduce_max3A = arith.constant true
      %reduce_max3A_273 = vector.broadcast %reduce_max3A : i1 to vector<16xi1>
      %reduce_max3A_274 = tpu.scan <max>, %get3A_272 masked %reduce_max3A_273 : vector<16xf32>, vector<16xi1> -> vector<16xf32>
      %reduce_max3A_275 = vector.extract %reduce_max3A_274[15] : f32 from vector<16xf32>
      %iota3A = tpu.iota {dimensions = array<i32: 0>} : vector<16xi32>
      %lt3A_276 = arith.constant 1 : i32
      %lt3A_277 = vector.broadcast %lt3A_276 : i32 to vector<16xi32>
      %lt3A_278 = arith.cmpi slt, %iota3A, %lt3A_277 : vector<16xi32>
      %broadcast_in_dim3A_279 = arith.constant 0 : i32
      %broadcast_in_dim3A_280 = vector.broadcast %broadcast_in_dim3A_279 : i32 to vector<16xi32>
      %broadcast_in_dim3A_281 = vector.broadcast %reduce_max3A_275 : f32 to vector<16xf32>
      tpu.vector_store_idx %arg11[%broadcast_in_dim3A_280], %broadcast_in_dim3A_281 masked %lt3A_278 : memref<16xf32, #tpu.memory_space<vmem>>[vector<16xi32>], vector<16xf32>, vector<16xi1>
      %get3A_282 = arith.constant 16 : index
      %get3A_283 = tpu.vector_load %arg10[%get3A_282] {strides = array<i32>} : memref<80xf32, #tpu.memory_space<vmem>>, vector<16xf32>,
      %reduce_max3A_284 = arith.constant true
      %reduce_max3A_285 = vector.broadcast %reduce_max3A_284 : i1 to vector<16xi1>
      %reduce_max3A_286 = tpu.scan <max>, %get3A_283 masked %reduce_max3A_285 : vector<16xf32>, vector<16xi1> -> vector<16xf32>
      %reduce_max3A_287 = vector.extract %reduce_max3A_286[15] : f32 from vector<16xf32>
      %iota3A_288 = tpu.iota {dimensions = array<i32: 0>} : vector<16xi32>
      %lt3A_289 = arith.constant 1 : i32
      %lt3A_290 = vector.broadcast %lt3A_289 : i32 to vector<16xi32>
      %lt3A_291 = arith.cmpi slt, %iota3A_288, %lt3A_290 : vector<16xi32>
      %broadcast_in_dim3A_292 = arith.constant 1 : i32
      %broadcast_in_dim3A_293 = vector.broadcast %broadcast_in_dim3A_292 : i32 to vector<16xi32>
      %broadcast_in_dim3A_294 = vector.broadcast %reduce_max3A_287 : f32 to vector<16xf32>
      tpu.vector_store_idx %arg11[%broadcast_in_dim3A_293], %broadcast_in_dim3A_294 masked %lt3A_291 : memref<16xf32, #tpu.memory_space<vmem>>[vector<16xi32>], vector<16xf32>, vector<16xi1>
      %get3A_295 = arith.constant 32 : index
      %get3A_296 = tpu.vector_load %arg10[%get3A_295] {strides = array<i32>} : memref<80xf32, #tpu.memory_space<vmem>>, vector<16xf32>,
      %reduce_max3A_297 = arith.constant true
      %reduce_max3A_298 = vector.broadcast %reduce_max3A_297 : i1 to vector<16xi1>
      %reduce_max3A_299 = tpu.scan <max>, %get3A_296 masked %reduce_max3A_298 : vector<16xf32>, vector<16xi1> -> vector<16xf32>
      %reduce_max3A_300 = vector.extract %reduce_max3A_299[15] : f32 from vector<16xf32>
      %iota3A_301 = tpu.iota {dimensions = array<i32: 0>} : vector<16xi32>
      %lt3A_302 = arith.constant 1 : i32
      %lt3A_303 = vector.broadcast %lt3A_302 : i32 to vector<16xi32>
      %lt3A_304 = arith.cmpi slt, %iota3A_301, %lt3A_303 : vector<16xi32>
      %broadcast_in_dim3A_305 = arith.constant 2 : i32
      %broadcast_in_dim3A_306 = vector.broadcast %broadcast_in_dim3A_305 : i32 to vector<16xi32>
      %broadcast_in_dim3A_307 = vector.broadcast %reduce_max3A_300 : f32 to vector<16xf32>
      tpu.vector_store_idx %arg11[%broadcast_in_dim3A_306], %broadcast_in_dim3A_307 masked %lt3A_304 : memref<16xf32, #tpu.memory_space<vmem>>[vector<16xi32>], vector<16xf32>, vector<16xi1>
      %get3A_308 = arith.constant 48 : index
      %get3A_309 = tpu.vector_load %arg10[%get3A_308] {strides = array<i32>} : memref<80xf32, #tpu.memory_space<vmem>>, vector<16xf32>,
      %reduce_max3A_310 = arith.constant true
      %reduce_max3A_311 = vector.broadcast %reduce_max3A_310 : i1 to vector<16xi1>
      %reduce_max3A_312 = tpu.scan <max>, %get3A_309 masked %reduce_max3A_311 : vector<16xf32>, vector<16xi1> -> vector<16xf32>
      %reduce_max3A_313 = vector.extract %reduce_max3A_312[15] : f32 from vector<16xf32>
      %iota3A_314 = tpu.iota {dimensions = array<i32: 0>} : vector<16xi32>
      %lt3A_315 = arith.constant 1 : i32
      %lt3A_316 = vector.broadcast %lt3A_315 : i32 to vector<16xi32>
      %lt3A_317 = arith.cmpi slt, %iota3A_314, %lt3A_316 : vector<16xi32>
      %broadcast_in_dim3A_318 = arith.constant 3 : i32
      %broadcast_in_dim3A_319 = vector.broadcast %broadcast_in_dim3A_318 : i32 to vector<16xi32>
      %broadcast_in_dim3A_320 = vector.broadcast %reduce_max3A_313 : f32 to vector<16xf32>
      tpu.vector_store_idx %arg11[%broadcast_in_dim3A_319], %broadcast_in_dim3A_320 masked %lt3A_317 : memref<16xf32, #tpu.memory_space<vmem>>[vector<16xi32>], vector<16xf32>, vector<16xi1>
      %get3A_321 = arith.constant 64 : index
      %get3A_322 = tpu.vector_load %arg10[%get3A_321] {strides = array<i32>} : memref<80xf32, #tpu.memory_space<vmem>>, vector<16xf32>,
      %reduce_max3A_323 = arith.constant true
      %reduce_max3A_324 = vector.broadcast %reduce_max3A_323 : i1 to vector<16xi1>
      %reduce_max3A_325 = tpu.scan <max>, %get3A_322 masked %reduce_max3A_324 : vector<16xf32>, vector<16xi1> -> vector<16xf32>
      %reduce_max3A_326 = vector.extract %reduce_max3A_325[15] : f32 from vector<16xf32>
      %iota3A_327 = tpu.iota {dimensions = array<i32: 0>} : vector<16xi32>
      %lt3A_328 = arith.constant 1 : i32
      %lt3A_329 = vector.broadcast %lt3A_328 : i32 to vector<16xi32>
      %lt3A_330 = arith.cmpi slt, %iota3A_327, %lt3A_329 : vector<16xi32>
      %broadcast_in_dim3A_331 = arith.constant 4 : i32
      %broadcast_in_dim3A_332 = vector.broadcast %broadcast_in_dim3A_331 : i32 to vector<16xi32>
      %broadcast_in_dim3A_333 = vector.broadcast %reduce_max3A_326 : f32 to vector<16xf32>
      tpu.vector_store_idx %arg11[%broadcast_in_dim3A_332], %broadcast_in_dim3A_333 masked %lt3A_330 : memref<16xf32, #tpu.memory_space<vmem>>[vector<16xi32>], vector<16xf32>, vector<16xi1>
      %dma_wait3A_334 = arith.constant 0 : i32
      %dma_wait3A_335 = arith.constant 0 : i32
      %dma_wait3A_336 = tpu.memref_slice %arg3[%add3A_14, %dma_wait3A_334, %dma_wait3A_335] : memref<16x4x20480xf32, #tpu.memory_space<hbm>> -> memref<1x4x20480xf32, #tpu.memory_space<hbm>>
      %dma_wait3A_337 = tpu.memref_squeeze %dma_wait3A_336 : memref<1x4x20480xf32, #tpu.memory_space<hbm>> -> memref<4x20480xf32, #tpu.memory_space<hbm>>
      %dma_wait3A_338 = arith.constant 0 : i32
      %dma_wait3A_339 = arith.constant 0 : i32
      %dma_wait3A_340 = tpu.memref_slice %arg3[%add3A_14, %dma_wait3A_338, %dma_wait3A_339] : memref<16x4x20480xf32, #tpu.memory_space<hbm>> -> memref<1x4x20480xf32, #tpu.memory_space<hbm>>
      %dma_wait3A_341 = tpu.memref_squeeze %dma_wait3A_340 : memref<1x4x20480xf32, #tpu.memory_space<hbm>> -> memref<4x20480xf32, #tpu.memory_space<hbm>>
      tpu.wait_dma2 semaphore(%arg22 : memref<!tpu.dma_semaphore, #tpu.memory_space<semaphore_mem>>) src(%dma_wait3A_341 : memref<4x20480xf32, #tpu.memory_space<hbm>>) dst(%arg8 : memref<4x20480xf32, #tpu.memory_space<vmem>>)
      %while3A = arith.constant 0 : i32
      %while3A_342 = arith.constant 1 : i32
      %while3A_343:2 = scf.while (%while3A_344 = %while3A, %while3A_345 = %while3A_342) : (i32, i32) -> (i32, i32) {
        %lt3A_346 = arith.constant 100 : i32
        %lt3A_347 = arith.cmpi slt, %while3A_344, %lt3A_346 : i32
        %gt3A = arith.constant 0 : i32
        %gt3A_348 = arith.cmpi sgt, %while3A_345, %gt3A : i32
        %and3A_349 = arith.andi %lt3A_347, %gt3A_348 : i1
        scf.condition(%and3A_349) %while3A_344, %while3A_345 : i32, i32
      } do {
      ^bb0(%while3A_344: i32, %while3A_345: i32):
        %iota3A_346 = tpu.iota {dimensions = array<i32: 0>} : vector<16xi32>
        %get3A_347 = arith.constant 0 : index
        %get3A_348 = tpu.vector_load %arg11[%get3A_347] {strides = array<i32>} : memref<16xf32, #tpu.memory_space<vmem>>, vector<16xf32>,
        %reduce_max3A_349 = arith.constant true
        %reduce_max3A_350 = vector.broadcast %reduce_max3A_349 : i1 to vector<16xi1>
        %reduce_max3A_351 = tpu.scan <max>, %get3A_348 masked %reduce_max3A_350 : vector<16xf32>, vector<16xi1> -> vector<16xf32>
        %reduce_max3A_352 = vector.extract %reduce_max3A_351[15] : f32 from vector<16xf32>
        %gt3A = arith.constant -5.000000e+08 : f32
        %gt3A_353 = arith.cmpf ogt, %reduce_max3A_352, %gt3A : f32
        %eq3A = vector.broadcast %reduce_max3A_352 : f32 to vector<16xf32>
        %eq3A_354 = arith.cmpf oeq, %get3A_348, %eq3A : vector<16xf32>
        %all_reduce_ffs3A = tpu.all_reduce %eq3A_354 {dim = 0 : i64, kind = #tpu.reduction_kind<find_first_set>} : vector<16xi1> -> vector<16xi32>
        %slice3A = vector.extract_strided_slice %all_reduce_ffs3A {offsets = [0], sizes = [1], strides = [1]} : vector<16xi32> to vector<1xi32>
        %squeeze3A = vector.extract %slice3A[0] : i32 from vector<1xi32>
        %mul3A_355 = arith.constant 16 : i32
        %mul3A_356 = arith.muli %squeeze3A, %mul3A_355 : i32
        %get3A_357 = arith.index_cast %mul3A_356 : i32 to index
        %get3A_358 = tpu.vector_load %arg10[%get3A_357] {strides = array<i32>} : memref<80xf32, #tpu.memory_space<vmem>>, vector<16xf32>,
        %eq3A_359 = vector.broadcast %reduce_max3A_352 : f32 to vector<16xf32>
        %eq3A_360 = arith.cmpf oeq, %get3A_358, %eq3A_359 : vector<16xf32>
        %all_reduce_ffs3A_361 = tpu.all_reduce %eq3A_360 {dim = 0 : i64, kind = #tpu.reduction_kind<find_first_set>} : vector<16xi1> -> vector<16xi32>
        %slice3A_362 = vector.extract_strided_slice %all_reduce_ffs3A_361 {offsets = [0], sizes = [1], strides = [1]} : vector<16xi32> to vector<1xi32>
        %squeeze3A_363 = vector.extract %slice3A_362[0] : i32 from vector<1xi32>
        %mul3A_364 = arith.constant 16 : i32
        %mul3A_365 = arith.muli %squeeze3A, %mul3A_364 : i32
        %add3A_366 = arith.addi %mul3A_365, %squeeze3A_363 : i32
        %mul3A_367 = arith.constant 16 : i32
        %mul3A_368 = arith.muli %add3A_366, %mul3A_367 : i32
        %get3A_369 = arith.index_cast %mul3A_368 : i32 to index
        %get3A_370 = tpu.vector_load %arg9[%get3A_369] {strides = array<i32>} : memref<1280xf32, #tpu.memory_space<vmem>>, vector<16xf32>,
        %eq3A_371 = vector.broadcast %reduce_max3A_352 : f32 to vector<16xf32>
        %eq3A_372 = arith.cmpf oeq, %get3A_370, %eq3A_371 : vector<16xf32>
        %all_reduce_ffs3A_373 = tpu.all_reduce %eq3A_372 {dim = 0 : i64, kind = #tpu.reduction_kind<find_first_set>} : vector<16xi1> -> vector<16xi32>
        %slice3A_374 = vector.extract_strided_slice %all_reduce_ffs3A_373 {offsets = [0], sizes = [1], strides = [1]} : vector<16xi32> to vector<1xi32>
        %squeeze3A_375 = vector.extract %slice3A_374[0] : i32 from vector<1xi32>
        %mul3A_376 = arith.constant 16 : i32
        %mul3A_377 = arith.muli %add3A_366, %mul3A_376 : i32
        %add3A_378 = arith.addi %mul3A_377, %squeeze3A_375 : i32
        %mul3A_379 = arith.constant 16 : i32
        %mul3A_380 = arith.muli %add3A_378, %mul3A_379 : i32
        %get3A_381 = arith.index_cast %mul3A_380 : i32 to index
        %get3A_382 = tpu.vector_load %arg7[%get3A_381] {strides = array<i32>} : memref<20480xf32, #tpu.memory_space<vmem>>, vector<16xf32>,
        %eq3A_383 = vector.broadcast %reduce_max3A_352 : f32 to vector<16xf32>
        %eq3A_384 = arith.cmpf oeq, %get3A_382, %eq3A_383 : vector<16xf32>
        %all_reduce_ffs3A_385 = tpu.all_reduce %eq3A_384 {dim = 0 : i64, kind = #tpu.reduction_kind<find_first_set>} : vector<16xi1> -> vector<16xi32>
        %slice3A_386 = vector.extract_strided_slice %all_reduce_ffs3A_385 {offsets = [0], sizes = [1], strides = [1]} : vector<16xi32> to vector<1xi32>
        %squeeze3A_387 = vector.extract %slice3A_386[0] : i32 from vector<1xi32>
        %mul3A_388 = arith.constant 16 : i32
        %mul3A_389 = arith.muli %add3A_378, %mul3A_388 : i32
        %add3A_390 = arith.addi %mul3A_389, %squeeze3A_387 : i32
        %broadcast_in_dim3A_391 = arith.constant 0 : i32
        %broadcast_in_dim3A_392 = vector.broadcast %broadcast_in_dim3A_391 : i32 to vector<16xi32>
        %broadcast_in_dim3A_393 = vector.broadcast %add3A_390 : i32 to vector<16xi32>
        %gather3A = tpu.vector_load_idx %arg8[%broadcast_in_dim3A_392, %broadcast_in_dim3A_393] : memref<4x20480xf32, #tpu.memory_space<vmem>>[vector<16xi32>, vector<16xi32>], vector<16xf32>,
        %broadcast_in_dim3A_394 = arith.constant 1 : i32
        %broadcast_in_dim3A_395 = vector.broadcast %broadcast_in_dim3A_394 : i32 to vector<16xi32>
        %broadcast_in_dim3A_396 = vector.broadcast %add3A_390 : i32 to vector<16xi32>
        %gather3A_397 = tpu.vector_load_idx %arg8[%broadcast_in_dim3A_395, %broadcast_in_dim3A_396] : memref<4x20480xf32, #tpu.memory_space<vmem>>[vector<16xi32>, vector<16xi32>], vector<16xf32>,
        %broadcast_in_dim3A_398 = arith.constant 2 : i32
        %broadcast_in_dim3A_399 = vector.broadcast %broadcast_in_dim3A_398 : i32 to vector<16xi32>
        %broadcast_in_dim3A_400 = vector.broadcast %add3A_390 : i32 to vector<16xi32>
        %gather3A_401 = tpu.vector_load_idx %arg8[%broadcast_in_dim3A_399, %broadcast_in_dim3A_400] : memref<4x20480xf32, #tpu.memory_space<vmem>>[vector<16xi32>, vector<16xi32>], vector<16xf32>,
        %broadcast_in_dim3A_402 = arith.constant 3 : i32
        %broadcast_in_dim3A_403 = vector.broadcast %broadcast_in_dim3A_402 : i32 to vector<16xi32>
        %broadcast_in_dim3A_404 = vector.broadcast %add3A_390 : i32 to vector<16xi32>
        %gather3A_405 = tpu.vector_load_idx %arg8[%broadcast_in_dim3A_403, %broadcast_in_dim3A_404] : memref<4x20480xf32, #tpu.memory_space<vmem>>[vector<16xi32>, vector<16xi32>], vector<16xf32>,
        %sub3A = arith.subf %gather3A_401, %gather3A : vector<16xf32>
        %max3A = arith.constant 0.000000e+00 : f32
        %max3A_406 = vector.broadcast %max3A : f32 to vector<16xf32>
        %max3A_407 = arith.maximumf %sub3A, %max3A_406 : vector<16xf32>
        %sub3A_408 = arith.subf %gather3A_405, %gather3A_397 : vector<16xf32>
        %max3A_409 = arith.constant 0.000000e+00 : f32
        %max3A_410 = vector.broadcast %max3A_409 : f32 to vector<16xf32>
        %max3A_411 = arith.maximumf %sub3A_408, %max3A_410 : vector<16xf32>
        %mul3A_412 = arith.mulf %max3A_407, %max3A_411 : vector<16xf32>
        %broadcast_in_dim3A_413 = arith.constant 0.000000e+00 : f32
        %broadcast_in_dim3A_414 = vector.broadcast %broadcast_in_dim3A_413 : f32 to vector<16xf32>
        %get3A_415 = arith.constant 0 : i32
        %get3A_416 = arith.index_cast %get3A_415 : i32 to index
        %get3A_417 = arith.constant 0 : index
        %get3A_418 = tpu.vector_load %arg13[%get3A_416, %get3A_417] {strides = array<i32>} : memref<4x128xf32, #tpu.memory_space<vmem>>, vector<16xf32>,
        %get3A_419 = arith.constant 1 : i32
        %get3A_420 = arith.index_cast %get3A_419 : i32 to index
        %get3A_421 = arith.constant 0 : index
        %get3A_422 = tpu.vector_load %arg13[%get3A_420, %get3A_421] {strides = array<i32>} : memref<4x128xf32, #tpu.memory_space<vmem>>, vector<16xf32>,
        %get3A_423 = arith.constant 2 : i32
        %get3A_424 = arith.index_cast %get3A_423 : i32 to index
        %get3A_425 = arith.constant 0 : index
        %get3A_426 = tpu.vector_load %arg13[%get3A_424, %get3A_425] {strides = array<i32>} : memref<4x128xf32, #tpu.memory_space<vmem>>, vector<16xf32>,
        %get3A_427 = arith.constant 3 : i32
        %get3A_428 = arith.index_cast %get3A_427 : i32 to index
        %get3A_429 = arith.constant 0 : index
        %get3A_430 = tpu.vector_load %arg13[%get3A_428, %get3A_429] {strides = array<i32>} : memref<4x128xf32, #tpu.memory_space<vmem>>, vector<16xf32>,
        %max3A_431 = arith.maximumf %gather3A, %get3A_418 : vector<16xf32>
        %max3A_432 = arith.maximumf %gather3A_397, %get3A_422 : vector<16xf32>
        %min3A = arith.minimumf %gather3A_401, %get3A_426 : vector<16xf32>
        %min3A_433 = arith.minimumf %gather3A_405, %get3A_430 : vector<16xf32>
        %sub3A_434 = arith.subf %min3A, %max3A_431 : vector<16xf32>
        %max3A_435 = arith.constant 0.000000e+00 : f32
        %max3A_436 = vector.broadcast %max3A_435 : f32 to vector<16xf32>
        %max3A_437 = arith.maximumf %sub3A_434, %max3A_436 : vector<16xf32>
        %sub3A_438 = arith.subf %min3A_433, %max3A_432 : vector<16xf32>
        %max3A_439 = arith.constant 0.000000e+00 : f32
        %max3A_440 = vector.broadcast %max3A_439 : f32 to vector<16xf32>
        %max3A_441 = arith.maximumf %sub3A_438, %max3A_440 : vector<16xf32>
        %mul3A_442 = arith.mulf %max3A_437, %max3A_441 : vector<16xf32>
        %sub3A_443 = arith.subf %get3A_426, %get3A_418 : vector<16xf32>
        %max3A_444 = arith.constant 0.000000e+00 : f32
        %max3A_445 = vector.broadcast %max3A_444 : f32 to vector<16xf32>
        %max3A_446 = arith.maximumf %sub3A_443, %max3A_445 : vector<16xf32>
        %sub3A_447 = arith.subf %get3A_430, %get3A_422 : vector<16xf32>
        %max3A_448 = arith.constant 0.000000e+00 : f32
        %max3A_449 = vector.broadcast %max3A_448 : f32 to vector<16xf32>
        %max3A_450 = arith.maximumf %sub3A_447, %max3A_449 : vector<16xf32>
        %mul3A_451 = arith.mulf %max3A_446, %max3A_450 : vector<16xf32>
        %add3A_452 = arith.addf %mul3A_412, %mul3A_451 : vector<16xf32>
        %sub3A_453 = arith.subf %add3A_452, %mul3A_442 : vector<16xf32>
        %gt3A_454 = arith.constant 0.000000e+00 : f32
        %gt3A_455 = vector.broadcast %gt3A_454 : f32 to vector<16xf32>
        %gt3A_456 = arith.cmpf ogt, %sub3A_453, %gt3A_455 : vector<16xf32>
        %div3A = arith.divf %mul3A_442, %sub3A_453 : vector<16xf32>
        %jit3A = arith.constant 0.000000e+00 : f32
        %broadcast_in_dim3A_457 = vector.broadcast %jit3A : f32 to vector<16xf32>
        %select_n3A = arith.select %gt3A_456, %div3A, %broadcast_in_dim3A_457 : vector<16xi1>, vector<16xf32>
        %max3A_458 = arith.maximumf %broadcast_in_dim3A_414, %select_n3A : vector<16xf32>
        %get3A_459 = arith.constant 0 : i32
        %get3A_460 = arith.index_cast %get3A_459 : i32 to index
        %get3A_461 = arith.constant 16 : index
        %get3A_462 = tpu.vector_load %arg13[%get3A_460, %get3A_461] {strides = array<i32>} : memref<4x128xf32, #tpu.memory_space<vmem>>, vector<16xf32>,
        %get3A_463 = arith.constant 1 : i32
        %get3A_464 = arith.index_cast %get3A_463 : i32 to index
        %get3A_465 = arith.constant 16 : index
        %get3A_466 = tpu.vector_load %arg13[%get3A_464, %get3A_465] {strides = array<i32>} : memref<4x128xf32, #tpu.memory_space<vmem>>, vector<16xf32>,
        %get3A_467 = arith.constant 2 : i32
        %get3A_468 = arith.index_cast %get3A_467 : i32 to index
        %get3A_469 = arith.constant 16 : index
        %get3A_470 = tpu.vector_load %arg13[%get3A_468, %get3A_469] {strides = array<i32>} : memref<4x128xf32, #tpu.memory_space<vmem>>, vector<16xf32>,
        %get3A_471 = arith.constant 3 : i32
        %get3A_472 = arith.index_cast %get3A_471 : i32 to index
        %get3A_473 = arith.constant 16 : index
        %get3A_474 = tpu.vector_load %arg13[%get3A_472, %get3A_473] {strides = array<i32>} : memref<4x128xf32, #tpu.memory_space<vmem>>, vector<16xf32>,
        %max3A_475 = arith.maximumf %gather3A, %get3A_462 : vector<16xf32>
        %max3A_476 = arith.maximumf %gather3A_397, %get3A_466 : vector<16xf32>
        %min3A_477 = arith.minimumf %gather3A_401, %get3A_470 : vector<16xf32>
        %min3A_478 = arith.minimumf %gather3A_405, %get3A_474 : vector<16xf32>
        %sub3A_479 = arith.subf %min3A_477, %max3A_475 : vector<16xf32>
        %max3A_480 = arith.constant 0.000000e+00 : f32
        %max3A_481 = vector.broadcast %max3A_480 : f32 to vector<16xf32>
        %max3A_482 = arith.maximumf %sub3A_479, %max3A_481 : vector<16xf32>
        %sub3A_483 = arith.subf %min3A_478, %max3A_476 : vector<16xf32>
        %max3A_484 = arith.constant 0.000000e+00 : f32
        %max3A_485 = vector.broadcast %max3A_484 : f32 to vector<16xf32>
        %max3A_486 = arith.maximumf %sub3A_483, %max3A_485 : vector<16xf32>
        %mul3A_487 = arith.mulf %max3A_482, %max3A_486 : vector<16xf32>
        %sub3A_488 = arith.subf %get3A_470, %get3A_462 : vector<16xf32>
        %max3A_489 = arith.constant 0.000000e+00 : f32
        %max3A_490 = vector.broadcast %max3A_489 : f32 to vector<16xf32>
        %max3A_491 = arith.maximumf %sub3A_488, %max3A_490 : vector<16xf32>
        %sub3A_492 = arith.subf %get3A_474, %get3A_466 : vector<16xf32>
        %max3A_493 = arith.constant 0.000000e+00 : f32
        %max3A_494 = vector.broadcast %max3A_493 : f32 to vector<16xf32>
        %max3A_495 = arith.maximumf %sub3A_492, %max3A_494 : vector<16xf32>
        %mul3A_496 = arith.mulf %max3A_491, %max3A_495 : vector<16xf32>
        %add3A_497 = arith.addf %mul3A_412, %mul3A_496 : vector<16xf32>
        %sub3A_498 = arith.subf %add3A_497, %mul3A_487 : vector<16xf32>
        %gt3A_499 = arith.constant 0.000000e+00 : f32
        %gt3A_500 = vector.broadcast %gt3A_499 : f32 to vector<16xf32>
        %gt3A_501 = arith.cmpf ogt, %sub3A_498, %gt3A_500 : vector<16xf32>
        %div3A_502 = arith.divf %mul3A_487, %sub3A_498 : vector<16xf32>
        %jit3A_503 = arith.constant 0.000000e+00 : f32
        %broadcast_in_dim3A_504 = vector.broadcast %jit3A_503 : f32 to vector<16xf32>
        %select_n3A_505 = arith.select %gt3A_501, %div3A_502, %broadcast_in_dim3A_504 : vector<16xi1>, vector<16xf32>
        %max3A_506 = arith.maximumf %max3A_458, %select_n3A_505 : vector<16xf32>
        %get3A_507 = arith.constant 0 : i32
        %get3A_508 = arith.index_cast %get3A_507 : i32 to index
        %get3A_509 = arith.constant 32 : index
        %get3A_510 = tpu.vector_load %arg13[%get3A_508, %get3A_509] {strides = array<i32>} : memref<4x128xf32, #tpu.memory_space<vmem>>, vector<16xf32>,
        %get3A_511 = arith.constant 1 : i32
        %get3A_512 = arith.index_cast %get3A_511 : i32 to index
        %get3A_513 = arith.constant 32 : index
        %get3A_514 = tpu.vector_load %arg13[%get3A_512, %get3A_513] {strides = array<i32>} : memref<4x128xf32, #tpu.memory_space<vmem>>, vector<16xf32>,
        %get3A_515 = arith.constant 2 : i32
        %get3A_516 = arith.index_cast %get3A_515 : i32 to index
        %get3A_517 = arith.constant 32 : index
        %get3A_518 = tpu.vector_load %arg13[%get3A_516, %get3A_517] {strides = array<i32>} : memref<4x128xf32, #tpu.memory_space<vmem>>, vector<16xf32>,
        %get3A_519 = arith.constant 3 : i32
        %get3A_520 = arith.index_cast %get3A_519 : i32 to index
        %get3A_521 = arith.constant 32 : index
        %get3A_522 = tpu.vector_load %arg13[%get3A_520, %get3A_521] {strides = array<i32>} : memref<4x128xf32, #tpu.memory_space<vmem>>, vector<16xf32>,
        %max3A_523 = arith.maximumf %gather3A, %get3A_510 : vector<16xf32>
        %max3A_524 = arith.maximumf %gather3A_397, %get3A_514 : vector<16xf32>
        %min3A_525 = arith.minimumf %gather3A_401, %get3A_518 : vector<16xf32>
        %min3A_526 = arith.minimumf %gather3A_405, %get3A_522 : vector<16xf32>
        %sub3A_527 = arith.subf %min3A_525, %max3A_523 : vector<16xf32>
        %max3A_528 = arith.constant 0.000000e+00 : f32
        %max3A_529 = vector.broadcast %max3A_528 : f32 to vector<16xf32>
        %max3A_530 = arith.maximumf %sub3A_527, %max3A_529 : vector<16xf32>
        %sub3A_531 = arith.subf %min3A_526, %max3A_524 : vector<16xf32>
        %max3A_532 = arith.constant 0.000000e+00 : f32
        %max3A_533 = vector.broadcast %max3A_532 : f32 to vector<16xf32>
        %max3A_534 = arith.maximumf %sub3A_531, %max3A_533 : vector<16xf32>
        %mul3A_535 = arith.mulf %max3A_530, %max3A_534 : vector<16xf32>
        %sub3A_536 = arith.subf %get3A_518, %get3A_510 : vector<16xf32>
        %max3A_537 = arith.constant 0.000000e+00 : f32
        %max3A_538 = vector.broadcast %max3A_537 : f32 to vector<16xf32>
        %max3A_539 = arith.maximumf %sub3A_536, %max3A_538 : vector<16xf32>
        %sub3A_540 = arith.subf %get3A_522, %get3A_514 : vector<16xf32>
        %max3A_541 = arith.constant 0.000000e+00 : f32
        %max3A_542 = vector.broadcast %max3A_541 : f32 to vector<16xf32>
        %max3A_543 = arith.maximumf %sub3A_540, %max3A_542 : vector<16xf32>
        %mul3A_544 = arith.mulf %max3A_539, %max3A_543 : vector<16xf32>
        %add3A_545 = arith.addf %mul3A_412, %mul3A_544 : vector<16xf32>
        %sub3A_546 = arith.subf %add3A_545, %mul3A_535 : vector<16xf32>
        %gt3A_547 = arith.constant 0.000000e+00 : f32
        %gt3A_548 = vector.broadcast %gt3A_547 : f32 to vector<16xf32>
        %gt3A_549 = arith.cmpf ogt, %sub3A_546, %gt3A_548 : vector<16xf32>
        %div3A_550 = arith.divf %mul3A_535, %sub3A_546 : vector<16xf32>
        %jit3A_551 = arith.constant 0.000000e+00 : f32
        %broadcast_in_dim3A_552 = vector.broadcast %jit3A_551 : f32 to vector<16xf32>
        %select_n3A_553 = arith.select %gt3A_549, %div3A_550, %broadcast_in_dim3A_552 : vector<16xi1>, vector<16xf32>
        %max3A_554 = arith.maximumf %max3A_506, %select_n3A_553 : vector<16xf32>
        %get3A_555 = arith.constant 0 : i32
        %get3A_556 = arith.index_cast %get3A_555 : i32 to index
        %get3A_557 = arith.constant 48 : index
        %get3A_558 = tpu.vector_load %arg13[%get3A_556, %get3A_557] {strides = array<i32>} : memref<4x128xf32, #tpu.memory_space<vmem>>, vector<16xf32>,
        %get3A_559 = arith.constant 1 : i32
        %get3A_560 = arith.index_cast %get3A_559 : i32 to index
        %get3A_561 = arith.constant 48 : index
        %get3A_562 = tpu.vector_load %arg13[%get3A_560, %get3A_561] {strides = array<i32>} : memref<4x128xf32, #tpu.memory_space<vmem>>, vector<16xf32>,
        %get3A_563 = arith.constant 2 : i32
        %get3A_564 = arith.index_cast %get3A_563 : i32 to index
        %get3A_565 = arith.constant 48 : index
        %get3A_566 = tpu.vector_load %arg13[%get3A_564, %get3A_565] {strides = array<i32>} : memref<4x128xf32, #tpu.memory_space<vmem>>, vector<16xf32>,
        %get3A_567 = arith.constant 3 : i32
        %get3A_568 = arith.index_cast %get3A_567 : i32 to index
        %get3A_569 = arith.constant 48 : index
        %get3A_570 = tpu.vector_load %arg13[%get3A_568, %get3A_569] {strides = array<i32>} : memref<4x128xf32, #tpu.memory_space<vmem>>, vector<16xf32>,
        %max3A_571 = arith.maximumf %gather3A, %get3A_558 : vector<16xf32>
        %max3A_572 = arith.maximumf %gather3A_397, %get3A_562 : vector<16xf32>
        %min3A_573 = arith.minimumf %gather3A_401, %get3A_566 : vector<16xf32>
        %min3A_574 = arith.minimumf %gather3A_405, %get3A_570 : vector<16xf32>
        %sub3A_575 = arith.subf %min3A_573, %max3A_571 : vector<16xf32>
        %max3A_576 = arith.constant 0.000000e+00 : f32
        %max3A_577 = vector.broadcast %max3A_576 : f32 to vector<16xf32>
        %max3A_578 = arith.maximumf %sub3A_575, %max3A_577 : vector<16xf32>
        %sub3A_579 = arith.subf %min3A_574, %max3A_572 : vector<16xf32>
        %max3A_580 = arith.constant 0.000000e+00 : f32
        %max3A_581 = vector.broadcast %max3A_580 : f32 to vector<16xf32>
        %max3A_582 = arith.maximumf %sub3A_579, %max3A_581 : vector<16xf32>
        %mul3A_583 = arith.mulf %max3A_578, %max3A_582 : vector<16xf32>
        %sub3A_584 = arith.subf %get3A_566, %get3A_558 : vector<16xf32>
        %max3A_585 = arith.constant 0.000000e+00 : f32
        %max3A_586 = vector.broadcast %max3A_585 : f32 to vector<16xf32>
        %max3A_587 = arith.maximumf %sub3A_584, %max3A_586 : vector<16xf32>
        %sub3A_588 = arith.subf %get3A_570, %get3A_562 : vector<16xf32>
        %max3A_589 = arith.constant 0.000000e+00 : f32
        %max3A_590 = vector.broadcast %max3A_589 : f32 to vector<16xf32>
        %max3A_591 = arith.maximumf %sub3A_588, %max3A_590 : vector<16xf32>
        %mul3A_592 = arith.mulf %max3A_587, %max3A_591 : vector<16xf32>
        %add3A_593 = arith.addf %mul3A_412, %mul3A_592 : vector<16xf32>
        %sub3A_594 = arith.subf %add3A_593, %mul3A_583 : vector<16xf32>
        %gt3A_595 = arith.constant 0.000000e+00 : f32
        %gt3A_596 = vector.broadcast %gt3A_595 : f32 to vector<16xf32>
        %gt3A_597 = arith.cmpf ogt, %sub3A_594, %gt3A_596 : vector<16xf32>
        %div3A_598 = arith.divf %mul3A_583, %sub3A_594 : vector<16xf32>
        %jit3A_599 = arith.constant 0.000000e+00 : f32
        %broadcast_in_dim3A_600 = vector.broadcast %jit3A_599 : f32 to vector<16xf32>
        %select_n3A_601 = arith.select %gt3A_597, %div3A_598, %broadcast_in_dim3A_600 : vector<16xi1>, vector<16xf32>
        %max3A_602 = arith.maximumf %max3A_554, %select_n3A_601 : vector<16xf32>
        %get3A_603 = arith.constant 0 : i32
        %get3A_604 = arith.index_cast %get3A_603 : i32 to index
        %get3A_605 = arith.constant 64 : index
        %get3A_606 = tpu.vector_load %arg13[%get3A_604, %get3A_605] {strides = array<i32>} : memref<4x128xf32, #tpu.memory_space<vmem>>, vector<16xf32>,
        %get3A_607 = arith.constant 1 : i32
        %get3A_608 = arith.index_cast %get3A_607 : i32 to index
        %get3A_609 = arith.constant 64 : index
        %get3A_610 = tpu.vector_load %arg13[%get3A_608, %get3A_609] {strides = array<i32>} : memref<4x128xf32, #tpu.memory_space<vmem>>, vector<16xf32>,
        %get3A_611 = arith.constant 2 : i32
        %get3A_612 = arith.index_cast %get3A_611 : i32 to index
        %get3A_613 = arith.constant 64 : index
        %get3A_614 = tpu.vector_load %arg13[%get3A_612, %get3A_613] {strides = array<i32>} : memref<4x128xf32, #tpu.memory_space<vmem>>, vector<16xf32>,
        %get3A_615 = arith.constant 3 : i32
        %get3A_616 = arith.index_cast %get3A_615 : i32 to index
        %get3A_617 = arith.constant 64 : index
        %get3A_618 = tpu.vector_load %arg13[%get3A_616, %get3A_617] {strides = array<i32>} : memref<4x128xf32, #tpu.memory_space<vmem>>, vector<16xf32>,
        %max3A_619 = arith.maximumf %gather3A, %get3A_606 : vector<16xf32>
        %max3A_620 = arith.maximumf %gather3A_397, %get3A_610 : vector<16xf32>
        %min3A_621 = arith.minimumf %gather3A_401, %get3A_614 : vector<16xf32>
        %min3A_622 = arith.minimumf %gather3A_405, %get3A_618 : vector<16xf32>
        %sub3A_623 = arith.subf %min3A_621, %max3A_619 : vector<16xf32>
        %max3A_624 = arith.constant 0.000000e+00 : f32
        %max3A_625 = vector.broadcast %max3A_624 : f32 to vector<16xf32>
        %max3A_626 = arith.maximumf %sub3A_623, %max3A_625 : vector<16xf32>
        %sub3A_627 = arith.subf %min3A_622, %max3A_620 : vector<16xf32>
        %max3A_628 = arith.constant 0.000000e+00 : f32
        %max3A_629 = vector.broadcast %max3A_628 : f32 to vector<16xf32>
        %max3A_630 = arith.maximumf %sub3A_627, %max3A_629 : vector<16xf32>
        %mul3A_631 = arith.mulf %max3A_626, %max3A_630 : vector<16xf32>
        %sub3A_632 = arith.subf %get3A_614, %get3A_606 : vector<16xf32>
        %max3A_633 = arith.constant 0.000000e+00 : f32
        %max3A_634 = vector.broadcast %max3A_633 : f32 to vector<16xf32>
        %max3A_635 = arith.maximumf %sub3A_632, %max3A_634 : vector<16xf32>
        %sub3A_636 = arith.subf %get3A_618, %get3A_610 : vector<16xf32>
        %max3A_637 = arith.constant 0.000000e+00 : f32
        %max3A_638 = vector.broadcast %max3A_637 : f32 to vector<16xf32>
        %max3A_639 = arith.maximumf %sub3A_636, %max3A_638 : vector<16xf32>
        %mul3A_640 = arith.mulf %max3A_635, %max3A_639 : vector<16xf32>
        %add3A_641 = arith.addf %mul3A_412, %mul3A_640 : vector<16xf32>
        %sub3A_642 = arith.subf %add3A_641, %mul3A_631 : vector<16xf32>
        %gt3A_643 = arith.constant 0.000000e+00 : f32
        %gt3A_644 = vector.broadcast %gt3A_643 : f32 to vector<16xf32>
        %gt3A_645 = arith.cmpf ogt, %sub3A_642, %gt3A_644 : vector<16xf32>
        %div3A_646 = arith.divf %mul3A_631, %sub3A_642 : vector<16xf32>
        %jit3A_647 = arith.constant 0.000000e+00 : f32
        %broadcast_in_dim3A_648 = vector.broadcast %jit3A_647 : f32 to vector<16xf32>
        %select_n3A_649 = arith.select %gt3A_645, %div3A_646, %broadcast_in_dim3A_648 : vector<16xi1>, vector<16xf32>
        %max3A_650 = arith.maximumf %max3A_602, %select_n3A_649 : vector<16xf32>
        %get3A_651 = arith.constant 0 : i32
        %get3A_652 = arith.index_cast %get3A_651 : i32 to index
        %get3A_653 = arith.constant 80 : index
        %get3A_654 = tpu.vector_load %arg13[%get3A_652, %get3A_653] {strides = array<i32>} : memref<4x128xf32, #tpu.memory_space<vmem>>, vector<16xf32>,
        %get3A_655 = arith.constant 1 : i32
        %get3A_656 = arith.index_cast %get3A_655 : i32 to index
        %get3A_657 = arith.constant 80 : index
        %get3A_658 = tpu.vector_load %arg13[%get3A_656, %get3A_657] {strides = array<i32>} : memref<4x128xf32, #tpu.memory_space<vmem>>, vector<16xf32>,
        %get3A_659 = arith.constant 2 : i32
        %get3A_660 = arith.index_cast %get3A_659 : i32 to index
        %get3A_661 = arith.constant 80 : index
        %get3A_662 = tpu.vector_load %arg13[%get3A_660, %get3A_661] {strides = array<i32>} : memref<4x128xf32, #tpu.memory_space<vmem>>, vector<16xf32>,
        %get3A_663 = arith.constant 3 : i32
        %get3A_664 = arith.index_cast %get3A_663 : i32 to index
        %get3A_665 = arith.constant 80 : index
        %get3A_666 = tpu.vector_load %arg13[%get3A_664, %get3A_665] {strides = array<i32>} : memref<4x128xf32, #tpu.memory_space<vmem>>, vector<16xf32>,
        %max3A_667 = arith.maximumf %gather3A, %get3A_654 : vector<16xf32>
        %max3A_668 = arith.maximumf %gather3A_397, %get3A_658 : vector<16xf32>
        %min3A_669 = arith.minimumf %gather3A_401, %get3A_662 : vector<16xf32>
        %min3A_670 = arith.minimumf %gather3A_405, %get3A_666 : vector<16xf32>
        %sub3A_671 = arith.subf %min3A_669, %max3A_667 : vector<16xf32>
        %max3A_672 = arith.constant 0.000000e+00 : f32
        %max3A_673 = vector.broadcast %max3A_672 : f32 to vector<16xf32>
        %max3A_674 = arith.maximumf %sub3A_671, %max3A_673 : vector<16xf32>
        %sub3A_675 = arith.subf %min3A_670, %max3A_668 : vector<16xf32>
        %max3A_676 = arith.constant 0.000000e+00 : f32
        %max3A_677 = vector.broadcast %max3A_676 : f32 to vector<16xf32>
        %max3A_678 = arith.maximumf %sub3A_675, %max3A_677 : vector<16xf32>
        %mul3A_679 = arith.mulf %max3A_674, %max3A_678 : vector<16xf32>
        %sub3A_680 = arith.subf %get3A_662, %get3A_654 : vector<16xf32>
        %max3A_681 = arith.constant 0.000000e+00 : f32
        %max3A_682 = vector.broadcast %max3A_681 : f32 to vector<16xf32>
        %max3A_683 = arith.maximumf %sub3A_680, %max3A_682 : vector<16xf32>
        %sub3A_684 = arith.subf %get3A_666, %get3A_658 : vector<16xf32>
        %max3A_685 = arith.constant 0.000000e+00 : f32
        %max3A_686 = vector.broadcast %max3A_685 : f32 to vector<16xf32>
        %max3A_687 = arith.maximumf %sub3A_684, %max3A_686 : vector<16xf32>
        %mul3A_688 = arith.mulf %max3A_683, %max3A_687 : vector<16xf32>
        %add3A_689 = arith.addf %mul3A_412, %mul3A_688 : vector<16xf32>
        %sub3A_690 = arith.subf %add3A_689, %mul3A_679 : vector<16xf32>
        %gt3A_691 = arith.constant 0.000000e+00 : f32
        %gt3A_692 = vector.broadcast %gt3A_691 : f32 to vector<16xf32>
        %gt3A_693 = arith.cmpf ogt, %sub3A_690, %gt3A_692 : vector<16xf32>
        %div3A_694 = arith.divf %mul3A_679, %sub3A_690 : vector<16xf32>
        %jit3A_695 = arith.constant 0.000000e+00 : f32
        %broadcast_in_dim3A_696 = vector.broadcast %jit3A_695 : f32 to vector<16xf32>
        %select_n3A_697 = arith.select %gt3A_693, %div3A_694, %broadcast_in_dim3A_696 : vector<16xi1>, vector<16xf32>
        %max3A_698 = arith.maximumf %max3A_650, %select_n3A_697 : vector<16xf32>
        %get3A_699 = arith.constant 0 : i32
        %get3A_700 = arith.index_cast %get3A_699 : i32 to index
        %get3A_701 = arith.constant 96 : index
        %get3A_702 = tpu.vector_load %arg13[%get3A_700, %get3A_701] {strides = array<i32>} : memref<4x128xf32, #tpu.memory_space<vmem>>, vector<16xf32>,
        %get3A_703 = arith.constant 1 : i32
        %get3A_704 = arith.index_cast %get3A_703 : i32 to index
        %get3A_705 = arith.constant 96 : index
        %get3A_706 = tpu.vector_load %arg13[%get3A_704, %get3A_705] {strides = array<i32>} : memref<4x128xf32, #tpu.memory_space<vmem>>, vector<16xf32>,
        %get3A_707 = arith.constant 2 : i32
        %get3A_708 = arith.index_cast %get3A_707 : i32 to index
        %get3A_709 = arith.constant 96 : index
        %get3A_710 = tpu.vector_load %arg13[%get3A_708, %get3A_709] {strides = array<i32>} : memref<4x128xf32, #tpu.memory_space<vmem>>, vector<16xf32>,
        %get3A_711 = arith.constant 3 : i32
        %get3A_712 = arith.index_cast %get3A_711 : i32 to index
        %get3A_713 = arith.constant 96 : index
        %get3A_714 = tpu.vector_load %arg13[%get3A_712, %get3A_713] {strides = array<i32>} : memref<4x128xf32, #tpu.memory_space<vmem>>, vector<16xf32>,
        %max3A_715 = arith.maximumf %gather3A, %get3A_702 : vector<16xf32>
        %max3A_716 = arith.maximumf %gather3A_397, %get3A_706 : vector<16xf32>
        %min3A_717 = arith.minimumf %gather3A_401, %get3A_710 : vector<16xf32>
        %min3A_718 = arith.minimumf %gather3A_405, %get3A_714 : vector<16xf32>
        %sub3A_719 = arith.subf %min3A_717, %max3A_715 : vector<16xf32>
        %max3A_720 = arith.constant 0.000000e+00 : f32
        %max3A_721 = vector.broadcast %max3A_720 : f32 to vector<16xf32>
        %max3A_722 = arith.maximumf %sub3A_719, %max3A_721 : vector<16xf32>
        %sub3A_723 = arith.subf %min3A_718, %max3A_716 : vector<16xf32>
        %max3A_724 = arith.constant 0.000000e+00 : f32
        %max3A_725 = vector.broadcast %max3A_724 : f32 to vector<16xf32>
        %max3A_726 = arith.maximumf %sub3A_723, %max3A_725 : vector<16xf32>
        %mul3A_727 = arith.mulf %max3A_722, %max3A_726 : vector<16xf32>
        %sub3A_728 = arith.subf %get3A_710, %get3A_702 : vector<16xf32>
        %max3A_729 = arith.constant 0.000000e+00 : f32
        %max3A_730 = vector.broadcast %max3A_729 : f32 to vector<16xf32>
        %max3A_731 = arith.maximumf %sub3A_728, %max3A_730 : vector<16xf32>
        %sub3A_732 = arith.subf %get3A_714, %get3A_706 : vector<16xf32>
        %max3A_733 = arith.constant 0.000000e+00 : f32
        %max3A_734 = vector.broadcast %max3A_733 : f32 to vector<16xf32>
        %max3A_735 = arith.maximumf %sub3A_732, %max3A_734 : vector<16xf32>
        %mul3A_736 = arith.mulf %max3A_731, %max3A_735 : vector<16xf32>
        %add3A_737 = arith.addf %mul3A_412, %mul3A_736 : vector<16xf32>
        %sub3A_738 = arith.subf %add3A_737, %mul3A_727 : vector<16xf32>
        %gt3A_739 = arith.constant 0.000000e+00 : f32
        %gt3A_740 = vector.broadcast %gt3A_739 : f32 to vector<16xf32>
        %gt3A_741 = arith.cmpf ogt, %sub3A_738, %gt3A_740 : vector<16xf32>
        %div3A_742 = arith.divf %mul3A_727, %sub3A_738 : vector<16xf32>
        %jit3A_743 = arith.constant 0.000000e+00 : f32
        %broadcast_in_dim3A_744 = vector.broadcast %jit3A_743 : f32 to vector<16xf32>
        %select_n3A_745 = arith.select %gt3A_741, %div3A_742, %broadcast_in_dim3A_744 : vector<16xi1>, vector<16xf32>
        %max3A_746 = arith.maximumf %max3A_698, %select_n3A_745 : vector<16xf32>
        %get3A_747 = arith.constant 0 : i32
        %get3A_748 = arith.index_cast %get3A_747 : i32 to index
        %get3A_749 = arith.constant 112 : index
        %get3A_750 = tpu.vector_load %arg13[%get3A_748, %get3A_749] {strides = array<i32>} : memref<4x128xf32, #tpu.memory_space<vmem>>, vector<16xf32>,
        %get3A_751 = arith.constant 1 : i32
        %get3A_752 = arith.index_cast %get3A_751 : i32 to index
        %get3A_753 = arith.constant 112 : index
        %get3A_754 = tpu.vector_load %arg13[%get3A_752, %get3A_753] {strides = array<i32>} : memref<4x128xf32, #tpu.memory_space<vmem>>, vector<16xf32>,
        %get3A_755 = arith.constant 2 : i32
        %get3A_756 = arith.index_cast %get3A_755 : i32 to index
        %get3A_757 = arith.constant 112 : index
        %get3A_758 = tpu.vector_load %arg13[%get3A_756, %get3A_757] {strides = array<i32>} : memref<4x128xf32, #tpu.memory_space<vmem>>, vector<16xf32>,
        %get3A_759 = arith.constant 3 : i32
        %get3A_760 = arith.index_cast %get3A_759 : i32 to index
        %get3A_761 = arith.constant 112 : index
        %get3A_762 = tpu.vector_load %arg13[%get3A_760, %get3A_761] {strides = array<i32>} : memref<4x128xf32, #tpu.memory_space<vmem>>, vector<16xf32>,
        %max3A_763 = arith.maximumf %gather3A, %get3A_750 : vector<16xf32>
        %max3A_764 = arith.maximumf %gather3A_397, %get3A_754 : vector<16xf32>
        %min3A_765 = arith.minimumf %gather3A_401, %get3A_758 : vector<16xf32>
        %min3A_766 = arith.minimumf %gather3A_405, %get3A_762 : vector<16xf32>
        %sub3A_767 = arith.subf %min3A_765, %max3A_763 : vector<16xf32>
        %max3A_768 = arith.constant 0.000000e+00 : f32
        %max3A_769 = vector.broadcast %max3A_768 : f32 to vector<16xf32>
        %max3A_770 = arith.maximumf %sub3A_767, %max3A_769 : vector<16xf32>
        %sub3A_771 = arith.subf %min3A_766, %max3A_764 : vector<16xf32>
        %max3A_772 = arith.constant 0.000000e+00 : f32
        %max3A_773 = vector.broadcast %max3A_772 : f32 to vector<16xf32>
        %max3A_774 = arith.maximumf %sub3A_771, %max3A_773 : vector<16xf32>
        %mul3A_775 = arith.mulf %max3A_770, %max3A_774 : vector<16xf32>
        %sub3A_776 = arith.subf %get3A_758, %get3A_750 : vector<16xf32>
        %max3A_777 = arith.constant 0.000000e+00 : f32
        %max3A_778 = vector.broadcast %max3A_777 : f32 to vector<16xf32>
        %max3A_779 = arith.maximumf %sub3A_776, %max3A_778 : vector<16xf32>
        %sub3A_780 = arith.subf %get3A_762, %get3A_754 : vector<16xf32>
        %max3A_781 = arith.constant 0.000000e+00 : f32
        %max3A_782 = vector.broadcast %max3A_781 : f32 to vector<16xf32>
        %max3A_783 = arith.maximumf %sub3A_780, %max3A_782 : vector<16xf32>
        %mul3A_784 = arith.mulf %max3A_779, %max3A_783 : vector<16xf32>
        %add3A_785 = arith.addf %mul3A_412, %mul3A_784 : vector<16xf32>
        %sub3A_786 = arith.subf %add3A_785, %mul3A_775 : vector<16xf32>
        %gt3A_787 = arith.constant 0.000000e+00 : f32
        %gt3A_788 = vector.broadcast %gt3A_787 : f32 to vector<16xf32>
        %gt3A_789 = arith.cmpf ogt, %sub3A_786, %gt3A_788 : vector<16xf32>
        %div3A_790 = arith.divf %mul3A_775, %sub3A_786 : vector<16xf32>
        %jit3A_791 = arith.constant 0.000000e+00 : f32
        %broadcast_in_dim3A_792 = vector.broadcast %jit3A_791 : f32 to vector<16xf32>
        %select_n3A_793 = arith.select %gt3A_789, %div3A_790, %broadcast_in_dim3A_792 : vector<16xi1>, vector<16xf32>
        %max3A_794 = arith.maximumf %max3A_746, %select_n3A_793 : vector<16xf32>
        %reduce_max3A_795 = arith.constant true
        %reduce_max3A_796 = vector.broadcast %reduce_max3A_795 : i1 to vector<16xi1>
        %reduce_max3A_797 = tpu.scan <max>, %max3A_794 masked %reduce_max3A_796 : vector<16xf32>, vector<16xi1> -> vector<16xf32>
        %reduce_max3A_798 = vector.extract %reduce_max3A_797[15] : f32 from vector<16xf32>
        %gt3A_799 = arith.constant 5.000000e-01 : f32
        %gt3A_800 = arith.cmpf ogt, %reduce_max3A_798, %gt3A_799 : f32
        %not3A = arith.constant true
        %not3A_801 = arith.xori %gt3A_800, %not3A : i1
        %and3A_802 = arith.andi %gt3A_353, %not3A_801 : i1
        %eq3A_803 = vector.broadcast %squeeze3A_387 : i32 to vector<16xi32>
        %eq3A_804 = arith.cmpi eq, %iota3A_346, %eq3A_803 : vector<16xi32>
        %jit3A_805 = arith.constant -1.000000e+09 : f32
        %broadcast_in_dim3A_806 = vector.broadcast %jit3A_805 : f32 to vector<16xf32>
        %select_n3A_807 = arith.select %eq3A_804, %broadcast_in_dim3A_806, %get3A_382 : vector<16xi1>, vector<16xf32>
        %mul3A_808 = arith.constant 16 : i32
        %mul3A_809 = arith.muli %add3A_378, %mul3A_808 : i32
        %swap3A_810 = arith.index_cast %mul3A_809 : i32 to index
        %swap3A_811 = tpu.vector_load %arg7[%swap3A_810] {strides = array<i32>} : memref<20480xf32, #tpu.memory_space<vmem>>, vector<16xf32>,
        tpu.vector_store %arg7[%swap3A_810], %select_n3A_807 {strides = array<i32>} : memref<20480xf32, #tpu.memory_space<vmem>>, vector<16xf32>,
        %reduce_max3A_812 = arith.constant true
        %reduce_max3A_813 = vector.broadcast %reduce_max3A_812 : i1 to vector<16xi1>
        %reduce_max3A_814 = tpu.scan <max>, %select_n3A_807 masked %reduce_max3A_813 : vector<16xf32>, vector<16xi1> -> vector<16xf32>
        %reduce_max3A_815 = vector.extract %reduce_max3A_814[15] : f32 from vector<16xf32>
        %eq3A_816 = vector.broadcast %squeeze3A_375 : i32 to vector<16xi32>
        %eq3A_817 = arith.cmpi eq, %iota3A_346, %eq3A_816 : vector<16xi32>
        %broadcast_in_dim3A_818 = vector.broadcast %reduce_max3A_815 : f32 to vector<16xf32>
        %select_n3A_819 = arith.select %eq3A_817, %broadcast_in_dim3A_818, %get3A_370 : vector<16xi1>, vector<16xf32>
        %mul3A_820 = arith.constant 16 : i32
        %mul3A_821 = arith.muli %add3A_366, %mul3A_820 : i32
        %swap3A_822 = arith.index_cast %mul3A_821 : i32 to index
        %swap3A_823 = tpu.vector_load %arg9[%swap3A_822] {strides = array<i32>} : memref<1280xf32, #tpu.memory_space<vmem>>, vector<16xf32>,
        tpu.vector_store %arg9[%swap3A_822], %select_n3A_819 {strides = array<i32>} : memref<1280xf32, #tpu.memory_space<vmem>>, vector<16xf32>,
        %reduce_max3A_824 = arith.constant true
        %reduce_max3A_825 = vector.broadcast %reduce_max3A_824 : i1 to vector<16xi1>
        %reduce_max3A_826 = tpu.scan <max>, %select_n3A_819 masked %reduce_max3A_825 : vector<16xf32>, vector<16xi1> -> vector<16xf32>
        %reduce_max3A_827 = vector.extract %reduce_max3A_826[15] : f32 from vector<16xf32>
        %eq3A_828 = vector.broadcast %squeeze3A_363 : i32 to vector<16xi32>
        %eq3A_829 = arith.cmpi eq, %iota3A_346, %eq3A_828 : vector<16xi32>
        %broadcast_in_dim3A_830 = vector.broadcast %reduce_max3A_827 : f32 to vector<16xf32>
        %select_n3A_831 = arith.select %eq3A_829, %broadcast_in_dim3A_830, %get3A_358 : vector<16xi1>, vector<16xf32>
        %mul3A_832 = arith.constant 16 : i32
        %mul3A_833 = arith.muli %squeeze3A, %mul3A_832 : i32
        %swap3A_834 = arith.index_cast %mul3A_833 : i32 to index
        %swap3A_835 = tpu.vector_load %arg10[%swap3A_834] {strides = array<i32>} : memref<80xf32, #tpu.memory_space<vmem>>, vector<16xf32>,
        tpu.vector_store %arg10[%swap3A_834], %select_n3A_831 {strides = array<i32>} : memref<80xf32, #tpu.memory_space<vmem>>, vector<16xf32>,
        %reduce_max3A_836 = arith.constant true
        %reduce_max3A_837 = vector.broadcast %reduce_max3A_836 : i1 to vector<16xi1>
        %reduce_max3A_838 = tpu.scan <max>, %select_n3A_831 masked %reduce_max3A_837 : vector<16xf32>, vector<16xi1> -> vector<16xf32>
        %reduce_max3A_839 = vector.extract %reduce_max3A_838[15] : f32 from vector<16xf32>
        %eq3A_840 = vector.broadcast %squeeze3A : i32 to vector<16xi32>
        %eq3A_841 = arith.cmpi eq, %iota3A_346, %eq3A_840 : vector<16xi32>
        %broadcast_in_dim3A_842 = vector.broadcast %reduce_max3A_839 : f32 to vector<16xf32>
        %select_n3A_843 = arith.select %eq3A_841, %broadcast_in_dim3A_842, %get3A_348 : vector<16xi1>, vector<16xf32>
        %swap3A_844 = arith.constant 0 : index
        %swap3A_845 = tpu.vector_load %arg11[%swap3A_844] {strides = array<i32>} : memref<16xf32, #tpu.memory_space<vmem>>, vector<16xf32>,
        tpu.vector_store %arg11[%swap3A_844], %select_n3A_843 {strides = array<i32>} : memref<16xf32, #tpu.memory_space<vmem>>, vector<16xf32>,
        %convert_element_type3A_846 = arith.extui %and3A_802 : i1 to i32
        %cond3A_847 = arith.constant 0 : i32
        %cond3A_848 = arith.cmpi ne, %convert_element_type3A_846, %cond3A_847 : i32
        scf.if %cond3A_848 {
          %iota3A_852 = tpu.iota {dimensions = array<i32: 0>} : vector<16xi32>
          %lt3A_853 = arith.constant 1 : i32
          %lt3A_854 = vector.broadcast %lt3A_853 : i32 to vector<16xi32>
          %lt3A_855 = arith.cmpi slt, %iota3A_852, %lt3A_854 : vector<16xi32>
          %broadcast_in_dim3A_856 = arith.constant 0 : i32
          %broadcast_in_dim3A_857 = vector.broadcast %broadcast_in_dim3A_856 : i32 to vector<16xi32>
          %broadcast_in_dim3A_858 = vector.broadcast %while3A_344 : i32 to vector<16xi32>
          tpu.vector_store_idx %arg13[%broadcast_in_dim3A_857, %broadcast_in_dim3A_858], %gather3A masked %lt3A_855 : memref<4x128xf32, #tpu.memory_space<vmem>>[vector<16xi32>, vector<16xi32>], vector<16xf32>, vector<16xi1>
          %iota3A_859 = tpu.iota {dimensions = array<i32: 0>} : vector<16xi32>
          %lt3A_860 = arith.constant 1 : i32
          %lt3A_861 = vector.broadcast %lt3A_860 : i32 to vector<16xi32>
          %lt3A_862 = arith.cmpi slt, %iota3A_859, %lt3A_861 : vector<16xi32>
          %broadcast_in_dim3A_863 = arith.constant 1 : i32
          %broadcast_in_dim3A_864 = vector.broadcast %broadcast_in_dim3A_863 : i32 to vector<16xi32>
          %broadcast_in_dim3A_865 = vector.broadcast %while3A_344 : i32 to vector<16xi32>
          tpu.vector_store_idx %arg13[%broadcast_in_dim3A_864, %broadcast_in_dim3A_865], %gather3A_397 masked %lt3A_862 : memref<4x128xf32, #tpu.memory_space<vmem>>[vector<16xi32>, vector<16xi32>], vector<16xf32>, vector<16xi1>
          %iota3A_866 = tpu.iota {dimensions = array<i32: 0>} : vector<16xi32>
          %lt3A_867 = arith.constant 1 : i32
          %lt3A_868 = vector.broadcast %lt3A_867 : i32 to vector<16xi32>
          %lt3A_869 = arith.cmpi slt, %iota3A_866, %lt3A_868 : vector<16xi32>
          %broadcast_in_dim3A_870 = arith.constant 2 : i32
          %broadcast_in_dim3A_871 = vector.broadcast %broadcast_in_dim3A_870 : i32 to vector<16xi32>
          %broadcast_in_dim3A_872 = vector.broadcast %while3A_344 : i32 to vector<16xi32>
          tpu.vector_store_idx %arg13[%broadcast_in_dim3A_871, %broadcast_in_dim3A_872], %gather3A_401 masked %lt3A_869 : memref<4x128xf32, #tpu.memory_space<vmem>>[vector<16xi32>, vector<16xi32>], vector<16xf32>, vector<16xi1>
          %iota3A_873 = tpu.iota {dimensions = array<i32: 0>} : vector<16xi32>
          %lt3A_874 = arith.constant 1 : i32
          %lt3A_875 = vector.broadcast %lt3A_874 : i32 to vector<16xi32>
          %lt3A_876 = arith.cmpi slt, %iota3A_873, %lt3A_875 : vector<16xi32>
          %broadcast_in_dim3A_877 = arith.constant 3 : i32
          %broadcast_in_dim3A_878 = vector.broadcast %broadcast_in_dim3A_877 : i32 to vector<16xi32>
          %broadcast_in_dim3A_879 = vector.broadcast %while3A_344 : i32 to vector<16xi32>
          tpu.vector_store_idx %arg13[%broadcast_in_dim3A_878, %broadcast_in_dim3A_879], %gather3A_405 masked %lt3A_876 : memref<4x128xf32, #tpu.memory_space<vmem>>[vector<16xi32>, vector<16xi32>], vector<16xf32>, vector<16xi1>
          %iota3A_880 = tpu.iota {dimensions = array<i32: 0>} : vector<16xi32>
          %lt3A_881 = arith.constant 1 : i32
          %lt3A_882 = vector.broadcast %lt3A_881 : i32 to vector<16xi32>
          %lt3A_883 = arith.cmpi slt, %iota3A_880, %lt3A_882 : vector<16xi32>
          %broadcast_in_dim3A_884 = vector.broadcast %while3A_344 : i32 to vector<16xi32>
          %broadcast_in_dim3A_885 = vector.broadcast %reduce_max3A_352 : f32 to vector<16xf32>
          tpu.vector_store_idx %arg12[%broadcast_in_dim3A_884], %broadcast_in_dim3A_885 masked %lt3A_883 : memref<128xf32, #tpu.memory_space<vmem>>[vector<16xi32>], vector<16xf32>, vector<16xi1>
        } else {
        }
        %convert_element_type3A_849 = arith.extui %and3A_802 : i1 to i32
        %add3A_850 = arith.addi %while3A_344, %convert_element_type3A_849 : i32
        %convert_element_type3A_851 = arith.extui %gt3A_353 : i1 to i32
        scf.yield %add3A_850, %convert_element_type3A_851 : i32, i32
      }
      "tpu.region"() ({
        %run_scoped3A = tpu.sem_alloc : memref<!tpu.dma_semaphore, #tpu.memory_space<semaphore_mem>>
        %dma_start3A_344 = arith.constant 0 : i32
        %dma_start3A_345 = arith.constant 0 : i32
        %dma_start3A_346 = tpu.memref_slice %arg14[%shift_right_logical3A_0, %and3A_10, %dma_start3A_344, %dma_start3A_345] : memref<2x4x4x128xf32, #tpu.memory_space<vmem_shared>> -> memref<1x1x4x128xf32, #tpu.memory_space<vmem_shared>>
        %dma_start3A_347 = tpu.memref_squeeze %dma_start3A_346 : memref<1x1x4x128xf32, #tpu.memory_space<vmem_shared>> -> memref<4x128xf32, #tpu.memory_space<vmem_shared>>
        %dma_start3A_348 = arith.constant 0 : i32
        %dma_start3A_349 = arith.constant 0 : i32
        %dma_start3A_350 = tpu.memref_slice %arg14[%shift_right_logical3A_0, %and3A_10, %dma_start3A_348, %dma_start3A_349] : memref<2x4x4x128xf32, #tpu.memory_space<vmem_shared>> -> memref<1x1x4x128xf32, #tpu.memory_space<vmem_shared>>
        %dma_start3A_351 = tpu.memref_squeeze %dma_start3A_350 : memref<1x1x4x128xf32, #tpu.memory_space<vmem_shared>> -> memref<4x128xf32, #tpu.memory_space<vmem_shared>>
        tpu.enqueue_dma source(%arg13 : memref<4x128xf32, #tpu.memory_space<vmem>>) target(%dma_start3A_351 : memref<4x128xf32, #tpu.memory_space<vmem_shared>>) target_semaphore(%run_scoped3A : memref<!tpu.dma_semaphore, #tpu.memory_space<semaphore_mem>>)
        %dma_wait3A_352 = arith.constant 0 : i32
        %dma_wait3A_353 = arith.constant 0 : i32
        %dma_wait3A_354 = tpu.memref_slice %arg14[%shift_right_logical3A_0, %and3A_10, %dma_wait3A_352, %dma_wait3A_353] : memref<2x4x4x128xf32, #tpu.memory_space<vmem_shared>> -> memref<1x1x4x128xf32, #tpu.memory_space<vmem_shared>>
        %dma_wait3A_355 = tpu.memref_squeeze %dma_wait3A_354 : memref<1x1x4x128xf32, #tpu.memory_space<vmem_shared>> -> memref<4x128xf32, #tpu.memory_space<vmem_shared>>
        %dma_wait3A_356 = arith.constant 0 : i32
        %dma_wait3A_357 = arith.constant 0 : i32
        %dma_wait3A_358 = tpu.memref_slice %arg14[%shift_right_logical3A_0, %and3A_10, %dma_wait3A_356, %dma_wait3A_357] : memref<2x4x4x128xf32, #tpu.memory_space<vmem_shared>> -> memref<1x1x4x128xf32, #tpu.memory_space<vmem_shared>>
        %dma_wait3A_359 = tpu.memref_squeeze %dma_wait3A_358 : memref<1x1x4x128xf32, #tpu.memory_space<vmem_shared>> -> memref<4x128xf32, #tpu.memory_space<vmem_shared>>
        tpu.wait_dma2 semaphore(%run_scoped3A : memref<!tpu.dma_semaphore, #tpu.memory_space<semaphore_mem>>) src(%arg13 : memref<4x128xf32, #tpu.memory_space<vmem>>) dst(%dma_wait3A_359 : memref<4x128xf32, #tpu.memory_space<vmem_shared>>)
        tpu.yield
      }) : () -> ()
      "tpu.region"() ({
        %run_scoped3A = tpu.sem_alloc : memref<!tpu.dma_semaphore, #tpu.memory_space<semaphore_mem>>
        %dma_start3A_344 = arith.constant 0 : i32
        %dma_start3A_345 = tpu.memref_slice %arg15[%shift_right_logical3A_0, %and3A_10, %dma_start3A_344] : memref<2x4x128xf32, #tpu.memory_space<vmem_shared>> -> memref<1x1x128xf32, #tpu.memory_space<vmem_shared>>
        %dma_start3A_346 = tpu.memref_squeeze %dma_start3A_345 : memref<1x1x128xf32, #tpu.memory_space<vmem_shared>> -> memref<128xf32, #tpu.memory_space<vmem_shared>>
        %dma_start3A_347 = arith.constant 0 : i32
        %dma_start3A_348 = tpu.memref_slice %arg15[%shift_right_logical3A_0, %and3A_10, %dma_start3A_347] : memref<2x4x128xf32, #tpu.memory_space<vmem_shared>> -> memref<1x1x128xf32, #tpu.memory_space<vmem_shared>>
        %dma_start3A_349 = tpu.memref_squeeze %dma_start3A_348 : memref<1x1x128xf32, #tpu.memory_space<vmem_shared>> -> memref<128xf32, #tpu.memory_space<vmem_shared>>
        tpu.enqueue_dma source(%arg12 : memref<128xf32, #tpu.memory_space<vmem>>) target(%dma_start3A_349 : memref<128xf32, #tpu.memory_space<vmem_shared>>) target_semaphore(%run_scoped3A : memref<!tpu.dma_semaphore, #tpu.memory_space<semaphore_mem>>)
        %dma_wait3A_350 = arith.constant 0 : i32
        %dma_wait3A_351 = tpu.memref_slice %arg15[%shift_right_logical3A_0, %and3A_10, %dma_wait3A_350] : memref<2x4x128xf32, #tpu.memory_space<vmem_shared>> -> memref<1x1x128xf32, #tpu.memory_space<vmem_shared>>
        %dma_wait3A_352 = tpu.memref_squeeze %dma_wait3A_351 : memref<1x1x128xf32, #tpu.memory_space<vmem_shared>> -> memref<128xf32, #tpu.memory_space<vmem_shared>>
        %dma_wait3A_353 = arith.constant 0 : i32
        %dma_wait3A_354 = tpu.memref_slice %arg15[%shift_right_logical3A_0, %and3A_10, %dma_wait3A_353] : memref<2x4x128xf32, #tpu.memory_space<vmem_shared>> -> memref<1x1x128xf32, #tpu.memory_space<vmem_shared>>
        %dma_wait3A_355 = tpu.memref_squeeze %dma_wait3A_354 : memref<1x1x128xf32, #tpu.memory_space<vmem_shared>> -> memref<128xf32, #tpu.memory_space<vmem_shared>>
        tpu.wait_dma2 semaphore(%run_scoped3A : memref<!tpu.dma_semaphore, #tpu.memory_space<semaphore_mem>>) src(%arg12 : memref<128xf32, #tpu.memory_space<vmem>>) dst(%dma_wait3A_355 : memref<128xf32, #tpu.memory_space<vmem_shared>>)
        tpu.yield
      }) : () -> ()
    } else {
    }
    %barrier3A = arith.constant 0 : index
    tpu.barrier barrier_id(%barrier3A)
    %ge3A = arith.constant 8 : i32
    %ge3A_3 = arith.cmpi sge, %arg1, %ge3A : i32
    %lt3A_4 = arith.constant 10 : i32
    %lt3A_5 = arith.cmpi slt, %arg1, %lt3A_4 : i32
    %and3A = arith.andi %ge3A_3, %lt3A_5 : i1
    %convert_element_type3A_6 = arith.extui %and3A : i1 to i32
    %cond3A_7 = arith.constant 0 : i32
    %cond3A_8 = arith.cmpi ne, %convert_element_type3A_6, %cond3A_7 : i32
    scf.if %cond3A_8 {
      %sub3A = arith.constant 8 : i32
      %sub3A_9 = arith.subi %arg1, %sub3A : i32
      %mul3A = arith.constant 2 : i32
      %mul3A_10 = arith.muli %arg0, %mul3A : i32
      %add3A = arith.addi %mul3A_10, %sub3A_9 : i32
      "tpu.region"() ({
        %run_scoped3A_88 = tpu.sem_alloc : memref<!tpu.dma_semaphore, #tpu.memory_space<semaphore_mem>>
        %dma_start3A = arith.constant 0 : i32
        %dma_start3A_89 = arith.constant 0 : i32
        %dma_start3A_90 = arith.constant 0 : i32
        %dma_start3A_91 = tpu.memref_slice %arg14[%sub3A_9, %dma_start3A, %dma_start3A_89, %dma_start3A_90] : memref<2x4x4x128xf32, #tpu.memory_space<vmem_shared>> -> memref<1x4x4x128xf32, #tpu.memory_space<vmem_shared>>
        %dma_start3A_92 = tpu.memref_squeeze %dma_start3A_91 : memref<1x4x4x128xf32, #tpu.memory_space<vmem_shared>> -> memref<4x4x128xf32, #tpu.memory_space<vmem_shared>>
        %dma_start3A_93 = arith.constant 0 : i32
        %dma_start3A_94 = arith.constant 0 : i32
        %dma_start3A_95 = arith.constant 0 : i32
        %dma_start3A_96 = tpu.memref_slice %arg14[%sub3A_9, %dma_start3A_93, %dma_start3A_94, %dma_start3A_95] : memref<2x4x4x128xf32, #tpu.memory_space<vmem_shared>> -> memref<1x4x4x128xf32, #tpu.memory_space<vmem_shared>>
        %dma_start3A_97 = tpu.memref_squeeze %dma_start3A_96 : memref<1x4x4x128xf32, #tpu.memory_space<vmem_shared>> -> memref<4x4x128xf32, #tpu.memory_space<vmem_shared>>
        tpu.enqueue_dma source(%dma_start3A_97 : memref<4x4x128xf32, #tpu.memory_space<vmem_shared>>) target(%arg16 : memref<4x4x128xf32, #tpu.memory_space<vmem>>) target_semaphore(%run_scoped3A_88 : memref<!tpu.dma_semaphore, #tpu.memory_space<semaphore_mem>>)
        %dma_wait3A = arith.constant 0 : i32
        %dma_wait3A_98 = arith.constant 0 : i32
        %dma_wait3A_99 = arith.constant 0 : i32
        %dma_wait3A_100 = tpu.memref_slice %arg14[%sub3A_9, %dma_wait3A, %dma_wait3A_98, %dma_wait3A_99] : memref<2x4x4x128xf32, #tpu.memory_space<vmem_shared>> -> memref<1x4x4x128xf32, #tpu.memory_space<vmem_shared>>
        %dma_wait3A_101 = tpu.memref_squeeze %dma_wait3A_100 : memref<1x4x4x128xf32, #tpu.memory_space<vmem_shared>> -> memref<4x4x128xf32, #tpu.memory_space<vmem_shared>>
        %dma_wait3A_102 = arith.constant 0 : i32
        %dma_wait3A_103 = arith.constant 0 : i32
        %dma_wait3A_104 = arith.constant 0 : i32
        %dma_wait3A_105 = tpu.memref_slice %arg14[%sub3A_9, %dma_wait3A_102, %dma_wait3A_103, %dma_wait3A_104] : memref<2x4x4x128xf32, #tpu.memory_space<vmem_shared>> -> memref<1x4x4x128xf32, #tpu.memory_space<vmem_shared>>
        %dma_wait3A_106 = tpu.memref_squeeze %dma_wait3A_105 : memref<1x4x4x128xf32, #tpu.memory_space<vmem_shared>> -> memref<4x4x128xf32, #tpu.memory_space<vmem_shared>>
        tpu.wait_dma2 semaphore(%run_scoped3A_88 : memref<!tpu.dma_semaphore, #tpu.memory_space<semaphore_mem>>) src(%dma_wait3A_106 : memref<4x4x128xf32, #tpu.memory_space<vmem_shared>>) dst(%arg16 : memref<4x4x128xf32, #tpu.memory_space<vmem>>)
        tpu.yield
      }) : () -> ()
      %run_scoped3A = arith.constant 0 : i32
      "tpu.region"() ({
        %run_scoped3A_88 = tpu.sem_alloc : memref<!tpu.dma_semaphore, #tpu.memory_space<semaphore_mem>>
        %dma_start3A = arith.constant 0 : i32
        %dma_start3A_89 = tpu.memref_slice %arg17[%dma_start3A] : memref<512xf32, #tpu.memory_space<vmem>> -> memref<128xf32, #tpu.memory_space<vmem>>
        %dma_start3A_90 = arith.constant 0 : i32
        %dma_start3A_91 = tpu.memref_slice %arg15[%sub3A_9, %run_scoped3A, %dma_start3A_90] : memref<2x4x128xf32, #tpu.memory_space<vmem_shared>> -> memref<1x1x128xf32, #tpu.memory_space<vmem_shared>>
        %dma_start3A_92 = tpu.memref_squeeze %dma_start3A_91 : memref<1x1x128xf32, #tpu.memory_space<vmem_shared>> -> memref<128xf32, #tpu.memory_space<vmem_shared>>
        %dma_start3A_93 = arith.constant 0 : i32
        %dma_start3A_94 = tpu.memref_slice %arg17[%dma_start3A_93] : memref<512xf32, #tpu.memory_space<vmem>> -> memref<128xf32, #tpu.memory_space<vmem>>
        %dma_start3A_95 = arith.constant 0 : i32
        %dma_start3A_96 = tpu.memref_slice %arg15[%sub3A_9, %run_scoped3A, %dma_start3A_95] : memref<2x4x128xf32, #tpu.memory_space<vmem_shared>> -> memref<1x1x128xf32, #tpu.memory_space<vmem_shared>>
        %dma_start3A_97 = tpu.memref_squeeze %dma_start3A_96 : memref<1x1x128xf32, #tpu.memory_space<vmem_shared>> -> memref<128xf32, #tpu.memory_space<vmem_shared>>
        tpu.enqueue_dma source(%dma_start3A_97 : memref<128xf32, #tpu.memory_space<vmem_shared>>) target(%dma_start3A_94 : memref<128xf32, #tpu.memory_space<vmem>>) target_semaphore(%run_scoped3A_88 : memref<!tpu.dma_semaphore, #tpu.memory_space<semaphore_mem>>)
        %dma_wait3A = arith.constant 0 : i32
        %dma_wait3A_98 = tpu.memref_slice %arg17[%dma_wait3A] : memref<512xf32, #tpu.memory_space<vmem>> -> memref<128xf32, #tpu.memory_space<vmem>>
        %dma_wait3A_99 = arith.constant 0 : i32
        %dma_wait3A_100 = tpu.memref_slice %arg15[%sub3A_9, %run_scoped3A, %dma_wait3A_99] : memref<2x4x128xf32, #tpu.memory_space<vmem_shared>> -> memref<1x1x128xf32, #tpu.memory_space<vmem_shared>>
        %dma_wait3A_101 = tpu.memref_squeeze %dma_wait3A_100 : memref<1x1x128xf32, #tpu.memory_space<vmem_shared>> -> memref<128xf32, #tpu.memory_space<vmem_shared>>
        %dma_wait3A_102 = arith.constant 0 : i32
        %dma_wait3A_103 = tpu.memref_slice %arg17[%dma_wait3A_102] : memref<512xf32, #tpu.memory_space<vmem>> -> memref<128xf32, #tpu.memory_space<vmem>>
        %dma_wait3A_104 = arith.constant 0 : i32
        %dma_wait3A_105 = tpu.memref_slice %arg15[%sub3A_9, %run_scoped3A, %dma_wait3A_104] : memref<2x4x128xf32, #tpu.memory_space<vmem_shared>> -> memref<1x1x128xf32, #tpu.memory_space<vmem_shared>>
        %dma_wait3A_106 = tpu.memref_squeeze %dma_wait3A_105 : memref<1x1x128xf32, #tpu.memory_space<vmem_shared>> -> memref<128xf32, #tpu.memory_space<vmem_shared>>
        tpu.wait_dma2 semaphore(%run_scoped3A_88 : memref<!tpu.dma_semaphore, #tpu.memory_space<semaphore_mem>>) src(%dma_wait3A_106 : memref<128xf32, #tpu.memory_space<vmem_shared>>) dst(%dma_wait3A_103 : memref<128xf32, #tpu.memory_space<vmem>>)
        tpu.yield
      }) : () -> ()
      %run_scoped3A_11 = arith.constant 1 : i32
      "tpu.region"() ({
        %run_scoped3A_88 = tpu.sem_alloc : memref<!tpu.dma_semaphore, #tpu.memory_space<semaphore_mem>>
        %dma_start3A = arith.constant 128 : i32
        %dma_start3A_89 = tpu.memref_slice %arg17[%dma_start3A] : memref<512xf32, #tpu.memory_space<vmem>> -> memref<128xf32, #tpu.memory_space<vmem>>
        %dma_start3A_90 = arith.constant 0 : i32
        %dma_start3A_91 = tpu.memref_slice %arg15[%sub3A_9, %run_scoped3A_11, %dma_start3A_90] : memref<2x4x128xf32, #tpu.memory_space<vmem_shared>> -> memref<1x1x128xf32, #tpu.memory_space<vmem_shared>>
        %dma_start3A_92 = tpu.memref_squeeze %dma_start3A_91 : memref<1x1x128xf32, #tpu.memory_space<vmem_shared>> -> memref<128xf32, #tpu.memory_space<vmem_shared>>
        %dma_start3A_93 = arith.constant 128 : i32
        %dma_start3A_94 = tpu.memref_slice %arg17[%dma_start3A_93] : memref<512xf32, #tpu.memory_space<vmem>> -> memref<128xf32, #tpu.memory_space<vmem>>
        %dma_start3A_95 = arith.constant 0 : i32
        %dma_start3A_96 = tpu.memref_slice %arg15[%sub3A_9, %run_scoped3A_11, %dma_start3A_95] : memref<2x4x128xf32, #tpu.memory_space<vmem_shared>> -> memref<1x1x128xf32, #tpu.memory_space<vmem_shared>>
        %dma_start3A_97 = tpu.memref_squeeze %dma_start3A_96 : memref<1x1x128xf32, #tpu.memory_space<vmem_shared>> -> memref<128xf32, #tpu.memory_space<vmem_shared>>
        tpu.enqueue_dma source(%dma_start3A_97 : memref<128xf32, #tpu.memory_space<vmem_shared>>) target(%dma_start3A_94 : memref<128xf32, #tpu.memory_space<vmem>>) target_semaphore(%run_scoped3A_88 : memref<!tpu.dma_semaphore, #tpu.memory_space<semaphore_mem>>)
        %dma_wait3A = arith.constant 128 : i32
        %dma_wait3A_98 = tpu.memref_slice %arg17[%dma_wait3A] : memref<512xf32, #tpu.memory_space<vmem>> -> memref<128xf32, #tpu.memory_space<vmem>>
        %dma_wait3A_99 = arith.constant 0 : i32
        %dma_wait3A_100 = tpu.memref_slice %arg15[%sub3A_9, %run_scoped3A_11, %dma_wait3A_99] : memref<2x4x128xf32, #tpu.memory_space<vmem_shared>> -> memref<1x1x128xf32, #tpu.memory_space<vmem_shared>>
        %dma_wait3A_101 = tpu.memref_squeeze %dma_wait3A_100 : memref<1x1x128xf32, #tpu.memory_space<vmem_shared>> -> memref<128xf32, #tpu.memory_space<vmem_shared>>
        %dma_wait3A_102 = arith.constant 128 : i32
        %dma_wait3A_103 = tpu.memref_slice %arg17[%dma_wait3A_102] : memref<512xf32, #tpu.memory_space<vmem>> -> memref<128xf32, #tpu.memory_space<vmem>>
        %dma_wait3A_104 = arith.constant 0 : i32
        %dma_wait3A_105 = tpu.memref_slice %arg15[%sub3A_9, %run_scoped3A_11, %dma_wait3A_104] : memref<2x4x128xf32, #tpu.memory_space<vmem_shared>> -> memref<1x1x128xf32, #tpu.memory_space<vmem_shared>>
        %dma_wait3A_106 = tpu.memref_squeeze %dma_wait3A_105 : memref<1x1x128xf32, #tpu.memory_space<vmem_shared>> -> memref<128xf32, #tpu.memory_space<vmem_shared>>
        tpu.wait_dma2 semaphore(%run_scoped3A_88 : memref<!tpu.dma_semaphore, #tpu.memory_space<semaphore_mem>>) src(%dma_wait3A_106 : memref<128xf32, #tpu.memory_space<vmem_shared>>) dst(%dma_wait3A_103 : memref<128xf32, #tpu.memory_space<vmem>>)
        tpu.yield
      }) : () -> ()
      %run_scoped3A_12 = arith.constant 2 : i32
      "tpu.region"() ({
        %run_scoped3A_88 = tpu.sem_alloc : memref<!tpu.dma_semaphore, #tpu.memory_space<semaphore_mem>>
        %dma_start3A = arith.constant 256 : i32
        %dma_start3A_89 = tpu.memref_slice %arg17[%dma_start3A] : memref<512xf32, #tpu.memory_space<vmem>> -> memref<128xf32, #tpu.memory_space<vmem>>
        %dma_start3A_90 = arith.constant 0 : i32
        %dma_start3A_91 = tpu.memref_slice %arg15[%sub3A_9, %run_scoped3A_12, %dma_start3A_90] : memref<2x4x128xf32, #tpu.memory_space<vmem_shared>> -> memref<1x1x128xf32, #tpu.memory_space<vmem_shared>>
        %dma_start3A_92 = tpu.memref_squeeze %dma_start3A_91 : memref<1x1x128xf32, #tpu.memory_space<vmem_shared>> -> memref<128xf32, #tpu.memory_space<vmem_shared>>
        %dma_start3A_93 = arith.constant 256 : i32
        %dma_start3A_94 = tpu.memref_slice %arg17[%dma_start3A_93] : memref<512xf32, #tpu.memory_space<vmem>> -> memref<128xf32, #tpu.memory_space<vmem>>
        %dma_start3A_95 = arith.constant 0 : i32
        %dma_start3A_96 = tpu.memref_slice %arg15[%sub3A_9, %run_scoped3A_12, %dma_start3A_95] : memref<2x4x128xf32, #tpu.memory_space<vmem_shared>> -> memref<1x1x128xf32, #tpu.memory_space<vmem_shared>>
        %dma_start3A_97 = tpu.memref_squeeze %dma_start3A_96 : memref<1x1x128xf32, #tpu.memory_space<vmem_shared>> -> memref<128xf32, #tpu.memory_space<vmem_shared>>
        tpu.enqueue_dma source(%dma_start3A_97 : memref<128xf32, #tpu.memory_space<vmem_shared>>) target(%dma_start3A_94 : memref<128xf32, #tpu.memory_space<vmem>>) target_semaphore(%run_scoped3A_88 : memref<!tpu.dma_semaphore, #tpu.memory_space<semaphore_mem>>)
        %dma_wait3A = arith.constant 256 : i32
        %dma_wait3A_98 = tpu.memref_slice %arg17[%dma_wait3A] : memref<512xf32, #tpu.memory_space<vmem>> -> memref<128xf32, #tpu.memory_space<vmem>>
        %dma_wait3A_99 = arith.constant 0 : i32
        %dma_wait3A_100 = tpu.memref_slice %arg15[%sub3A_9, %run_scoped3A_12, %dma_wait3A_99] : memref<2x4x128xf32, #tpu.memory_space<vmem_shared>> -> memref<1x1x128xf32, #tpu.memory_space<vmem_shared>>
        %dma_wait3A_101 = tpu.memref_squeeze %dma_wait3A_100 : memref<1x1x128xf32, #tpu.memory_space<vmem_shared>> -> memref<128xf32, #tpu.memory_space<vmem_shared>>
        %dma_wait3A_102 = arith.constant 256 : i32
        %dma_wait3A_103 = tpu.memref_slice %arg17[%dma_wait3A_102] : memref<512xf32, #tpu.memory_space<vmem>> -> memref<128xf32, #tpu.memory_space<vmem>>
        %dma_wait3A_104 = arith.constant 0 : i32
        %dma_wait3A_105 = tpu.memref_slice %arg15[%sub3A_9, %run_scoped3A_12, %dma_wait3A_104] : memref<2x4x128xf32, #tpu.memory_space<vmem_shared>> -> memref<1x1x128xf32, #tpu.memory_space<vmem_shared>>
        %dma_wait3A_106 = tpu.memref_squeeze %dma_wait3A_105 : memref<1x1x128xf32, #tpu.memory_space<vmem_shared>> -> memref<128xf32, #tpu.memory_space<vmem_shared>>
        tpu.wait_dma2 semaphore(%run_scoped3A_88 : memref<!tpu.dma_semaphore, #tpu.memory_space<semaphore_mem>>) src(%dma_wait3A_106 : memref<128xf32, #tpu.memory_space<vmem_shared>>) dst(%dma_wait3A_103 : memref<128xf32, #tpu.memory_space<vmem>>)
        tpu.yield
      }) : () -> ()
      %run_scoped3A_13 = arith.constant 3 : i32
      "tpu.region"() ({
        %run_scoped3A_88 = tpu.sem_alloc : memref<!tpu.dma_semaphore, #tpu.memory_space<semaphore_mem>>
        %dma_start3A = arith.constant 384 : i32
        %dma_start3A_89 = tpu.memref_slice %arg17[%dma_start3A] : memref<512xf32, #tpu.memory_space<vmem>> -> memref<128xf32, #tpu.memory_space<vmem>>
        %dma_start3A_90 = arith.constant 0 : i32
        %dma_start3A_91 = tpu.memref_slice %arg15[%sub3A_9, %run_scoped3A_13, %dma_start3A_90] : memref<2x4x128xf32, #tpu.memory_space<vmem_shared>> -> memref<1x1x128xf32, #tpu.memory_space<vmem_shared>>
        %dma_start3A_92 = tpu.memref_squeeze %dma_start3A_91 : memref<1x1x128xf32, #tpu.memory_space<vmem_shared>> -> memref<128xf32, #tpu.memory_space<vmem_shared>>
        %dma_start3A_93 = arith.constant 384 : i32
        %dma_start3A_94 = tpu.memref_slice %arg17[%dma_start3A_93] : memref<512xf32, #tpu.memory_space<vmem>> -> memref<128xf32, #tpu.memory_space<vmem>>
        %dma_start3A_95 = arith.constant 0 : i32
        %dma_start3A_96 = tpu.memref_slice %arg15[%sub3A_9, %run_scoped3A_13, %dma_start3A_95] : memref<2x4x128xf32, #tpu.memory_space<vmem_shared>> -> memref<1x1x128xf32, #tpu.memory_space<vmem_shared>>
        %dma_start3A_97 = tpu.memref_squeeze %dma_start3A_96 : memref<1x1x128xf32, #tpu.memory_space<vmem_shared>> -> memref<128xf32, #tpu.memory_space<vmem_shared>>
        tpu.enqueue_dma source(%dma_start3A_97 : memref<128xf32, #tpu.memory_space<vmem_shared>>) target(%dma_start3A_94 : memref<128xf32, #tpu.memory_space<vmem>>) target_semaphore(%run_scoped3A_88 : memref<!tpu.dma_semaphore, #tpu.memory_space<semaphore_mem>>)
        %dma_wait3A = arith.constant 384 : i32
        %dma_wait3A_98 = tpu.memref_slice %arg17[%dma_wait3A] : memref<512xf32, #tpu.memory_space<vmem>> -> memref<128xf32, #tpu.memory_space<vmem>>
        %dma_wait3A_99 = arith.constant 0 : i32
        %dma_wait3A_100 = tpu.memref_slice %arg15[%sub3A_9, %run_scoped3A_13, %dma_wait3A_99] : memref<2x4x128xf32, #tpu.memory_space<vmem_shared>> -> memref<1x1x128xf32, #tpu.memory_space<vmem_shared>>
        %dma_wait3A_101 = tpu.memref_squeeze %dma_wait3A_100 : memref<1x1x128xf32, #tpu.memory_space<vmem_shared>> -> memref<128xf32, #tpu.memory_space<vmem_shared>>
        %dma_wait3A_102 = arith.constant 384 : i32
        %dma_wait3A_103 = tpu.memref_slice %arg17[%dma_wait3A_102] : memref<512xf32, #tpu.memory_space<vmem>> -> memref<128xf32, #tpu.memory_space<vmem>>
        %dma_wait3A_104 = arith.constant 0 : i32
        %dma_wait3A_105 = tpu.memref_slice %arg15[%sub3A_9, %run_scoped3A_13, %dma_wait3A_104] : memref<2x4x128xf32, #tpu.memory_space<vmem_shared>> -> memref<1x1x128xf32, #tpu.memory_space<vmem_shared>>
        %dma_wait3A_106 = tpu.memref_squeeze %dma_wait3A_105 : memref<1x1x128xf32, #tpu.memory_space<vmem_shared>> -> memref<128xf32, #tpu.memory_space<vmem_shared>>
        tpu.wait_dma2 semaphore(%run_scoped3A_88 : memref<!tpu.dma_semaphore, #tpu.memory_space<semaphore_mem>>) src(%dma_wait3A_106 : memref<128xf32, #tpu.memory_space<vmem_shared>>) dst(%dma_wait3A_103 : memref<128xf32, #tpu.memory_space<vmem>>)
        tpu.yield
      }) : () -> ()
      %scan3A = arith.constant 0 : i32
      %scan3A_14 = arith.constant 0 : i32
      %scan3A_15 = arith.constant 32 : i32
      %scan3A_16 = arith.addi %scan3A_14, %scan3A_15 : i32
      %scan3A_17 = arith.constant 1 : i32
      %scan3A_18 = scf.for %scan3A_88 = %scan3A_14 to %scan3A_16 step %scan3A_17 iter_args(%scan3A_89 = %scan3A) -> (i32)  : i32 {
        %mul3A_90 = arith.constant 16 : i32
        %mul3A_91 = arith.muli %scan3A_88, %mul3A_90 : i32
        %get3A = arith.index_cast %mul3A_91 : i32 to index
        %get3A_92 = tpu.vector_load %arg17[%get3A] {strides = array<i32>} : memref<512xf32, #tpu.memory_space<vmem>>, vector<16xf32>,
        %reduce_max3A = arith.constant true
        %reduce_max3A_93 = vector.broadcast %reduce_max3A : i1 to vector<16xi1>
        %reduce_max3A_94 = tpu.scan <max>, %get3A_92 masked %reduce_max3A_93 : vector<16xf32>, vector<16xi1> -> vector<16xf32>
        %reduce_max3A_95 = vector.extract %reduce_max3A_94[15] : f32 from vector<16xf32>
        %iota3A = tpu.iota {dimensions = array<i32: 0>} : vector<16xi32>
        %lt3A_96 = arith.constant 1 : i32
        %lt3A_97 = vector.broadcast %lt3A_96 : i32 to vector<16xi32>
        %lt3A_98 = arith.cmpi slt, %iota3A, %lt3A_97 : vector<16xi32>
        %broadcast_in_dim3A_99 = vector.broadcast %scan3A_88 : i32 to vector<16xi32>
        %broadcast_in_dim3A_100 = vector.broadcast %reduce_max3A_95 : f32 to vector<16xf32>
        tpu.vector_store_idx %arg18[%broadcast_in_dim3A_99], %broadcast_in_dim3A_100 masked %lt3A_98 : memref<32xf32, #tpu.memory_space<vmem>>[vector<16xi32>], vector<16xf32>, vector<16xi1>
        %scan3A_101 = arith.constant 0 : i32
        scf.yield %scan3A_101 : i32
      }
      %scan3A_19 = arith.constant 32 : i32
      %scan3A_20 = arith.constant 0 : i32
      %scan3A_21 = arith.constant 0 : i32
      %scan3A_22 = arith.constant 25 : i32
      %scan3A_23 = arith.addi %scan3A_21, %scan3A_22 : i32
      %scan3A_24 = arith.constant 1 : i32
      %scan3A_25 = scf.for %scan3A_88 = %scan3A_21 to %scan3A_23 step %scan3A_24 iter_args(%scan3A_89 = %scan3A_20) -> (i32)  : i32 {
        %broadcast_in_dim3A_90 = arith.constant 0.000000e+00 : f32
        %broadcast_in_dim3A_91 = vector.broadcast %broadcast_in_dim3A_90 : f32 to vector<16xf32>
        %mul3A_92 = arith.constant 16 : i32
        %mul3A_93 = arith.muli %scan3A_88, %mul3A_92 : i32
        %swap3A_94 = arith.index_cast %mul3A_93 : i32 to index
        %swap3A_95 = tpu.vector_load %arg19[%swap3A_94] {strides = array<i32>} : memref<400xf32, #tpu.memory_space<vmem>>, vector<16xf32>,
        tpu.vector_store %arg19[%swap3A_94], %broadcast_in_dim3A_91 {strides = array<i32>} : memref<400xf32, #tpu.memory_space<vmem>>, vector<16xf32>,
        %scan3A_96 = arith.constant 0 : i32
        scf.yield %scan3A_96 : i32
      }
      %scan3A_26 = arith.constant 25 : i32
      %broadcast_in_dim3A = arith.constant 0.000000e+00 : f32
      %broadcast_in_dim3A_27 = vector.broadcast %broadcast_in_dim3A : f32 to vector<16xf32>
      %swap3A = arith.constant 0 : index
      %swap3A_28 = tpu.vector_load %arg20[%swap3A] {strides = array<i32>} : memref<104xf32, #tpu.memory_space<vmem>>, vector<16xf32>,
      tpu.vector_store %arg20[%swap3A], %broadcast_in_dim3A_27 {strides = array<i32>} : memref<104xf32, #tpu.memory_space<vmem>>, vector<16xf32>,
      %broadcast_in_dim3A_29 = arith.constant 0.000000e+00 : f32
      %broadcast_in_dim3A_30 = vector.broadcast %broadcast_in_dim3A_29 : f32 to vector<16xf32>
      %swap3A_31 = arith.constant 0 : index
      %swap3A_32 = tpu.vector_load %arg21[%swap3A_31] {strides = array<i32>} : memref<104xf32, #tpu.memory_space<vmem>>, vector<16xf32>,
      tpu.vector_store %arg21[%swap3A_31], %broadcast_in_dim3A_30 {strides = array<i32>} : memref<104xf32, #tpu.memory_space<vmem>>, vector<16xf32>,
      %broadcast_in_dim3A_33 = arith.constant 0.000000e+00 : f32
      %broadcast_in_dim3A_34 = vector.broadcast %broadcast_in_dim3A_33 : f32 to vector<16xf32>
      %swap3A_35 = arith.constant 16 : index
      %swap3A_36 = tpu.vector_load %arg20[%swap3A_35] {strides = array<i32>} : memref<104xf32, #tpu.memory_space<vmem>>, vector<16xf32>,
      tpu.vector_store %arg20[%swap3A_35], %broadcast_in_dim3A_34 {strides = array<i32>} : memref<104xf32, #tpu.memory_space<vmem>>, vector<16xf32>,
      %broadcast_in_dim3A_37 = arith.constant 0.000000e+00 : f32
      %broadcast_in_dim3A_38 = vector.broadcast %broadcast_in_dim3A_37 : f32 to vector<16xf32>
      %swap3A_39 = arith.constant 16 : index
      %swap3A_40 = tpu.vector_load %arg21[%swap3A_39] {strides = array<i32>} : memref<104xf32, #tpu.memory_space<vmem>>, vector<16xf32>,
      tpu.vector_store %arg21[%swap3A_39], %broadcast_in_dim3A_38 {strides = array<i32>} : memref<104xf32, #tpu.memory_space<vmem>>, vector<16xf32>,
      %broadcast_in_dim3A_41 = arith.constant 0.000000e+00 : f32
      %broadcast_in_dim3A_42 = vector.broadcast %broadcast_in_dim3A_41 : f32 to vector<16xf32>
      %swap3A_43 = arith.constant 32 : index
      %swap3A_44 = tpu.vector_load %arg20[%swap3A_43] {strides = array<i32>} : memref<104xf32, #tpu.memory_space<vmem>>, vector<16xf32>,
      tpu.vector_store %arg20[%swap3A_43], %broadcast_in_dim3A_42 {strides = array<i32>} : memref<104xf32, #tpu.memory_space<vmem>>, vector<16xf32>,
      %broadcast_in_dim3A_45 = arith.constant 0.000000e+00 : f32
      %broadcast_in_dim3A_46 = vector.broadcast %broadcast_in_dim3A_45 : f32 to vector<16xf32>
      %swap3A_47 = arith.constant 32 : index
      %swap3A_48 = tpu.vector_load %arg21[%swap3A_47] {strides = array<i32>} : memref<104xf32, #tpu.memory_space<vmem>>, vector<16xf32>,
      tpu.vector_store %arg21[%swap3A_47], %broadcast_in_dim3A_46 {strides = array<i32>} : memref<104xf32, #tpu.memory_space<vmem>>, vector<16xf32>,
      %broadcast_in_dim3A_49 = arith.constant 0.000000e+00 : f32
      %broadcast_in_dim3A_50 = vector.broadcast %broadcast_in_dim3A_49 : f32 to vector<16xf32>
      %swap3A_51 = arith.constant 48 : index
      %swap3A_52 = tpu.vector_load %arg20[%swap3A_51] {strides = array<i32>} : memref<104xf32, #tpu.memory_space<vmem>>, vector<16xf32>,
      tpu.vector_store %arg20[%swap3A_51], %broadcast_in_dim3A_50 {strides = array<i32>} : memref<104xf32, #tpu.memory_space<vmem>>, vector<16xf32>,
      %broadcast_in_dim3A_53 = arith.constant 0.000000e+00 : f32
      %broadcast_in_dim3A_54 = vector.broadcast %broadcast_in_dim3A_53 : f32 to vector<16xf32>
      %swap3A_55 = arith.constant 48 : index
      %swap3A_56 = tpu.vector_load %arg21[%swap3A_55] {strides = array<i32>} : memref<104xf32, #tpu.memory_space<vmem>>, vector<16xf32>,
      tpu.vector_store %arg21[%swap3A_55], %broadcast_in_dim3A_54 {strides = array<i32>} : memref<104xf32, #tpu.memory_space<vmem>>, vector<16xf32>,
      %broadcast_in_dim3A_57 = arith.constant 0.000000e+00 : f32
      %broadcast_in_dim3A_58 = vector.broadcast %broadcast_in_dim3A_57 : f32 to vector<16xf32>
      %swap3A_59 = arith.constant 64 : index
      %swap3A_60 = tpu.vector_load %arg20[%swap3A_59] {strides = array<i32>} : memref<104xf32, #tpu.memory_space<vmem>>, vector<16xf32>,
      tpu.vector_store %arg20[%swap3A_59], %broadcast_in_dim3A_58 {strides = array<i32>} : memref<104xf32, #tpu.memory_space<vmem>>, vector<16xf32>,
      %broadcast_in_dim3A_61 = arith.constant 0.000000e+00 : f32
      %broadcast_in_dim3A_62 = vector.broadcast %broadcast_in_dim3A_61 : f32 to vector<16xf32>
      %swap3A_63 = arith.constant 64 : index
      %swap3A_64 = tpu.vector_load %arg21[%swap3A_63] {strides = array<i32>} : memref<104xf32, #tpu.memory_space<vmem>>, vector<16xf32>,
      tpu.vector_store %arg21[%swap3A_63], %broadcast_in_dim3A_62 {strides = array<i32>} : memref<104xf32, #tpu.memory_space<vmem>>, vector<16xf32>,
      %broadcast_in_dim3A_65 = arith.constant 0.000000e+00 : f32
      %broadcast_in_dim3A_66 = vector.broadcast %broadcast_in_dim3A_65 : f32 to vector<16xf32>
      %swap3A_67 = arith.constant 80 : index
      %swap3A_68 = tpu.vector_load %arg20[%swap3A_67] {strides = array<i32>} : memref<104xf32, #tpu.memory_space<vmem>>, vector<16xf32>,
      tpu.vector_store %arg20[%swap3A_67], %broadcast_in_dim3A_66 {strides = array<i32>} : memref<104xf32, #tpu.memory_space<vmem>>, vector<16xf32>,
      %broadcast_in_dim3A_69 = arith.constant 0.000000e+00 : f32
      %broadcast_in_dim3A_70 = vector.broadcast %broadcast_in_dim3A_69 : f32 to vector<16xf32>
      %swap3A_71 = arith.constant 80 : index
      %swap3A_72 = tpu.vector_load %arg21[%swap3A_71] {strides = array<i32>} : memref<104xf32, #tpu.memory_space<vmem>>, vector<16xf32>,
      tpu.vector_store %arg21[%swap3A_71], %broadcast_in_dim3A_70 {strides = array<i32>} : memref<104xf32, #tpu.memory_space<vmem>>, vector<16xf32>,
      %broadcast_in_dim3A_73 = arith.constant 0.000000e+00 : f32
      %broadcast_in_dim3A_74 = vector.broadcast %broadcast_in_dim3A_73 : f32 to vector<16xf32>
      %swap3A_75 = arith.constant 88 : index
      %swap3A_76 = tpu.vector_load %arg20[%swap3A_75] {strides = array<i32>} : memref<104xf32, #tpu.memory_space<vmem>>, vector<16xf32>,
      tpu.vector_store %arg20[%swap3A_75], %broadcast_in_dim3A_74 {strides = array<i32>} : memref<104xf32, #tpu.memory_space<vmem>>, vector<16xf32>,
      %broadcast_in_dim3A_77 = arith.constant 0.000000e+00 : f32
      %broadcast_in_dim3A_78 = vector.broadcast %broadcast_in_dim3A_77 : f32 to vector<16xf32>
      %swap3A_79 = arith.constant 88 : index
      %swap3A_80 = tpu.vector_load %arg21[%swap3A_79] {strides = array<i32>} : memref<104xf32, #tpu.memory_space<vmem>>, vector<16xf32>,
      tpu.vector_store %arg21[%swap3A_79], %broadcast_in_dim3A_78 {strides = array<i32>} : memref<104xf32, #tpu.memory_space<vmem>>, vector<16xf32>,
      %scan3A_81 = arith.constant 0 : i32
      %scan3A_82 = arith.constant 0 : i32
      %scan3A_83 = arith.constant 100 : i32
      %scan3A_84 = arith.addi %scan3A_82, %scan3A_83 : i32
      %scan3A_85 = arith.constant 1 : i32
      %scan3A_86 = scf.for %scan3A_88 = %scan3A_82 to %scan3A_84 step %scan3A_85 iter_args(%scan3A_89 = %scan3A_81) -> (i32)  : i32 {
        %get3A = arith.constant 0 : index
        %get3A_90 = tpu.vector_load %arg18[%get3A] {strides = array<i32>} : memref<32xf32, #tpu.memory_space<vmem>>, vector<16xf32>,
        %get3A_91 = arith.constant 16 : index
        %get3A_92 = tpu.vector_load %arg18[%get3A_91] {strides = array<i32>} : memref<32xf32, #tpu.memory_space<vmem>>, vector<16xf32>,
        %reduce_max3A = arith.constant true
        %reduce_max3A_93 = vector.broadcast %reduce_max3A : i1 to vector<16xi1>
        %reduce_max3A_94 = tpu.scan <max>, %get3A_90 masked %reduce_max3A_93 : vector<16xf32>, vector<16xi1> -> vector<16xf32>
        %reduce_max3A_95 = vector.extract %reduce_max3A_94[15] : f32 from vector<16xf32>
        %reduce_max3A_96 = arith.constant true
        %reduce_max3A_97 = vector.broadcast %reduce_max3A_96 : i1 to vector<16xi1>
        %reduce_max3A_98 = tpu.scan <max>, %get3A_92 masked %reduce_max3A_97 : vector<16xf32>, vector<16xi1> -> vector<16xf32>
        %reduce_max3A_99 = vector.extract %reduce_max3A_98[15] : f32 from vector<16xf32>
        %max3A = arith.maximumf %reduce_max3A_95, %reduce_max3A_99 : f32
        %eq3A = vector.broadcast %max3A : f32 to vector<16xf32>
        %eq3A_100 = arith.cmpf oeq, %get3A_90, %eq3A : vector<16xf32>
        %all_reduce_ffs3A = tpu.all_reduce %eq3A_100 {dim = 0 : i64, kind = #tpu.reduction_kind<find_first_set>} : vector<16xi1> -> vector<16xi32>
        %slice3A = vector.extract_strided_slice %all_reduce_ffs3A {offsets = [0], sizes = [1], strides = [1]} : vector<16xi32> to vector<1xi32>
        %squeeze3A = vector.extract %slice3A[0] : i32 from vector<1xi32>
        %eq3A_101 = vector.broadcast %max3A : f32 to vector<16xf32>
        %eq3A_102 = arith.cmpf oeq, %get3A_92, %eq3A_101 : vector<16xf32>
        %all_reduce_ffs3A_103 = tpu.all_reduce %eq3A_102 {dim = 0 : i64, kind = #tpu.reduction_kind<find_first_set>} : vector<16xi1> -> vector<16xi32>
        %slice3A_104 = vector.extract_strided_slice %all_reduce_ffs3A_103 {offsets = [0], sizes = [1], strides = [1]} : vector<16xi32> to vector<1xi32>
        %squeeze3A_105 = vector.extract %slice3A_104[0] : i32 from vector<1xi32>
        %lt3A_106 = arith.constant 16 : i32
        %lt3A_107 = arith.cmpi slt, %squeeze3A, %lt3A_106 : i32
        %add3A_108 = arith.constant 16 : i32
        %add3A_109 = arith.addi %add3A_108, %squeeze3A_105 : i32
        %select_n3A = arith.select %lt3A_107, %squeeze3A, %add3A_109 : i32
        %mul3A_110 = arith.constant 16 : i32
        %mul3A_111 = arith.muli %select_n3A, %mul3A_110 : i32
        %get3A_112 = arith.index_cast %mul3A_111 : i32 to index
        %get3A_113 = tpu.vector_load %arg17[%get3A_112] {strides = array<i32>} : memref<512xf32, #tpu.memory_space<vmem>>, vector<16xf32>,
        %mul3A_114 = arith.constant 16 : i32
        %mul3A_115 = arith.muli %select_n3A, %mul3A_114 : i32
        %eq3A_116 = vector.broadcast %max3A : f32 to vector<16xf32>
        %eq3A_117 = arith.cmpf oeq, %get3A_113, %eq3A_116 : vector<16xf32>
        %all_reduce_ffs3A_118 = tpu.all_reduce %eq3A_117 {dim = 0 : i64, kind = #tpu.reduction_kind<find_first_set>} : vector<16xi1> -> vector<16xi32>
        %slice3A_119 = vector.extract_strided_slice %all_reduce_ffs3A_118 {offsets = [0], sizes = [1], strides = [1]} : vector<16xi32> to vector<1xi32>
        %squeeze3A_120 = vector.extract %slice3A_119[0] : i32 from vector<1xi32>
        %add3A_121 = arith.addi %mul3A_115, %squeeze3A_120 : i32
        %gt3A = arith.constant -5.000000e+08 : f32
        %gt3A_122 = arith.cmpf ogt, %max3A, %gt3A : f32
        %shift_right_logical3A_123 = arith.constant 7 : i32
        %shift_right_logical3A_124 = arith.shrui %add3A_121, %shift_right_logical3A_123 : i32
        %and3A_125 = arith.constant 127 : i32
        %and3A_126 = arith.andi %add3A_121, %and3A_125 : i32
        %broadcast_in_dim3A_127 = vector.broadcast %shift_right_logical3A_124 : i32 to vector<16xi32>
        %broadcast_in_dim3A_128 = arith.constant 0 : i32
        %broadcast_in_dim3A_129 = vector.broadcast %broadcast_in_dim3A_128 : i32 to vector<16xi32>
        %broadcast_in_dim3A_130 = vector.broadcast %and3A_126 : i32 to vector<16xi32>
        %gather3A = tpu.vector_load_idx %arg16[%broadcast_in_dim3A_127, %broadcast_in_dim3A_129, %broadcast_in_dim3A_130] : memref<4x4x128xf32, #tpu.memory_space<vmem>>[vector<16xi32>, vector<16xi32>, vector<16xi32>], vector<16xf32>,
        %broadcast_in_dim3A_131 = vector.broadcast %shift_right_logical3A_124 : i32 to vector<16xi32>
        %broadcast_in_dim3A_132 = arith.constant 1 : i32
        %broadcast_in_dim3A_133 = vector.broadcast %broadcast_in_dim3A_132 : i32 to vector<16xi32>
        %broadcast_in_dim3A_134 = vector.broadcast %and3A_126 : i32 to vector<16xi32>
        %gather3A_135 = tpu.vector_load_idx %arg16[%broadcast_in_dim3A_131, %broadcast_in_dim3A_133, %broadcast_in_dim3A_134] : memref<4x4x128xf32, #tpu.memory_space<vmem>>[vector<16xi32>, vector<16xi32>, vector<16xi32>], vector<16xf32>,
        %broadcast_in_dim3A_136 = vector.broadcast %shift_right_logical3A_124 : i32 to vector<16xi32>
        %broadcast_in_dim3A_137 = arith.constant 2 : i32
        %broadcast_in_dim3A_138 = vector.broadcast %broadcast_in_dim3A_137 : i32 to vector<16xi32>
        %broadcast_in_dim3A_139 = vector.broadcast %and3A_126 : i32 to vector<16xi32>
        %gather3A_140 = tpu.vector_load_idx %arg16[%broadcast_in_dim3A_136, %broadcast_in_dim3A_138, %broadcast_in_dim3A_139] : memref<4x4x128xf32, #tpu.memory_space<vmem>>[vector<16xi32>, vector<16xi32>, vector<16xi32>], vector<16xf32>,
        %broadcast_in_dim3A_141 = vector.broadcast %shift_right_logical3A_124 : i32 to vector<16xi32>
        %broadcast_in_dim3A_142 = arith.constant 3 : i32
        %broadcast_in_dim3A_143 = vector.broadcast %broadcast_in_dim3A_142 : i32 to vector<16xi32>
        %broadcast_in_dim3A_144 = vector.broadcast %and3A_126 : i32 to vector<16xi32>
        %gather3A_145 = tpu.vector_load_idx %arg16[%broadcast_in_dim3A_141, %broadcast_in_dim3A_143, %broadcast_in_dim3A_144] : memref<4x4x128xf32, #tpu.memory_space<vmem>>[vector<16xi32>, vector<16xi32>, vector<16xi32>], vector<16xf32>,
        %convert_element_type3A_146 = arith.extui %gt3A_122 : i1 to i32
        %cond3A_147 = arith.constant 0 : i32
        %cond3A_148 = arith.cmpi ne, %convert_element_type3A_146, %cond3A_147 : i32
        scf.if %cond3A_148 {
          %iota3A = tpu.iota {dimensions = array<i32: 0>} : vector<16xi32>
          %lt3A_150 = arith.constant 1 : i32
          %lt3A_151 = vector.broadcast %lt3A_150 : i32 to vector<16xi32>
          %lt3A_152 = arith.cmpi slt, %iota3A, %lt3A_151 : vector<16xi32>
          %broadcast_in_dim3A_153 = vector.broadcast %add3A_121 : i32 to vector<16xi32>
          %broadcast_in_dim3A_154 = arith.constant -1.000000e+09 : f32
          %broadcast_in_dim3A_155 = vector.broadcast %broadcast_in_dim3A_154 : f32 to vector<16xf32>
          tpu.vector_store_idx %arg17[%broadcast_in_dim3A_153], %broadcast_in_dim3A_155 masked %lt3A_152 : memref<512xf32, #tpu.memory_space<vmem>>[vector<16xi32>], vector<16xf32>, vector<16xi1>
          %mul3A_156 = arith.constant 16 : i32
          %mul3A_157 = arith.muli %select_n3A, %mul3A_156 : i32
          %get3A_158 = arith.index_cast %mul3A_157 : i32 to index
          %get3A_159 = tpu.vector_load %arg17[%get3A_158] {strides = array<i32>} : memref<512xf32, #tpu.memory_space<vmem>>, vector<16xf32>,
          %reduce_max3A_160 = arith.constant true
          %reduce_max3A_161 = vector.broadcast %reduce_max3A_160 : i1 to vector<16xi1>
          %reduce_max3A_162 = tpu.scan <max>, %get3A_159 masked %reduce_max3A_161 : vector<16xf32>, vector<16xi1> -> vector<16xf32>
          %reduce_max3A_163 = vector.extract %reduce_max3A_162[15] : f32 from vector<16xf32>
          %iota3A_164 = tpu.iota {dimensions = array<i32: 0>} : vector<16xi32>
          %lt3A_165 = arith.constant 1 : i32
          %lt3A_166 = vector.broadcast %lt3A_165 : i32 to vector<16xi32>
          %lt3A_167 = arith.cmpi slt, %iota3A_164, %lt3A_166 : vector<16xi32>
          %broadcast_in_dim3A_168 = vector.broadcast %select_n3A : i32 to vector<16xi32>
          %broadcast_in_dim3A_169 = vector.broadcast %reduce_max3A_163 : f32 to vector<16xf32>
          tpu.vector_store_idx %arg18[%broadcast_in_dim3A_168], %broadcast_in_dim3A_169 masked %lt3A_167 : memref<32xf32, #tpu.memory_space<vmem>>[vector<16xi32>], vector<16xf32>, vector<16xi1>
          %mul3A_170 = arith.constant 4 : i32
          %mul3A_171 = arith.muli %mul3A_170, %scan3A_88 : i32
          %iota3A_172 = tpu.iota {dimensions = array<i32: 0>} : vector<16xi32>
          %lt3A_173 = arith.constant 1 : i32
          %lt3A_174 = vector.broadcast %lt3A_173 : i32 to vector<16xi32>
          %lt3A_175 = arith.cmpi slt, %iota3A_172, %lt3A_174 : vector<16xi32>
          %broadcast_in_dim3A_176 = vector.broadcast %mul3A_171 : i32 to vector<16xi32>
          tpu.vector_store_idx %arg19[%broadcast_in_dim3A_176], %gather3A masked %lt3A_175 : memref<400xf32, #tpu.memory_space<vmem>>[vector<16xi32>], vector<16xf32>, vector<16xi1>
          %mul3A_177 = arith.constant 4 : i32
          %mul3A_178 = arith.muli %mul3A_177, %scan3A_88 : i32
          %add3A_179 = arith.constant 1 : i32
          %add3A_180 = arith.addi %mul3A_178, %add3A_179 : i32
          %iota3A_181 = tpu.iota {dimensions = array<i32: 0>} : vector<16xi32>
          %lt3A_182 = arith.constant 1 : i32
          %lt3A_183 = vector.broadcast %lt3A_182 : i32 to vector<16xi32>
          %lt3A_184 = arith.cmpi slt, %iota3A_181, %lt3A_183 : vector<16xi32>
          %broadcast_in_dim3A_185 = vector.broadcast %add3A_180 : i32 to vector<16xi32>
          tpu.vector_store_idx %arg19[%broadcast_in_dim3A_185], %gather3A_135 masked %lt3A_184 : memref<400xf32, #tpu.memory_space<vmem>>[vector<16xi32>], vector<16xf32>, vector<16xi1>
          %mul3A_186 = arith.constant 4 : i32
          %mul3A_187 = arith.muli %mul3A_186, %scan3A_88 : i32
          %add3A_188 = arith.constant 2 : i32
          %add3A_189 = arith.addi %mul3A_187, %add3A_188 : i32
          %iota3A_190 = tpu.iota {dimensions = array<i32: 0>} : vector<16xi32>
          %lt3A_191 = arith.constant 1 : i32
          %lt3A_192 = vector.broadcast %lt3A_191 : i32 to vector<16xi32>
          %lt3A_193 = arith.cmpi slt, %iota3A_190, %lt3A_192 : vector<16xi32>
          %broadcast_in_dim3A_194 = vector.broadcast %add3A_189 : i32 to vector<16xi32>
          tpu.vector_store_idx %arg19[%broadcast_in_dim3A_194], %gather3A_140 masked %lt3A_193 : memref<400xf32, #tpu.memory_space<vmem>>[vector<16xi32>], vector<16xf32>, vector<16xi1>
          %mul3A_195 = arith.constant 4 : i32
          %mul3A_196 = arith.muli %mul3A_195, %scan3A_88 : i32
          %add3A_197 = arith.constant 3 : i32
          %add3A_198 = arith.addi %mul3A_196, %add3A_197 : i32
          %iota3A_199 = tpu.iota {dimensions = array<i32: 0>} : vector<16xi32>
          %lt3A_200 = arith.constant 1 : i32
          %lt3A_201 = vector.broadcast %lt3A_200 : i32 to vector<16xi32>
          %lt3A_202 = arith.cmpi slt, %iota3A_199, %lt3A_201 : vector<16xi32>
          %broadcast_in_dim3A_203 = vector.broadcast %add3A_198 : i32 to vector<16xi32>
          tpu.vector_store_idx %arg19[%broadcast_in_dim3A_203], %gather3A_145 masked %lt3A_202 : memref<400xf32, #tpu.memory_space<vmem>>[vector<16xi32>], vector<16xf32>, vector<16xi1>
          %convert_element_type3A_204 = arith.sitofp %shift_right_logical3A_124 : i32 to f32
          %iota3A_205 = tpu.iota {dimensions = array<i32: 0>} : vector<16xi32>
          %lt3A_206 = arith.constant 1 : i32
          %lt3A_207 = vector.broadcast %lt3A_206 : i32 to vector<16xi32>
          %lt3A_208 = arith.cmpi slt, %iota3A_205, %lt3A_207 : vector<16xi32>
          %broadcast_in_dim3A_209 = vector.broadcast %scan3A_88 : i32 to vector<16xi32>
          %broadcast_in_dim3A_210 = vector.broadcast %convert_element_type3A_204 : f32 to vector<16xf32>
          tpu.vector_store_idx %arg20[%broadcast_in_dim3A_209], %broadcast_in_dim3A_210 masked %lt3A_208 : memref<104xf32, #tpu.memory_space<vmem>>[vector<16xi32>], vector<16xf32>, vector<16xi1>
          %iota3A_211 = tpu.iota {dimensions = array<i32: 0>} : vector<16xi32>
          %lt3A_212 = arith.constant 1 : i32
          %lt3A_213 = vector.broadcast %lt3A_212 : i32 to vector<16xi32>
          %lt3A_214 = arith.cmpi slt, %iota3A_211, %lt3A_213 : vector<16xi32>
          %broadcast_in_dim3A_215 = vector.broadcast %scan3A_88 : i32 to vector<16xi32>
          %broadcast_in_dim3A_216 = vector.broadcast %max3A : f32 to vector<16xf32>
          tpu.vector_store_idx %arg21[%broadcast_in_dim3A_215], %broadcast_in_dim3A_216 masked %lt3A_214 : memref<104xf32, #tpu.memory_space<vmem>>[vector<16xi32>], vector<16xf32>, vector<16xi1>
        } else {
        }
        %scan3A_149 = arith.constant 0 : i32
        scf.yield %scan3A_149 : i32
      }
      %scan3A_87 = arith.constant 100 : i32
      "tpu.region"() ({
        %run_scoped3A_88 = tpu.sem_alloc : memref<!tpu.dma_semaphore, #tpu.memory_space<semaphore_mem>>
        %dma_start3A = arith.constant 0 : i32
        %dma_start3A_89 = tpu.memref_slice %arg4[%add3A, %dma_start3A] : memref<4x400xf32, #tpu.memory_space<hbm>> -> memref<1x400xf32, #tpu.memory_space<hbm>>
        %dma_start3A_90 = tpu.memref_squeeze %dma_start3A_89 : memref<1x400xf32, #tpu.memory_space<hbm>> -> memref<400xf32, #tpu.memory_space<hbm>>
        %dma_start3A_91 = arith.constant 0 : i32
        %dma_start3A_92 = tpu.memref_slice %arg4[%add3A, %dma_start3A_91] : memref<4x400xf32, #tpu.memory_space<hbm>> -> memref<1x400xf32, #tpu.memory_space<hbm>>
        %dma_start3A_93 = tpu.memref_squeeze %dma_start3A_92 : memref<1x400xf32, #tpu.memory_space<hbm>> -> memref<400xf32, #tpu.memory_space<hbm>>
        tpu.enqueue_dma source(%arg19 : memref<400xf32, #tpu.memory_space<vmem>>) target(%dma_start3A_93 : memref<400xf32, #tpu.memory_space<hbm>>) target_semaphore(%run_scoped3A_88 : memref<!tpu.dma_semaphore, #tpu.memory_space<semaphore_mem>>)
        %dma_wait3A = arith.constant 0 : i32
        %dma_wait3A_94 = tpu.memref_slice %arg4[%add3A, %dma_wait3A] : memref<4x400xf32, #tpu.memory_space<hbm>> -> memref<1x400xf32, #tpu.memory_space<hbm>>
        %dma_wait3A_95 = tpu.memref_squeeze %dma_wait3A_94 : memref<1x400xf32, #tpu.memory_space<hbm>> -> memref<400xf32, #tpu.memory_space<hbm>>
        %dma_wait3A_96 = arith.constant 0 : i32
        %dma_wait3A_97 = tpu.memref_slice %arg4[%add3A, %dma_wait3A_96] : memref<4x400xf32, #tpu.memory_space<hbm>> -> memref<1x400xf32, #tpu.memory_space<hbm>>
        %dma_wait3A_98 = tpu.memref_squeeze %dma_wait3A_97 : memref<1x400xf32, #tpu.memory_space<hbm>> -> memref<400xf32, #tpu.memory_space<hbm>>
        tpu.wait_dma2 semaphore(%run_scoped3A_88 : memref<!tpu.dma_semaphore, #tpu.memory_space<semaphore_mem>>) src(%arg19 : memref<400xf32, #tpu.memory_space<vmem>>) dst(%dma_wait3A_98 : memref<400xf32, #tpu.memory_space<hbm>>)
        tpu.yield
      }) : () -> ()
      "tpu.region"() ({
        %run_scoped3A_88 = tpu.sem_alloc : memref<!tpu.dma_semaphore, #tpu.memory_space<semaphore_mem>>
        %dma_start3A = arith.constant 0 : i32
        %dma_start3A_89 = tpu.memref_slice %arg5[%add3A, %dma_start3A] : memref<4x104xf32, #tpu.memory_space<hbm>> -> memref<1x104xf32, #tpu.memory_space<hbm>>
        %dma_start3A_90 = tpu.memref_squeeze %dma_start3A_89 : memref<1x104xf32, #tpu.memory_space<hbm>> -> memref<104xf32, #tpu.memory_space<hbm>>
        %dma_start3A_91 = arith.constant 0 : i32
        %dma_start3A_92 = tpu.memref_slice %arg5[%add3A, %dma_start3A_91] : memref<4x104xf32, #tpu.memory_space<hbm>> -> memref<1x104xf32, #tpu.memory_space<hbm>>
        %dma_start3A_93 = tpu.memref_squeeze %dma_start3A_92 : memref<1x104xf32, #tpu.memory_space<hbm>> -> memref<104xf32, #tpu.memory_space<hbm>>
        tpu.enqueue_dma source(%arg20 : memref<104xf32, #tpu.memory_space<vmem>>) target(%dma_start3A_93 : memref<104xf32, #tpu.memory_space<hbm>>) target_semaphore(%run_scoped3A_88 : memref<!tpu.dma_semaphore, #tpu.memory_space<semaphore_mem>>)
        %dma_wait3A = arith.constant 0 : i32
        %dma_wait3A_94 = tpu.memref_slice %arg5[%add3A, %dma_wait3A] : memref<4x104xf32, #tpu.memory_space<hbm>> -> memref<1x104xf32, #tpu.memory_space<hbm>>
        %dma_wait3A_95 = tpu.memref_squeeze %dma_wait3A_94 : memref<1x104xf32, #tpu.memory_space<hbm>> -> memref<104xf32, #tpu.memory_space<hbm>>
        %dma_wait3A_96 = arith.constant 0 : i32
        %dma_wait3A_97 = tpu.memref_slice %arg5[%add3A, %dma_wait3A_96] : memref<4x104xf32, #tpu.memory_space<hbm>> -> memref<1x104xf32, #tpu.memory_space<hbm>>
        %dma_wait3A_98 = tpu.memref_squeeze %dma_wait3A_97 : memref<1x104xf32, #tpu.memory_space<hbm>> -> memref<104xf32, #tpu.memory_space<hbm>>
        tpu.wait_dma2 semaphore(%run_scoped3A_88 : memref<!tpu.dma_semaphore, #tpu.memory_space<semaphore_mem>>) src(%arg20 : memref<104xf32, #tpu.memory_space<vmem>>) dst(%dma_wait3A_98 : memref<104xf32, #tpu.memory_space<hbm>>)
        tpu.yield
      }) : () -> ()
      "tpu.region"() ({
        %run_scoped3A_88 = tpu.sem_alloc : memref<!tpu.dma_semaphore, #tpu.memory_space<semaphore_mem>>
        %dma_start3A = arith.constant 0 : i32
        %dma_start3A_89 = tpu.memref_slice %arg6[%add3A, %dma_start3A] : memref<4x104xf32, #tpu.memory_space<hbm>> -> memref<1x104xf32, #tpu.memory_space<hbm>>
        %dma_start3A_90 = tpu.memref_squeeze %dma_start3A_89 : memref<1x104xf32, #tpu.memory_space<hbm>> -> memref<104xf32, #tpu.memory_space<hbm>>
        %dma_start3A_91 = arith.constant 0 : i32
        %dma_start3A_92 = tpu.memref_slice %arg6[%add3A, %dma_start3A_91] : memref<4x104xf32, #tpu.memory_space<hbm>> -> memref<1x104xf32, #tpu.memory_space<hbm>>
        %dma_start3A_93 = tpu.memref_squeeze %dma_start3A_92 : memref<1x104xf32, #tpu.memory_space<hbm>> -> memref<104xf32, #tpu.memory_space<hbm>>
        tpu.enqueue_dma source(%arg21 : memref<104xf32, #tpu.memory_space<vmem>>) target(%dma_start3A_93 : memref<104xf32, #tpu.memory_space<hbm>>) target_semaphore(%run_scoped3A_88 : memref<!tpu.dma_semaphore, #tpu.memory_space<semaphore_mem>>)
        %dma_wait3A = arith.constant 0 : i32
        %dma_wait3A_94 = tpu.memref_slice %arg6[%add3A, %dma_wait3A] : memref<4x104xf32, #tpu.memory_space<hbm>> -> memref<1x104xf32, #tpu.memory_space<hbm>>
        %dma_wait3A_95 = tpu.memref_squeeze %dma_wait3A_94 : memref<1x104xf32, #tpu.memory_space<hbm>> -> memref<104xf32, #tpu.memory_space<hbm>>
        %dma_wait3A_96 = arith.constant 0 : i32
        %dma_wait3A_97 = tpu.memref_slice %arg6[%add3A, %dma_wait3A_96] : memref<4x104xf32, #tpu.memory_space<hbm>> -> memref<1x104xf32, #tpu.memory_space<hbm>>
        %dma_wait3A_98 = tpu.memref_squeeze %dma_wait3A_97 : memref<1x104xf32, #tpu.memory_space<hbm>> -> memref<104xf32, #tpu.memory_space<hbm>>
        tpu.wait_dma2 semaphore(%run_scoped3A_88 : memref<!tpu.dma_semaphore, #tpu.memory_space<semaphore_mem>>) src(%arg21 : memref<104xf32, #tpu.memory_space<vmem>>) dst(%dma_wait3A_98 : memref<104xf32, #tpu.memory_space<hbm>>)
        tpu.yield
      }) : () -> ()
    } else {
    }
    return
  }
}

module attributes {stable_mosaic.version = 14 : i64} {
  func.func @_tc_decode_body(%arg0: i32, %arg1: memref<1x4x20480xf32, #tpu.memory_space<vmem>>, %arg2: memref<1x4x4x20480xf32, #tpu.memory_space<vmem>>, %arg3: memref<1x4x20480xf32, #tpu.memory_space<vmem>>, %arg4: memref<1x4x20480xf32, #tpu.memory_space<vmem>>, %arg5: memref<1x4x4x20480xf32, #tpu.memory_space<vmem>>) attributes {dimension_semantics = [#tpu.dimension_semantics<arbitrary>], iteration_bounds = array<i64: 4>, scalar_prefetch = 0 : i64, scratch_operands = 0 : i64, tpu.core_type = #tpu.core_type<tc>, window_params = [{transform_indices = @transform_0, window_bounds = array<i64: 1, 4, 20480>}, {transform_indices = @transform_1, window_bounds = array<i64: 1, 4, 4, 20480>}, {transform_indices = @transform_2, window_bounds = array<i64: 1, 4, 20480>}, {transform_indices = @transform_3, window_bounds = array<i64: 1, 4, 20480>}, {transform_indices = @transform_4, window_bounds = array<i64: 1, 4, 4, 20480>}]} {
    %get3A = arith.constant 0 : index
    %get3A_0 = arith.constant 0 : index
    %get3A_1 = arith.constant 0 : index
    %get3A_2 = vector.load %arg1[%get3A, %get3A_0, %get3A_1] : memref<1x4x20480xf32, #tpu.memory_space<vmem>>, vector<1x1x20480xf32>
    %get3A_3 = vector.shape_cast %get3A_2 : vector<1x1x20480xf32> to vector<1x20480xf32>
    %get3A_4 = arith.constant 0 : index
    %get3A_5 = arith.constant 1 : index
    %get3A_6 = arith.constant 0 : index
    %get3A_7 = vector.load %arg1[%get3A_4, %get3A_5, %get3A_6] : memref<1x4x20480xf32, #tpu.memory_space<vmem>>, vector<1x1x20480xf32>
    %get3A_8 = vector.shape_cast %get3A_7 : vector<1x1x20480xf32> to vector<1x20480xf32>
    %get3A_9 = arith.constant 0 : index
    %get3A_10 = arith.constant 2 : index
    %get3A_11 = arith.constant 0 : index
    %get3A_12 = vector.load %arg1[%get3A_9, %get3A_10, %get3A_11] : memref<1x4x20480xf32, #tpu.memory_space<vmem>>, vector<1x1x20480xf32>
    %get3A_13 = vector.shape_cast %get3A_12 : vector<1x1x20480xf32> to vector<1x20480xf32>
    %get3A_14 = arith.constant 0 : index
    %get3A_15 = arith.constant 3 : index
    %get3A_16 = arith.constant 0 : index
    %get3A_17 = vector.load %arg1[%get3A_14, %get3A_15, %get3A_16] : memref<1x4x20480xf32, #tpu.memory_space<vmem>>, vector<1x1x20480xf32>
    %get3A_18 = vector.shape_cast %get3A_17 : vector<1x1x20480xf32> to vector<1x20480xf32>
    %sub3A = arith.subf %get3A_18, %get3A_8 : vector<1x20480xf32>
    %sub3A_19 = arith.subf %get3A_13, %get3A_3 : vector<1x20480xf32>
    %mul3A = arith.constant 5.000000e-01 : f32
    %mul3A_20 = vector.broadcast %mul3A : f32 to vector<1x20480xf32>
    %mul3A_21 = arith.mulf %mul3A_20, %sub3A : vector<1x20480xf32>
    %add3A = arith.addf %get3A_8, %mul3A_21 : vector<1x20480xf32>
    %mul3A_22 = arith.constant 5.000000e-01 : f32
    %mul3A_23 = vector.broadcast %mul3A_22 : f32 to vector<1x20480xf32>
    %mul3A_24 = arith.mulf %mul3A_23, %sub3A_19 : vector<1x20480xf32>
    %add3A_25 = arith.addf %get3A_3, %mul3A_24 : vector<1x20480xf32>
    %get3A_26 = arith.constant 0 : index
    %get3A_27 = arith.constant 0 : index
    %get3A_28 = arith.constant 0 : index
    %get3A_29 = vector.load %arg3[%get3A_26, %get3A_27, %get3A_28] : memref<1x4x20480xf32, #tpu.memory_space<vmem>>, vector<1x1x20480xf32>
    %get3A_30 = vector.shape_cast %get3A_29 : vector<1x1x20480xf32> to vector<1x20480xf32>
    %get3A_31 = arith.constant 0 : index
    %get3A_32 = arith.constant 1 : index
    %get3A_33 = arith.constant 0 : index
    %get3A_34 = vector.load %arg3[%get3A_31, %get3A_32, %get3A_33] : memref<1x4x20480xf32, #tpu.memory_space<vmem>>, vector<1x1x20480xf32>
    %get3A_35 = vector.shape_cast %get3A_34 : vector<1x1x20480xf32> to vector<1x20480xf32>
    %get3A_36 = arith.constant 0 : index
    %get3A_37 = arith.constant 2 : index
    %get3A_38 = arith.constant 0 : index
    %get3A_39 = vector.load %arg3[%get3A_36, %get3A_37, %get3A_38] : memref<1x4x20480xf32, #tpu.memory_space<vmem>>, vector<1x1x20480xf32>
    %get3A_40 = vector.shape_cast %get3A_39 : vector<1x1x20480xf32> to vector<1x20480xf32>
    %get3A_41 = arith.constant 0 : index
    %get3A_42 = arith.constant 3 : index
    %get3A_43 = arith.constant 0 : index
    %get3A_44 = vector.load %arg3[%get3A_41, %get3A_42, %get3A_43] : memref<1x4x20480xf32, #tpu.memory_space<vmem>>, vector<1x1x20480xf32>
    %get3A_45 = vector.shape_cast %get3A_44 : vector<1x1x20480xf32> to vector<1x20480xf32>
    %max3A = arith.maximumf %get3A_40, %get3A_45 : vector<1x20480xf32>
    %max3A_46 = arith.maximumf %get3A_35, %max3A : vector<1x20480xf32>
    %ge3A = arith.cmpf oge, %get3A_30, %max3A_46 : vector<1x20480xf32>
    %get3A_47 = arith.constant 0 : index
    %get3A_48 = arith.constant 0 : index
    %get3A_49 = arith.constant 0 : index
    %get3A_50 = arith.constant 0 : index
    %get3A_51 = vector.load %arg2[%get3A_47, %get3A_48, %get3A_49, %get3A_50] : memref<1x4x4x20480xf32, #tpu.memory_space<vmem>>, vector<1x1x1x20480xf32>
    %get3A_52 = vector.shape_cast %get3A_51 : vector<1x1x1x20480xf32> to vector<1x20480xf32>
    %mul3A_53 = arith.constant 1.000000e-01 : f32
    %mul3A_54 = vector.broadcast %mul3A_53 : f32 to vector<1x20480xf32>
    %mul3A_55 = arith.mulf %get3A_52, %mul3A_54 : vector<1x20480xf32>
    %get3A_56 = arith.constant 0 : index
    %get3A_57 = arith.constant 0 : index
    %get3A_58 = arith.constant 1 : index
    %get3A_59 = arith.constant 0 : index
    %get3A_60 = vector.load %arg2[%get3A_56, %get3A_57, %get3A_58, %get3A_59] : memref<1x4x4x20480xf32, #tpu.memory_space<vmem>>, vector<1x1x1x20480xf32>
    %get3A_61 = vector.shape_cast %get3A_60 : vector<1x1x1x20480xf32> to vector<1x20480xf32>
    %mul3A_62 = arith.constant 1.000000e-01 : f32
    %mul3A_63 = vector.broadcast %mul3A_62 : f32 to vector<1x20480xf32>
    %mul3A_64 = arith.mulf %get3A_61, %mul3A_63 : vector<1x20480xf32>
    %get3A_65 = arith.constant 0 : index
    %get3A_66 = arith.constant 0 : index
    %get3A_67 = arith.constant 2 : index
    %get3A_68 = arith.constant 0 : index
    %get3A_69 = vector.load %arg2[%get3A_65, %get3A_66, %get3A_67, %get3A_68] : memref<1x4x4x20480xf32, #tpu.memory_space<vmem>>, vector<1x1x1x20480xf32>
    %get3A_70 = vector.shape_cast %get3A_69 : vector<1x1x1x20480xf32> to vector<1x20480xf32>
    %mul3A_71 = arith.constant 2.000000e-01 : f32
    %mul3A_72 = vector.broadcast %mul3A_71 : f32 to vector<1x20480xf32>
    %mul3A_73 = arith.mulf %get3A_70, %mul3A_72 : vector<1x20480xf32>
    %get3A_74 = arith.constant 0 : index
    %get3A_75 = arith.constant 0 : index
    %get3A_76 = arith.constant 3 : index
    %get3A_77 = arith.constant 0 : index
    %get3A_78 = vector.load %arg2[%get3A_74, %get3A_75, %get3A_76, %get3A_77] : memref<1x4x4x20480xf32, #tpu.memory_space<vmem>>, vector<1x1x1x20480xf32>
    %get3A_79 = vector.shape_cast %get3A_78 : vector<1x1x1x20480xf32> to vector<1x20480xf32>
    %mul3A_80 = arith.constant 2.000000e-01 : f32
    %mul3A_81 = vector.broadcast %mul3A_80 : f32 to vector<1x20480xf32>
    %mul3A_82 = arith.mulf %get3A_79, %mul3A_81 : vector<1x20480xf32>
    %exp3A = math.exp %mul3A_82 : vector<1x20480xf32>
    %mul3A_83 = arith.mulf %exp3A, %sub3A : vector<1x20480xf32>
    %exp3A_84 = math.exp %mul3A_73 : vector<1x20480xf32>
    %mul3A_85 = arith.mulf %exp3A_84, %sub3A_19 : vector<1x20480xf32>
    %mul3A_86 = arith.mulf %mul3A_64, %sub3A : vector<1x20480xf32>
    %add3A_87 = arith.addf %mul3A_86, %add3A : vector<1x20480xf32>
    %mul3A_88 = arith.mulf %mul3A_55, %sub3A_19 : vector<1x20480xf32>
    %add3A_89 = arith.addf %mul3A_88, %add3A_25 : vector<1x20480xf32>
    %mul3A_90 = arith.constant 5.000000e-01 : f32
    %mul3A_91 = vector.broadcast %mul3A_90 : f32 to vector<1x20480xf32>
    %mul3A_92 = arith.mulf %mul3A_91, %mul3A_85 : vector<1x20480xf32>
    %sub3A_93 = arith.subf %add3A_89, %mul3A_92 : vector<1x20480xf32>
    %mul3A_94 = arith.constant 5.000000e-01 : f32
    %mul3A_95 = vector.broadcast %mul3A_94 : f32 to vector<1x20480xf32>
    %mul3A_96 = arith.mulf %mul3A_95, %mul3A_83 : vector<1x20480xf32>
    %sub3A_97 = arith.subf %add3A_87, %mul3A_96 : vector<1x20480xf32>
    %add3A_98 = arith.addf %mul3A_85, %sub3A_93 : vector<1x20480xf32>
    %add3A_99 = arith.addf %mul3A_83, %sub3A_97 : vector<1x20480xf32>
    %jit3A = arith.constant 0.000000e+00 : f32
    %jit3A_100 = arith.constant 1.000000e+00 : f32
    %max3A_101 = vector.broadcast %jit3A : f32 to vector<1x20480xf32>
    %max3A_102 = arith.maximumf %max3A_101, %sub3A_93 : vector<1x20480xf32>
    %min3A = vector.broadcast %jit3A_100 : f32 to vector<1x20480xf32>
    %min3A_103 = arith.minimumf %min3A, %max3A_102 : vector<1x20480xf32>
    %swap3A = arith.constant 0 : index
    %swap3A_104 = arith.constant 0 : index
    %swap3A_105 = arith.constant 0 : index
    %swap3A_106 = arith.constant 0 : index
    %swap3A_107 = vector.load %arg5[%swap3A, %swap3A_104, %swap3A_105, %swap3A_106] : memref<1x4x4x20480xf32, #tpu.memory_space<vmem>>, vector<1x1x1x20480xf32>
    %swap3A_108 = vector.shape_cast %swap3A_107 : vector<1x1x1x20480xf32> to vector<1x20480xf32>
    %swap3A_109 = vector.shape_cast %min3A_103 : vector<1x20480xf32> to vector<1x1x1x20480xf32>
    tpu.vector_store %arg5[%swap3A, %swap3A_104, %swap3A_105, %swap3A_106], %swap3A_109 {strides = array<i32>} : memref<1x4x4x20480xf32, #tpu.memory_space<vmem>>, vector<1x1x1x20480xf32>,
    %jit3A_110 = arith.constant 0.000000e+00 : f32
    %jit3A_111 = arith.constant 1.000000e+00 : f32
    %max3A_112 = vector.broadcast %jit3A_110 : f32 to vector<1x20480xf32>
    %max3A_113 = arith.maximumf %max3A_112, %sub3A_97 : vector<1x20480xf32>
    %min3A_114 = vector.broadcast %jit3A_111 : f32 to vector<1x20480xf32>
    %min3A_115 = arith.minimumf %min3A_114, %max3A_113 : vector<1x20480xf32>
    %swap3A_116 = arith.constant 0 : index
    %swap3A_117 = arith.constant 0 : index
    %swap3A_118 = arith.constant 1 : index
    %swap3A_119 = arith.constant 0 : index
    %swap3A_120 = vector.load %arg5[%swap3A_116, %swap3A_117, %swap3A_118, %swap3A_119] : memref<1x4x4x20480xf32, #tpu.memory_space<vmem>>, vector<1x1x1x20480xf32>
    %swap3A_121 = vector.shape_cast %swap3A_120 : vector<1x1x1x20480xf32> to vector<1x20480xf32>
    %swap3A_122 = vector.shape_cast %min3A_115 : vector<1x20480xf32> to vector<1x1x1x20480xf32>
    tpu.vector_store %arg5[%swap3A_116, %swap3A_117, %swap3A_118, %swap3A_119], %swap3A_122 {strides = array<i32>} : memref<1x4x4x20480xf32, #tpu.memory_space<vmem>>, vector<1x1x1x20480xf32>,
    %jit3A_123 = arith.constant 0.000000e+00 : f32
    %jit3A_124 = arith.constant 1.000000e+00 : f32
    %max3A_125 = vector.broadcast %jit3A_123 : f32 to vector<1x20480xf32>
    %max3A_126 = arith.maximumf %max3A_125, %add3A_98 : vector<1x20480xf32>
    %min3A_127 = vector.broadcast %jit3A_124 : f32 to vector<1x20480xf32>
    %min3A_128 = arith.minimumf %min3A_127, %max3A_126 : vector<1x20480xf32>
    %swap3A_129 = arith.constant 0 : index
    %swap3A_130 = arith.constant 0 : index
    %swap3A_131 = arith.constant 2 : index
    %swap3A_132 = arith.constant 0 : index
    %swap3A_133 = vector.load %arg5[%swap3A_129, %swap3A_130, %swap3A_131, %swap3A_132] : memref<1x4x4x20480xf32, #tpu.memory_space<vmem>>, vector<1x1x1x20480xf32>
    %swap3A_134 = vector.shape_cast %swap3A_133 : vector<1x1x1x20480xf32> to vector<1x20480xf32>
    %swap3A_135 = vector.shape_cast %min3A_128 : vector<1x20480xf32> to vector<1x1x1x20480xf32>
    tpu.vector_store %arg5[%swap3A_129, %swap3A_130, %swap3A_131, %swap3A_132], %swap3A_135 {strides = array<i32>} : memref<1x4x4x20480xf32, #tpu.memory_space<vmem>>, vector<1x1x1x20480xf32>,
    %jit3A_136 = arith.constant 0.000000e+00 : f32
    %jit3A_137 = arith.constant 1.000000e+00 : f32
    %max3A_138 = vector.broadcast %jit3A_136 : f32 to vector<1x20480xf32>
    %max3A_139 = arith.maximumf %max3A_138, %add3A_99 : vector<1x20480xf32>
    %min3A_140 = vector.broadcast %jit3A_137 : f32 to vector<1x20480xf32>
    %min3A_141 = arith.minimumf %min3A_140, %max3A_139 : vector<1x20480xf32>
    %swap3A_142 = arith.constant 0 : index
    %swap3A_143 = arith.constant 0 : index
    %swap3A_144 = arith.constant 3 : index
    %swap3A_145 = arith.constant 0 : index
    %swap3A_146 = vector.load %arg5[%swap3A_142, %swap3A_143, %swap3A_144, %swap3A_145] : memref<1x4x4x20480xf32, #tpu.memory_space<vmem>>, vector<1x1x1x20480xf32>
    %swap3A_147 = vector.shape_cast %swap3A_146 : vector<1x1x1x20480xf32> to vector<1x20480xf32>
    %swap3A_148 = vector.shape_cast %min3A_141 : vector<1x20480xf32> to vector<1x1x1x20480xf32>
    tpu.vector_store %arg5[%swap3A_142, %swap3A_143, %swap3A_144, %swap3A_145], %swap3A_148 {strides = array<i32>} : memref<1x4x4x20480xf32, #tpu.memory_space<vmem>>, vector<1x1x1x20480xf32>,
    %jit3A_149 = arith.constant 0.000000e+00 : f32
    %broadcast_in_dim3A = vector.broadcast %jit3A_149 : f32 to vector<1x20480xf32>
    %select_n3A = arith.select %ge3A, %broadcast_in_dim3A, %get3A_30 : vector<1x20480xi1>, vector<1x20480xf32>
    %gt3A = arith.constant 5.000000e-02 : f32
    %gt3A_150 = vector.broadcast %gt3A : f32 to vector<1x20480xf32>
    %gt3A_151 = arith.cmpf ogt, %select_n3A, %gt3A_150 : vector<1x20480xf32>
    %jit3A_152 = arith.constant -1.000000e+09 : f32
    %broadcast_in_dim3A_153 = vector.broadcast %jit3A_152 : f32 to vector<1x20480xf32>
    %select_n3A_154 = arith.select %gt3A_151, %select_n3A, %broadcast_in_dim3A_153 : vector<1x20480xi1>, vector<1x20480xf32>
    %swap3A_155 = arith.constant 0 : index
    %swap3A_156 = arith.constant 0 : index
    %swap3A_157 = arith.constant 0 : index
    %swap3A_158 = vector.load %arg4[%swap3A_155, %swap3A_156, %swap3A_157] : memref<1x4x20480xf32, #tpu.memory_space<vmem>>, vector<1x1x20480xf32>
    %swap3A_159 = vector.shape_cast %swap3A_158 : vector<1x1x20480xf32> to vector<1x20480xf32>
    %swap3A_160 = vector.shape_cast %select_n3A_154 : vector<1x20480xf32> to vector<1x1x20480xf32>
    tpu.vector_store %arg4[%swap3A_155, %swap3A_156, %swap3A_157], %swap3A_160 {strides = array<i32>} : memref<1x4x20480xf32, #tpu.memory_space<vmem>>, vector<1x1x20480xf32>,
    %get3A_161 = arith.constant 0 : index
    %get3A_162 = arith.constant 1 : index
    %get3A_163 = arith.constant 0 : index
    %get3A_164 = arith.constant 0 : index
    %get3A_165 = vector.load %arg2[%get3A_161, %get3A_162, %get3A_163, %get3A_164] : memref<1x4x4x20480xf32, #tpu.memory_space<vmem>>, vector<1x1x1x20480xf32>
    %get3A_166 = vector.shape_cast %get3A_165 : vector<1x1x1x20480xf32> to vector<1x20480xf32>
    %mul3A_167 = arith.constant 1.000000e-01 : f32
    %mul3A_168 = vector.broadcast %mul3A_167 : f32 to vector<1x20480xf32>
    %mul3A_169 = arith.mulf %get3A_166, %mul3A_168 : vector<1x20480xf32>
    %get3A_170 = arith.constant 0 : index
    %get3A_171 = arith.constant 1 : index
    %get3A_172 = arith.constant 1 : index
    %get3A_173 = arith.constant 0 : index
    %get3A_174 = vector.load %arg2[%get3A_170, %get3A_171, %get3A_172, %get3A_173] : memref<1x4x4x20480xf32, #tpu.memory_space<vmem>>, vector<1x1x1x20480xf32>
    %get3A_175 = vector.shape_cast %get3A_174 : vector<1x1x1x20480xf32> to vector<1x20480xf32>
    %mul3A_176 = arith.constant 1.000000e-01 : f32
    %mul3A_177 = vector.broadcast %mul3A_176 : f32 to vector<1x20480xf32>
    %mul3A_178 = arith.mulf %get3A_175, %mul3A_177 : vector<1x20480xf32>
    %get3A_179 = arith.constant 0 : index
    %get3A_180 = arith.constant 1 : index
    %get3A_181 = arith.constant 2 : index
    %get3A_182 = arith.constant 0 : index
    %get3A_183 = vector.load %arg2[%get3A_179, %get3A_180, %get3A_181, %get3A_182] : memref<1x4x4x20480xf32, #tpu.memory_space<vmem>>, vector<1x1x1x20480xf32>
    %get3A_184 = vector.shape_cast %get3A_183 : vector<1x1x1x20480xf32> to vector<1x20480xf32>
    %mul3A_185 = arith.constant 2.000000e-01 : f32
    %mul3A_186 = vector.broadcast %mul3A_185 : f32 to vector<1x20480xf32>
    %mul3A_187 = arith.mulf %get3A_184, %mul3A_186 : vector<1x20480xf32>
    %get3A_188 = arith.constant 0 : index
    %get3A_189 = arith.constant 1 : index
    %get3A_190 = arith.constant 3 : index
    %get3A_191 = arith.constant 0 : index
    %get3A_192 = vector.load %arg2[%get3A_188, %get3A_189, %get3A_190, %get3A_191] : memref<1x4x4x20480xf32, #tpu.memory_space<vmem>>, vector<1x1x1x20480xf32>
    %get3A_193 = vector.shape_cast %get3A_192 : vector<1x1x1x20480xf32> to vector<1x20480xf32>
    %mul3A_194 = arith.constant 2.000000e-01 : f32
    %mul3A_195 = vector.broadcast %mul3A_194 : f32 to vector<1x20480xf32>
    %mul3A_196 = arith.mulf %get3A_193, %mul3A_195 : vector<1x20480xf32>
    %exp3A_197 = math.exp %mul3A_196 : vector<1x20480xf32>
    %mul3A_198 = arith.mulf %exp3A_197, %sub3A : vector<1x20480xf32>
    %exp3A_199 = math.exp %mul3A_187 : vector<1x20480xf32>
    %mul3A_200 = arith.mulf %exp3A_199, %sub3A_19 : vector<1x20480xf32>
    %mul3A_201 = arith.mulf %mul3A_178, %sub3A : vector<1x20480xf32>
    %add3A_202 = arith.addf %mul3A_201, %add3A : vector<1x20480xf32>
    %mul3A_203 = arith.mulf %mul3A_169, %sub3A_19 : vector<1x20480xf32>
    %add3A_204 = arith.addf %mul3A_203, %add3A_25 : vector<1x20480xf32>
    %mul3A_205 = arith.constant 5.000000e-01 : f32
    %mul3A_206 = vector.broadcast %mul3A_205 : f32 to vector<1x20480xf32>
    %mul3A_207 = arith.mulf %mul3A_206, %mul3A_200 : vector<1x20480xf32>
    %sub3A_208 = arith.subf %add3A_204, %mul3A_207 : vector<1x20480xf32>
    %mul3A_209 = arith.constant 5.000000e-01 : f32
    %mul3A_210 = vector.broadcast %mul3A_209 : f32 to vector<1x20480xf32>
    %mul3A_211 = arith.mulf %mul3A_210, %mul3A_198 : vector<1x20480xf32>
    %sub3A_212 = arith.subf %add3A_202, %mul3A_211 : vector<1x20480xf32>
    %add3A_213 = arith.addf %mul3A_200, %sub3A_208 : vector<1x20480xf32>
    %add3A_214 = arith.addf %mul3A_198, %sub3A_212 : vector<1x20480xf32>
    %jit3A_215 = arith.constant 0.000000e+00 : f32
    %jit3A_216 = arith.constant 1.000000e+00 : f32
    %max3A_217 = vector.broadcast %jit3A_215 : f32 to vector<1x20480xf32>
    %max3A_218 = arith.maximumf %max3A_217, %sub3A_208 : vector<1x20480xf32>
    %min3A_219 = vector.broadcast %jit3A_216 : f32 to vector<1x20480xf32>
    %min3A_220 = arith.minimumf %min3A_219, %max3A_218 : vector<1x20480xf32>
    %swap3A_221 = arith.constant 0 : index
    %swap3A_222 = arith.constant 1 : index
    %swap3A_223 = arith.constant 0 : index
    %swap3A_224 = arith.constant 0 : index
    %swap3A_225 = vector.load %arg5[%swap3A_221, %swap3A_222, %swap3A_223, %swap3A_224] : memref<1x4x4x20480xf32, #tpu.memory_space<vmem>>, vector<1x1x1x20480xf32>
    %swap3A_226 = vector.shape_cast %swap3A_225 : vector<1x1x1x20480xf32> to vector<1x20480xf32>
    %swap3A_227 = vector.shape_cast %min3A_220 : vector<1x20480xf32> to vector<1x1x1x20480xf32>
    tpu.vector_store %arg5[%swap3A_221, %swap3A_222, %swap3A_223, %swap3A_224], %swap3A_227 {strides = array<i32>} : memref<1x4x4x20480xf32, #tpu.memory_space<vmem>>, vector<1x1x1x20480xf32>,
    %jit3A_228 = arith.constant 0.000000e+00 : f32
    %jit3A_229 = arith.constant 1.000000e+00 : f32
    %max3A_230 = vector.broadcast %jit3A_228 : f32 to vector<1x20480xf32>
    %max3A_231 = arith.maximumf %max3A_230, %sub3A_212 : vector<1x20480xf32>
    %min3A_232 = vector.broadcast %jit3A_229 : f32 to vector<1x20480xf32>
    %min3A_233 = arith.minimumf %min3A_232, %max3A_231 : vector<1x20480xf32>
    %swap3A_234 = arith.constant 0 : index
    %swap3A_235 = arith.constant 1 : index
    %swap3A_236 = arith.constant 1 : index
    %swap3A_237 = arith.constant 0 : index
    %swap3A_238 = vector.load %arg5[%swap3A_234, %swap3A_235, %swap3A_236, %swap3A_237] : memref<1x4x4x20480xf32, #tpu.memory_space<vmem>>, vector<1x1x1x20480xf32>
    %swap3A_239 = vector.shape_cast %swap3A_238 : vector<1x1x1x20480xf32> to vector<1x20480xf32>
    %swap3A_240 = vector.shape_cast %min3A_233 : vector<1x20480xf32> to vector<1x1x1x20480xf32>
    tpu.vector_store %arg5[%swap3A_234, %swap3A_235, %swap3A_236, %swap3A_237], %swap3A_240 {strides = array<i32>} : memref<1x4x4x20480xf32, #tpu.memory_space<vmem>>, vector<1x1x1x20480xf32>,
    %jit3A_241 = arith.constant 0.000000e+00 : f32
    %jit3A_242 = arith.constant 1.000000e+00 : f32
    %max3A_243 = vector.broadcast %jit3A_241 : f32 to vector<1x20480xf32>
    %max3A_244 = arith.maximumf %max3A_243, %add3A_213 : vector<1x20480xf32>
    %min3A_245 = vector.broadcast %jit3A_242 : f32 to vector<1x20480xf32>
    %min3A_246 = arith.minimumf %min3A_245, %max3A_244 : vector<1x20480xf32>
    %swap3A_247 = arith.constant 0 : index
    %swap3A_248 = arith.constant 1 : index
    %swap3A_249 = arith.constant 2 : index
    %swap3A_250 = arith.constant 0 : index
    %swap3A_251 = vector.load %arg5[%swap3A_247, %swap3A_248, %swap3A_249, %swap3A_250] : memref<1x4x4x20480xf32, #tpu.memory_space<vmem>>, vector<1x1x1x20480xf32>
    %swap3A_252 = vector.shape_cast %swap3A_251 : vector<1x1x1x20480xf32> to vector<1x20480xf32>
    %swap3A_253 = vector.shape_cast %min3A_246 : vector<1x20480xf32> to vector<1x1x1x20480xf32>
    tpu.vector_store %arg5[%swap3A_247, %swap3A_248, %swap3A_249, %swap3A_250], %swap3A_253 {strides = array<i32>} : memref<1x4x4x20480xf32, #tpu.memory_space<vmem>>, vector<1x1x1x20480xf32>,
    %jit3A_254 = arith.constant 0.000000e+00 : f32
    %jit3A_255 = arith.constant 1.000000e+00 : f32
    %max3A_256 = vector.broadcast %jit3A_254 : f32 to vector<1x20480xf32>
    %max3A_257 = arith.maximumf %max3A_256, %add3A_214 : vector<1x20480xf32>
    %min3A_258 = vector.broadcast %jit3A_255 : f32 to vector<1x20480xf32>
    %min3A_259 = arith.minimumf %min3A_258, %max3A_257 : vector<1x20480xf32>
    %swap3A_260 = arith.constant 0 : index
    %swap3A_261 = arith.constant 1 : index
    %swap3A_262 = arith.constant 3 : index
    %swap3A_263 = arith.constant 0 : index
    %swap3A_264 = vector.load %arg5[%swap3A_260, %swap3A_261, %swap3A_262, %swap3A_263] : memref<1x4x4x20480xf32, #tpu.memory_space<vmem>>, vector<1x1x1x20480xf32>
    %swap3A_265 = vector.shape_cast %swap3A_264 : vector<1x1x1x20480xf32> to vector<1x20480xf32>
    %swap3A_266 = vector.shape_cast %min3A_259 : vector<1x20480xf32> to vector<1x1x1x20480xf32>
    tpu.vector_store %arg5[%swap3A_260, %swap3A_261, %swap3A_262, %swap3A_263], %swap3A_266 {strides = array<i32>} : memref<1x4x4x20480xf32, #tpu.memory_space<vmem>>, vector<1x1x1x20480xf32>,
    %jit3A_267 = arith.constant 0.000000e+00 : f32
    %broadcast_in_dim3A_268 = vector.broadcast %jit3A_267 : f32 to vector<1x20480xf32>
    %select_n3A_269 = arith.select %ge3A, %broadcast_in_dim3A_268, %get3A_35 : vector<1x20480xi1>, vector<1x20480xf32>
    %gt3A_270 = arith.constant 5.000000e-02 : f32
    %gt3A_271 = vector.broadcast %gt3A_270 : f32 to vector<1x20480xf32>
    %gt3A_272 = arith.cmpf ogt, %select_n3A_269, %gt3A_271 : vector<1x20480xf32>
    %jit3A_273 = arith.constant -1.000000e+09 : f32
    %broadcast_in_dim3A_274 = vector.broadcast %jit3A_273 : f32 to vector<1x20480xf32>
    %select_n3A_275 = arith.select %gt3A_272, %select_n3A_269, %broadcast_in_dim3A_274 : vector<1x20480xi1>, vector<1x20480xf32>
    %swap3A_276 = arith.constant 0 : index
    %swap3A_277 = arith.constant 1 : index
    %swap3A_278 = arith.constant 0 : index
    %swap3A_279 = vector.load %arg4[%swap3A_276, %swap3A_277, %swap3A_278] : memref<1x4x20480xf32, #tpu.memory_space<vmem>>, vector<1x1x20480xf32>
    %swap3A_280 = vector.shape_cast %swap3A_279 : vector<1x1x20480xf32> to vector<1x20480xf32>
    %swap3A_281 = vector.shape_cast %select_n3A_275 : vector<1x20480xf32> to vector<1x1x20480xf32>
    tpu.vector_store %arg4[%swap3A_276, %swap3A_277, %swap3A_278], %swap3A_281 {strides = array<i32>} : memref<1x4x20480xf32, #tpu.memory_space<vmem>>, vector<1x1x20480xf32>,
    %get3A_282 = arith.constant 0 : index
    %get3A_283 = arith.constant 2 : index
    %get3A_284 = arith.constant 0 : index
    %get3A_285 = arith.constant 0 : index
    %get3A_286 = vector.load %arg2[%get3A_282, %get3A_283, %get3A_284, %get3A_285] : memref<1x4x4x20480xf32, #tpu.memory_space<vmem>>, vector<1x1x1x20480xf32>
    %get3A_287 = vector.shape_cast %get3A_286 : vector<1x1x1x20480xf32> to vector<1x20480xf32>
    %mul3A_288 = arith.constant 1.000000e-01 : f32
    %mul3A_289 = vector.broadcast %mul3A_288 : f32 to vector<1x20480xf32>
    %mul3A_290 = arith.mulf %get3A_287, %mul3A_289 : vector<1x20480xf32>
    %get3A_291 = arith.constant 0 : index
    %get3A_292 = arith.constant 2 : index
    %get3A_293 = arith.constant 1 : index
    %get3A_294 = arith.constant 0 : index
    %get3A_295 = vector.load %arg2[%get3A_291, %get3A_292, %get3A_293, %get3A_294] : memref<1x4x4x20480xf32, #tpu.memory_space<vmem>>, vector<1x1x1x20480xf32>
    %get3A_296 = vector.shape_cast %get3A_295 : vector<1x1x1x20480xf32> to vector<1x20480xf32>
    %mul3A_297 = arith.constant 1.000000e-01 : f32
    %mul3A_298 = vector.broadcast %mul3A_297 : f32 to vector<1x20480xf32>
    %mul3A_299 = arith.mulf %get3A_296, %mul3A_298 : vector<1x20480xf32>
    %get3A_300 = arith.constant 0 : index
    %get3A_301 = arith.constant 2 : index
    %get3A_302 = arith.constant 2 : index
    %get3A_303 = arith.constant 0 : index
    %get3A_304 = vector.load %arg2[%get3A_300, %get3A_301, %get3A_302, %get3A_303] : memref<1x4x4x20480xf32, #tpu.memory_space<vmem>>, vector<1x1x1x20480xf32>
    %get3A_305 = vector.shape_cast %get3A_304 : vector<1x1x1x20480xf32> to vector<1x20480xf32>
    %mul3A_306 = arith.constant 2.000000e-01 : f32
    %mul3A_307 = vector.broadcast %mul3A_306 : f32 to vector<1x20480xf32>
    %mul3A_308 = arith.mulf %get3A_305, %mul3A_307 : vector<1x20480xf32>
    %get3A_309 = arith.constant 0 : index
    %get3A_310 = arith.constant 2 : index
    %get3A_311 = arith.constant 3 : index
    %get3A_312 = arith.constant 0 : index
    %get3A_313 = vector.load %arg2[%get3A_309, %get3A_310, %get3A_311, %get3A_312] : memref<1x4x4x20480xf32, #tpu.memory_space<vmem>>, vector<1x1x1x20480xf32>
    %get3A_314 = vector.shape_cast %get3A_313 : vector<1x1x1x20480xf32> to vector<1x20480xf32>
    %mul3A_315 = arith.constant 2.000000e-01 : f32
    %mul3A_316 = vector.broadcast %mul3A_315 : f32 to vector<1x20480xf32>
    %mul3A_317 = arith.mulf %get3A_314, %mul3A_316 : vector<1x20480xf32>
    %exp3A_318 = math.exp %mul3A_317 : vector<1x20480xf32>
    %mul3A_319 = arith.mulf %exp3A_318, %sub3A : vector<1x20480xf32>
    %exp3A_320 = math.exp %mul3A_308 : vector<1x20480xf32>
    %mul3A_321 = arith.mulf %exp3A_320, %sub3A_19 : vector<1x20480xf32>
    %mul3A_322 = arith.mulf %mul3A_299, %sub3A : vector<1x20480xf32>
    %add3A_323 = arith.addf %mul3A_322, %add3A : vector<1x20480xf32>
    %mul3A_324 = arith.mulf %mul3A_290, %sub3A_19 : vector<1x20480xf32>
    %add3A_325 = arith.addf %mul3A_324, %add3A_25 : vector<1x20480xf32>
    %mul3A_326 = arith.constant 5.000000e-01 : f32
    %mul3A_327 = vector.broadcast %mul3A_326 : f32 to vector<1x20480xf32>
    %mul3A_328 = arith.mulf %mul3A_327, %mul3A_321 : vector<1x20480xf32>
    %sub3A_329 = arith.subf %add3A_325, %mul3A_328 : vector<1x20480xf32>
    %mul3A_330 = arith.constant 5.000000e-01 : f32
    %mul3A_331 = vector.broadcast %mul3A_330 : f32 to vector<1x20480xf32>
    %mul3A_332 = arith.mulf %mul3A_331, %mul3A_319 : vector<1x20480xf32>
    %sub3A_333 = arith.subf %add3A_323, %mul3A_332 : vector<1x20480xf32>
    %add3A_334 = arith.addf %mul3A_321, %sub3A_329 : vector<1x20480xf32>
    %add3A_335 = arith.addf %mul3A_319, %sub3A_333 : vector<1x20480xf32>
    %jit3A_336 = arith.constant 0.000000e+00 : f32
    %jit3A_337 = arith.constant 1.000000e+00 : f32
    %max3A_338 = vector.broadcast %jit3A_336 : f32 to vector<1x20480xf32>
    %max3A_339 = arith.maximumf %max3A_338, %sub3A_329 : vector<1x20480xf32>
    %min3A_340 = vector.broadcast %jit3A_337 : f32 to vector<1x20480xf32>
    %min3A_341 = arith.minimumf %min3A_340, %max3A_339 : vector<1x20480xf32>
    %swap3A_342 = arith.constant 0 : index
    %swap3A_343 = arith.constant 2 : index
    %swap3A_344 = arith.constant 0 : index
    %swap3A_345 = arith.constant 0 : index
    %swap3A_346 = vector.load %arg5[%swap3A_342, %swap3A_343, %swap3A_344, %swap3A_345] : memref<1x4x4x20480xf32, #tpu.memory_space<vmem>>, vector<1x1x1x20480xf32>
    %swap3A_347 = vector.shape_cast %swap3A_346 : vector<1x1x1x20480xf32> to vector<1x20480xf32>
    %swap3A_348 = vector.shape_cast %min3A_341 : vector<1x20480xf32> to vector<1x1x1x20480xf32>
    tpu.vector_store %arg5[%swap3A_342, %swap3A_343, %swap3A_344, %swap3A_345], %swap3A_348 {strides = array<i32>} : memref<1x4x4x20480xf32, #tpu.memory_space<vmem>>, vector<1x1x1x20480xf32>,
    %jit3A_349 = arith.constant 0.000000e+00 : f32
    %jit3A_350 = arith.constant 1.000000e+00 : f32
    %max3A_351 = vector.broadcast %jit3A_349 : f32 to vector<1x20480xf32>
    %max3A_352 = arith.maximumf %max3A_351, %sub3A_333 : vector<1x20480xf32>
    %min3A_353 = vector.broadcast %jit3A_350 : f32 to vector<1x20480xf32>
    %min3A_354 = arith.minimumf %min3A_353, %max3A_352 : vector<1x20480xf32>
    %swap3A_355 = arith.constant 0 : index
    %swap3A_356 = arith.constant 2 : index
    %swap3A_357 = arith.constant 1 : index
    %swap3A_358 = arith.constant 0 : index
    %swap3A_359 = vector.load %arg5[%swap3A_355, %swap3A_356, %swap3A_357, %swap3A_358] : memref<1x4x4x20480xf32, #tpu.memory_space<vmem>>, vector<1x1x1x20480xf32>
    %swap3A_360 = vector.shape_cast %swap3A_359 : vector<1x1x1x20480xf32> to vector<1x20480xf32>
    %swap3A_361 = vector.shape_cast %min3A_354 : vector<1x20480xf32> to vector<1x1x1x20480xf32>
    tpu.vector_store %arg5[%swap3A_355, %swap3A_356, %swap3A_357, %swap3A_358], %swap3A_361 {strides = array<i32>} : memref<1x4x4x20480xf32, #tpu.memory_space<vmem>>, vector<1x1x1x20480xf32>,
    %jit3A_362 = arith.constant 0.000000e+00 : f32
    %jit3A_363 = arith.constant 1.000000e+00 : f32
    %max3A_364 = vector.broadcast %jit3A_362 : f32 to vector<1x20480xf32>
    %max3A_365 = arith.maximumf %max3A_364, %add3A_334 : vector<1x20480xf32>
    %min3A_366 = vector.broadcast %jit3A_363 : f32 to vector<1x20480xf32>
    %min3A_367 = arith.minimumf %min3A_366, %max3A_365 : vector<1x20480xf32>
    %swap3A_368 = arith.constant 0 : index
    %swap3A_369 = arith.constant 2 : index
    %swap3A_370 = arith.constant 2 : index
    %swap3A_371 = arith.constant 0 : index
    %swap3A_372 = vector.load %arg5[%swap3A_368, %swap3A_369, %swap3A_370, %swap3A_371] : memref<1x4x4x20480xf32, #tpu.memory_space<vmem>>, vector<1x1x1x20480xf32>
    %swap3A_373 = vector.shape_cast %swap3A_372 : vector<1x1x1x20480xf32> to vector<1x20480xf32>
    %swap3A_374 = vector.shape_cast %min3A_367 : vector<1x20480xf32> to vector<1x1x1x20480xf32>
    tpu.vector_store %arg5[%swap3A_368, %swap3A_369, %swap3A_370, %swap3A_371], %swap3A_374 {strides = array<i32>} : memref<1x4x4x20480xf32, #tpu.memory_space<vmem>>, vector<1x1x1x20480xf32>,
    %jit3A_375 = arith.constant 0.000000e+00 : f32
    %jit3A_376 = arith.constant 1.000000e+00 : f32
    %max3A_377 = vector.broadcast %jit3A_375 : f32 to vector<1x20480xf32>
    %max3A_378 = arith.maximumf %max3A_377, %add3A_335 : vector<1x20480xf32>
    %min3A_379 = vector.broadcast %jit3A_376 : f32 to vector<1x20480xf32>
    %min3A_380 = arith.minimumf %min3A_379, %max3A_378 : vector<1x20480xf32>
    %swap3A_381 = arith.constant 0 : index
    %swap3A_382 = arith.constant 2 : index
    %swap3A_383 = arith.constant 3 : index
    %swap3A_384 = arith.constant 0 : index
    %swap3A_385 = vector.load %arg5[%swap3A_381, %swap3A_382, %swap3A_383, %swap3A_384] : memref<1x4x4x20480xf32, #tpu.memory_space<vmem>>, vector<1x1x1x20480xf32>
    %swap3A_386 = vector.shape_cast %swap3A_385 : vector<1x1x1x20480xf32> to vector<1x20480xf32>
    %swap3A_387 = vector.shape_cast %min3A_380 : vector<1x20480xf32> to vector<1x1x1x20480xf32>
    tpu.vector_store %arg5[%swap3A_381, %swap3A_382, %swap3A_383, %swap3A_384], %swap3A_387 {strides = array<i32>} : memref<1x4x4x20480xf32, #tpu.memory_space<vmem>>, vector<1x1x1x20480xf32>,
    %jit3A_388 = arith.constant 0.000000e+00 : f32
    %broadcast_in_dim3A_389 = vector.broadcast %jit3A_388 : f32 to vector<1x20480xf32>
    %select_n3A_390 = arith.select %ge3A, %broadcast_in_dim3A_389, %get3A_40 : vector<1x20480xi1>, vector<1x20480xf32>
    %gt3A_391 = arith.constant 5.000000e-02 : f32
    %gt3A_392 = vector.broadcast %gt3A_391 : f32 to vector<1x20480xf32>
    %gt3A_393 = arith.cmpf ogt, %select_n3A_390, %gt3A_392 : vector<1x20480xf32>
    %jit3A_394 = arith.constant -1.000000e+09 : f32
    %broadcast_in_dim3A_395 = vector.broadcast %jit3A_394 : f32 to vector<1x20480xf32>
    %select_n3A_396 = arith.select %gt3A_393, %select_n3A_390, %broadcast_in_dim3A_395 : vector<1x20480xi1>, vector<1x20480xf32>
    %swap3A_397 = arith.constant 0 : index
    %swap3A_398 = arith.constant 2 : index
    %swap3A_399 = arith.constant 0 : index
    %swap3A_400 = vector.load %arg4[%swap3A_397, %swap3A_398, %swap3A_399] : memref<1x4x20480xf32, #tpu.memory_space<vmem>>, vector<1x1x20480xf32>
    %swap3A_401 = vector.shape_cast %swap3A_400 : vector<1x1x20480xf32> to vector<1x20480xf32>
    %swap3A_402 = vector.shape_cast %select_n3A_396 : vector<1x20480xf32> to vector<1x1x20480xf32>
    tpu.vector_store %arg4[%swap3A_397, %swap3A_398, %swap3A_399], %swap3A_402 {strides = array<i32>} : memref<1x4x20480xf32, #tpu.memory_space<vmem>>, vector<1x1x20480xf32>,
    %get3A_403 = arith.constant 0 : index
    %get3A_404 = arith.constant 3 : index
    %get3A_405 = arith.constant 0 : index
    %get3A_406 = arith.constant 0 : index
    %get3A_407 = vector.load %arg2[%get3A_403, %get3A_404, %get3A_405, %get3A_406] : memref<1x4x4x20480xf32, #tpu.memory_space<vmem>>, vector<1x1x1x20480xf32>
    %get3A_408 = vector.shape_cast %get3A_407 : vector<1x1x1x20480xf32> to vector<1x20480xf32>
    %mul3A_409 = arith.constant 1.000000e-01 : f32
    %mul3A_410 = vector.broadcast %mul3A_409 : f32 to vector<1x20480xf32>
    %mul3A_411 = arith.mulf %get3A_408, %mul3A_410 : vector<1x20480xf32>
    %get3A_412 = arith.constant 0 : index
    %get3A_413 = arith.constant 3 : index
    %get3A_414 = arith.constant 1 : index
    %get3A_415 = arith.constant 0 : index
    %get3A_416 = vector.load %arg2[%get3A_412, %get3A_413, %get3A_414, %get3A_415] : memref<1x4x4x20480xf32, #tpu.memory_space<vmem>>, vector<1x1x1x20480xf32>
    %get3A_417 = vector.shape_cast %get3A_416 : vector<1x1x1x20480xf32> to vector<1x20480xf32>
    %mul3A_418 = arith.constant 1.000000e-01 : f32
    %mul3A_419 = vector.broadcast %mul3A_418 : f32 to vector<1x20480xf32>
    %mul3A_420 = arith.mulf %get3A_417, %mul3A_419 : vector<1x20480xf32>
    %get3A_421 = arith.constant 0 : index
    %get3A_422 = arith.constant 3 : index
    %get3A_423 = arith.constant 2 : index
    %get3A_424 = arith.constant 0 : index
    %get3A_425 = vector.load %arg2[%get3A_421, %get3A_422, %get3A_423, %get3A_424] : memref<1x4x4x20480xf32, #tpu.memory_space<vmem>>, vector<1x1x1x20480xf32>
    %get3A_426 = vector.shape_cast %get3A_425 : vector<1x1x1x20480xf32> to vector<1x20480xf32>
    %mul3A_427 = arith.constant 2.000000e-01 : f32
    %mul3A_428 = vector.broadcast %mul3A_427 : f32 to vector<1x20480xf32>
    %mul3A_429 = arith.mulf %get3A_426, %mul3A_428 : vector<1x20480xf32>
    %get3A_430 = arith.constant 0 : index
    %get3A_431 = arith.constant 3 : index
    %get3A_432 = arith.constant 3 : index
    %get3A_433 = arith.constant 0 : index
    %get3A_434 = vector.load %arg2[%get3A_430, %get3A_431, %get3A_432, %get3A_433] : memref<1x4x4x20480xf32, #tpu.memory_space<vmem>>, vector<1x1x1x20480xf32>
    %get3A_435 = vector.shape_cast %get3A_434 : vector<1x1x1x20480xf32> to vector<1x20480xf32>
    %mul3A_436 = arith.constant 2.000000e-01 : f32
    %mul3A_437 = vector.broadcast %mul3A_436 : f32 to vector<1x20480xf32>
    %mul3A_438 = arith.mulf %get3A_435, %mul3A_437 : vector<1x20480xf32>
    %exp3A_439 = math.exp %mul3A_438 : vector<1x20480xf32>
    %mul3A_440 = arith.mulf %exp3A_439, %sub3A : vector<1x20480xf32>
    %exp3A_441 = math.exp %mul3A_429 : vector<1x20480xf32>
    %mul3A_442 = arith.mulf %exp3A_441, %sub3A_19 : vector<1x20480xf32>
    %mul3A_443 = arith.mulf %mul3A_420, %sub3A : vector<1x20480xf32>
    %add3A_444 = arith.addf %mul3A_443, %add3A : vector<1x20480xf32>
    %mul3A_445 = arith.mulf %mul3A_411, %sub3A_19 : vector<1x20480xf32>
    %add3A_446 = arith.addf %mul3A_445, %add3A_25 : vector<1x20480xf32>
    %mul3A_447 = arith.constant 5.000000e-01 : f32
    %mul3A_448 = vector.broadcast %mul3A_447 : f32 to vector<1x20480xf32>
    %mul3A_449 = arith.mulf %mul3A_448, %mul3A_442 : vector<1x20480xf32>
    %sub3A_450 = arith.subf %add3A_446, %mul3A_449 : vector<1x20480xf32>
    %mul3A_451 = arith.constant 5.000000e-01 : f32
    %mul3A_452 = vector.broadcast %mul3A_451 : f32 to vector<1x20480xf32>
    %mul3A_453 = arith.mulf %mul3A_452, %mul3A_440 : vector<1x20480xf32>
    %sub3A_454 = arith.subf %add3A_444, %mul3A_453 : vector<1x20480xf32>
    %add3A_455 = arith.addf %mul3A_442, %sub3A_450 : vector<1x20480xf32>
    %add3A_456 = arith.addf %mul3A_440, %sub3A_454 : vector<1x20480xf32>
    %jit3A_457 = arith.constant 0.000000e+00 : f32
    %jit3A_458 = arith.constant 1.000000e+00 : f32
    %max3A_459 = vector.broadcast %jit3A_457 : f32 to vector<1x20480xf32>
    %max3A_460 = arith.maximumf %max3A_459, %sub3A_450 : vector<1x20480xf32>
    %min3A_461 = vector.broadcast %jit3A_458 : f32 to vector<1x20480xf32>
    %min3A_462 = arith.minimumf %min3A_461, %max3A_460 : vector<1x20480xf32>
    %swap3A_463 = arith.constant 0 : index
    %swap3A_464 = arith.constant 3 : index
    %swap3A_465 = arith.constant 0 : index
    %swap3A_466 = arith.constant 0 : index
    %swap3A_467 = vector.load %arg5[%swap3A_463, %swap3A_464, %swap3A_465, %swap3A_466] : memref<1x4x4x20480xf32, #tpu.memory_space<vmem>>, vector<1x1x1x20480xf32>
    %swap3A_468 = vector.shape_cast %swap3A_467 : vector<1x1x1x20480xf32> to vector<1x20480xf32>
    %swap3A_469 = vector.shape_cast %min3A_462 : vector<1x20480xf32> to vector<1x1x1x20480xf32>
    tpu.vector_store %arg5[%swap3A_463, %swap3A_464, %swap3A_465, %swap3A_466], %swap3A_469 {strides = array<i32>} : memref<1x4x4x20480xf32, #tpu.memory_space<vmem>>, vector<1x1x1x20480xf32>,
    %jit3A_470 = arith.constant 0.000000e+00 : f32
    %jit3A_471 = arith.constant 1.000000e+00 : f32
    %max3A_472 = vector.broadcast %jit3A_470 : f32 to vector<1x20480xf32>
    %max3A_473 = arith.maximumf %max3A_472, %sub3A_454 : vector<1x20480xf32>
    %min3A_474 = vector.broadcast %jit3A_471 : f32 to vector<1x20480xf32>
    %min3A_475 = arith.minimumf %min3A_474, %max3A_473 : vector<1x20480xf32>
    %swap3A_476 = arith.constant 0 : index
    %swap3A_477 = arith.constant 3 : index
    %swap3A_478 = arith.constant 1 : index
    %swap3A_479 = arith.constant 0 : index
    %swap3A_480 = vector.load %arg5[%swap3A_476, %swap3A_477, %swap3A_478, %swap3A_479] : memref<1x4x4x20480xf32, #tpu.memory_space<vmem>>, vector<1x1x1x20480xf32>
    %swap3A_481 = vector.shape_cast %swap3A_480 : vector<1x1x1x20480xf32> to vector<1x20480xf32>
    %swap3A_482 = vector.shape_cast %min3A_475 : vector<1x20480xf32> to vector<1x1x1x20480xf32>
    tpu.vector_store %arg5[%swap3A_476, %swap3A_477, %swap3A_478, %swap3A_479], %swap3A_482 {strides = array<i32>} : memref<1x4x4x20480xf32, #tpu.memory_space<vmem>>, vector<1x1x1x20480xf32>,
    %jit3A_483 = arith.constant 0.000000e+00 : f32
    %jit3A_484 = arith.constant 1.000000e+00 : f32
    %max3A_485 = vector.broadcast %jit3A_483 : f32 to vector<1x20480xf32>
    %max3A_486 = arith.maximumf %max3A_485, %add3A_455 : vector<1x20480xf32>
    %min3A_487 = vector.broadcast %jit3A_484 : f32 to vector<1x20480xf32>
    %min3A_488 = arith.minimumf %min3A_487, %max3A_486 : vector<1x20480xf32>
    %swap3A_489 = arith.constant 0 : index
    %swap3A_490 = arith.constant 3 : index
    %swap3A_491 = arith.constant 2 : index
    %swap3A_492 = arith.constant 0 : index
    %swap3A_493 = vector.load %arg5[%swap3A_489, %swap3A_490, %swap3A_491, %swap3A_492] : memref<1x4x4x20480xf32, #tpu.memory_space<vmem>>, vector<1x1x1x20480xf32>
    %swap3A_494 = vector.shape_cast %swap3A_493 : vector<1x1x1x20480xf32> to vector<1x20480xf32>
    %swap3A_495 = vector.shape_cast %min3A_488 : vector<1x20480xf32> to vector<1x1x1x20480xf32>
    tpu.vector_store %arg5[%swap3A_489, %swap3A_490, %swap3A_491, %swap3A_492], %swap3A_495 {strides = array<i32>} : memref<1x4x4x20480xf32, #tpu.memory_space<vmem>>, vector<1x1x1x20480xf32>,
    %jit3A_496 = arith.constant 0.000000e+00 : f32
    %jit3A_497 = arith.constant 1.000000e+00 : f32
    %max3A_498 = vector.broadcast %jit3A_496 : f32 to vector<1x20480xf32>
    %max3A_499 = arith.maximumf %max3A_498, %add3A_456 : vector<1x20480xf32>
    %min3A_500 = vector.broadcast %jit3A_497 : f32 to vector<1x20480xf32>
    %min3A_501 = arith.minimumf %min3A_500, %max3A_499 : vector<1x20480xf32>
    %swap3A_502 = arith.constant 0 : index
    %swap3A_503 = arith.constant 3 : index
    %swap3A_504 = arith.constant 3 : index
    %swap3A_505 = arith.constant 0 : index
    %swap3A_506 = vector.load %arg5[%swap3A_502, %swap3A_503, %swap3A_504, %swap3A_505] : memref<1x4x4x20480xf32, #tpu.memory_space<vmem>>, vector<1x1x1x20480xf32>
    %swap3A_507 = vector.shape_cast %swap3A_506 : vector<1x1x1x20480xf32> to vector<1x20480xf32>
    %swap3A_508 = vector.shape_cast %min3A_501 : vector<1x20480xf32> to vector<1x1x1x20480xf32>
    tpu.vector_store %arg5[%swap3A_502, %swap3A_503, %swap3A_504, %swap3A_505], %swap3A_508 {strides = array<i32>} : memref<1x4x4x20480xf32, #tpu.memory_space<vmem>>, vector<1x1x1x20480xf32>,
    %jit3A_509 = arith.constant 0.000000e+00 : f32
    %broadcast_in_dim3A_510 = vector.broadcast %jit3A_509 : f32 to vector<1x20480xf32>
    %select_n3A_511 = arith.select %ge3A, %broadcast_in_dim3A_510, %get3A_45 : vector<1x20480xi1>, vector<1x20480xf32>
    %gt3A_512 = arith.constant 5.000000e-02 : f32
    %gt3A_513 = vector.broadcast %gt3A_512 : f32 to vector<1x20480xf32>
    %gt3A_514 = arith.cmpf ogt, %select_n3A_511, %gt3A_513 : vector<1x20480xf32>
    %jit3A_515 = arith.constant -1.000000e+09 : f32
    %broadcast_in_dim3A_516 = vector.broadcast %jit3A_515 : f32 to vector<1x20480xf32>
    %select_n3A_517 = arith.select %gt3A_514, %select_n3A_511, %broadcast_in_dim3A_516 : vector<1x20480xi1>, vector<1x20480xf32>
    %swap3A_518 = arith.constant 0 : index
    %swap3A_519 = arith.constant 3 : index
    %swap3A_520 = arith.constant 0 : index
    %swap3A_521 = vector.load %arg4[%swap3A_518, %swap3A_519, %swap3A_520] : memref<1x4x20480xf32, #tpu.memory_space<vmem>>, vector<1x1x20480xf32>
    %swap3A_522 = vector.shape_cast %swap3A_521 : vector<1x1x20480xf32> to vector<1x20480xf32>
    %swap3A_523 = vector.shape_cast %select_n3A_517 : vector<1x20480xf32> to vector<1x1x20480xf32>
    tpu.vector_store %arg4[%swap3A_518, %swap3A_519, %swap3A_520], %swap3A_523 {strides = array<i32>} : memref<1x4x20480xf32, #tpu.memory_space<vmem>>, vector<1x1x20480xf32>,
    return
  }
  func.func @transform_0(%arg0: i32) -> (i32, i32, i32) {
    %c0_i32 = arith.constant 0 : i32
    %c0_i32_0 = arith.constant 0 : i32
    %c0_i32_1 = arith.constant 0 : i32
    return %arg0, %c0_i32, %c0_i32_0 : i32, i32, i32
  }
  func.func @transform_1(%arg0: i32) -> (i32, i32, i32, i32) {
    %c0_i32 = arith.constant 0 : i32
    %c0_i32_0 = arith.constant 0 : i32
    %c0_i32_1 = arith.constant 0 : i32
    %c0_i32_2 = arith.constant 0 : i32
    return %arg0, %c0_i32, %c0_i32_0, %c0_i32_1 : i32, i32, i32, i32
  }
  func.func @transform_2(%arg0: i32) -> (i32, i32, i32) {
    %c0_i32 = arith.constant 0 : i32
    %c0_i32_0 = arith.constant 0 : i32
    %c0_i32_1 = arith.constant 0 : i32
    return %arg0, %c0_i32, %c0_i32_0 : i32, i32, i32
  }
  func.func @transform_3(%arg0: i32) -> (i32, i32, i32) {
    %c0_i32 = arith.constant 0 : i32
    %c0_i32_0 = arith.constant 0 : i32
    %c0_i32_1 = arith.constant 0 : i32
    return %arg0, %c0_i32, %c0_i32_0 : i32, i32, i32
  }
  func.func @transform_4(%arg0: i32) -> (i32, i32, i32, i32) {
    %c0_i32 = arith.constant 0 : i32
    %c0_i32_0 = arith.constant 0 : i32
    %c0_i32_1 = arith.constant 0 : i32
    %c0_i32_2 = arith.constant 0 : i32
    return %arg0, %c0_i32, %c0_i32_0, %c0_i32_1 : i32, i32, i32, i32
  }
}

</mosaic_0001>

<sc_bundles>
// kernel: kernel.4.cloned.1.call-start
scs
__scs_entry_jumppad:
0x0: {  	(pc) =	sbr.rel $0x88, $3  }
0x1: {  	(tag) =	ssettag $0x0;
	lr =	simm.s32 $0x1  }
0x2: {  	[smem:$0x3F9E] =	sst lr;
	_ =	strace $0xD0000000  }
0x3: {  	_ = 	snop  }
0x4: {  	_ = 	snop  }
0x5: {  	_ = 	snop  }
0x6: {  	_ = 	snop  }
0x7: {  	_ = 	snop  }
__scs_overlays_trampoline_lowered:
0x8: {  	[smem:$0x3FAD] =	sst s0  }
0x9: {  	[smem:$0x3FAE] =	sst s1  }
0xa: {  	[smem:$0x3FAF] =	sst s2  }
0xb: {  	[smem:$0x3FB0] =	sst s3  }
0xc: {  	[smem:$0x3FB1] =	sst s4  }
0xd: {  	[smem:$0x3FB2] =	sst s5  }
0xe: {  	[smem:$0x3FB3] =	sst s6  }
0xf: {  	[smem:$0x3FB4] =	sst s7  }
0x10: {  	[smem:$0x3FB5] =	sst s8  }
0x11: {  	[smem:$0x3FB6] =	sst s9;
	s0 =	simm.s32 @!p0 $0x0  }
0x12: {  	s1 =	sld [smem:$0x3F9C];
	s0 =	simm.s32 @p0 $0x1  }
0x13: {  	[smem:$0x3FB7] =	sst s0;
	s0 =	simm.s32 @!p1 $0x0  }
0x14: {  	s2 =	sld [smem:$0x3F9B];
	s0 =	simm.s32 @p1 $0x1  }
0x15: {  	[smem:$0x3FB8] =	sst s0;
	s0 =	simm.s32 @!p2 $0x0  }
0x16: {  	s3 =	sld [smem:$0x3FDB];
	s0 =	simm.s32 @p2 $0x1  }
0x17: {  	s4 =	simm.s32 $0x1BF5;
	[smem:$0x3FBA] =	sst s0  }
0x18: {  	s0 =	sld [smem:$0x3F9D];
	_ =	swait.ge [sflag:s4], $0x0  }
0x19: {  	s7 =	sld [smem:$0x3F9E]  }
0x1a: {  	s8 =	sadd.s32 $0xFFFFE003, lr  }
0x1b: {  	s9 =	sadd.s32 $0xFFFFFEF7, lr;
	s5 =	simm.s32 $0xFFFFFFFF;
	p2 =	slt.u32 s8, $0xFFFFF086  }
0x1c: {  	p1 =	slt.u32 s9, $0xF7A;
	s5 =	simm.s32 @!p2 $0x0  }
0x1d: {  	s5 =	simm.s32 @p1 $0x1;
	p0 =	seq.s32 s7, s2  }
0x1e: {  	s7 =	smul.u32 @!p0 $0xF7A, s2;
	p2 =	seq.s32 @!p0 s5, $0x0  }
0x1f: {  	s9 =	smul.u32 $0xF7A, s1;
	s8 =	simm.s32 @!p0 $0x1BF5;
	p2 =	por !p2, p0  }
0x20: {  	[sflag:s8] =	ssyncset.s32 @!p0 $0xFFFFF086;
	s6 =	sadd.s32 @!p0 s3, s7;
	s7 =	simm.s32 @!p0 $0x108  }
0x21: {  	s3 =	sadd.s32 s3, s9;
	s6 =	sadd.s32 @!p0 $0x88, s6;
	s7 =	simm.s32 @p2 $0x1082  }
0x22: {  	[simem:s7], [sflag:s8] =	dma.local @!p0 [hbm:s6], $0xF7A  }
0x23: {  	s9 =	sor.u32 $0xD0000000, s2;
	s6 =	simm.s32 $0x108;
	_ =	swait.ge @!p0 [sflag:s8], $0x0  }
0x24: {  	s3 =	sadd.s32 $0x88, s3;
	s6 =	simm.s32 @!p1 $0x1082;
	[sflag:s4] =	ssyncset.s32 $0xFFFFF086  }
0x25: {  	[simem:s6], [sflag:s4] =	dma.local [hbm:s3], $0xF7A  }
0x26: {  	[smem:$0x3F9E] =	sst s1;
	(tag) =	ssettag s2;
	_ =	strace s9  }
0x27: {  	s1 =	sld [smem:$0x3FAE]  }
0x28: {  	s2 =	sld [smem:$0x3FAF]  }
0x29: {  	s4 =	sld [smem:$0x3FB1]  }
0x2a: {  	p0 =	seq.s32 s5, $0x0;
	s5 =	sld [smem:$0x3FB2]  }
0x2b: {  	s6 =	sld [smem:$0x3FB3]  }
0x2c: {  	s7 =	sld [smem:$0x3FB4]  }
0x2d: {  	s3 =	simm.s32 $0x108;
	s8 =	sld [smem:$0x3FB5]  }
0x2e: {  	s3 =	simm.s32 @!p0 $0x1082;
	s9 =	sld [smem:$0x3FB6]  }
0x2f: {  	lr =	sadd.s32 s0, s3;
	s0 =	sld [smem:$0x3FAD]  }
0x30: {  	s3 =	sld [smem:$0x3FB0]  }
0x31: {  	[smem:$0x3FB9] =	sst s10  }
0x32: {  	s10 =	sld [smem:$0x3FB7];
	_ =	sdelay $0x3  }
0x33: {  	p0 =	seq.s32 s10, $0x1;
	s10 =	sld [smem:$0x3FB9];
	_ =	sdelay $0x3  }
0x34: {  	[smem:$0x3FB9] =	sst s10  }
0x35: {  	s10 =	sld [smem:$0x3FB8];
	_ =	sdelay $0x3  }
0x36: {  	p1 =	seq.s32 s10, $0x1;
	s10 =	sld [smem:$0x3FB9];
	_ =	sdelay $0x3  }
0x37: {  	[smem:$0x3FB9] =	sst s10  }
0x38: {  	s10 =	sld [smem:$0x3FBA]  }
0x39: {  	_ = 	snop;
	(pc) =	sbr.ind lr, $3  }
0x3a: {  	_ = 	snop  }
0x3b: {  	_ = 	snop  }
0x3c: {  	p2 =	seq.s32 s10, $0x1;
	s10 =	sld [smem:$0x3FB9]  }
0x3d: {  	_ =	shalt  }
0x3e: {  	_ =	shalt  }
0x3f: {  	_ =	shalt  }
0x40: {  	_ =	shalt  }
0x41: {  	_ =	shalt  }
0x42: {  	_ =	shalt  }
0x43: {  	_ =	shalt  }
0x44: {  	_ =	shalt  }
0x45: {  	_ =	shalt  }
0x46: {  	_ =	shalt  }
0x47: {  	_ =	shalt  }
0x48: {  	_ =	shalt  }
0x49: {  	_ =	shalt  }
0x4a: {  	_ =	shalt  }
0x4b: {  	_ =	shalt  }
0x4c: {  	_ =	shalt  }
0x4d: {  	_ =	shalt  }
0x4e: {  	_ =	shalt  }
0x4f: {  	_ =	shalt  }
0x50: {  	_ =	shalt  }
0x51: {  	_ =	shalt  }
0x52: {  	_ =	shalt  }
0x53: {  	_ =	shalt  }
0x54: {  	_ =	shalt  }
0x55: {  	_ =	shalt  }
0x56: {  	_ =	shalt  }
0x57: {  	_ =	shalt  }
0x58: {  	_ =	shalt  }
0x59: {  	_ =	shalt  }
0x5a: {  	_ =	shalt  }
0x5b: {  	_ =	shalt  }
0x5c: {  	_ =	shalt  }
0x5d: {  	_ =	shalt  }
0x5e: {  	_ =	shalt  }
0x5f: {  	_ =	shalt  }
0x60: {  	_ =	shalt  }
0x61: {  	_ =	shalt  }
0x62: {  	_ =	shalt  }
0x63: {  	_ =	shalt  }
0x64: {  	_ =	shalt  }
0x65: {  	_ =	shalt  }
0x66: {  	_ =	shalt  }
0x67: {  	_ =	shalt  }
0x68: {  	_ =	shalt  }
0x69: {  	_ =	shalt  }
0x6a: {  	_ =	shalt  }
0x6b: {  	_ =	shalt  }
0x6c: {  	_ =	shalt  }
0x6d: {  	_ =	shalt  }
0x6e: {  	_ =	shalt  }
0x6f: {  	_ =	shalt  }
0x70: {  	_ =	shalt  }
0x71: {  	_ =	shalt  }
0x72: {  	_ =	shalt  }
0x73: {  	_ =	shalt  }
0x74: {  	_ =	shalt  }
0x75: {  	_ =	shalt  }
0x76: {  	_ =	shalt  }
0x77: {  	_ =	shalt  }
0x78: {  	_ =	shalt  }
0x79: {  	_ =	shalt  }
0x7a: {  	_ =	shalt  }
0x7b: {  	_ =	shalt  }
0x7c: {  	_ =	shalt  }
0x7d: {  	_ =	shalt  }
0x7e: {  	_ =	shalt  }
0x7f: {  	_ =	shalt  }
0x80: {  	_ =	shalt  }
0x81: {  	_ =	shalt  }
0x82: {  	_ =	shalt  }
0x83: {  	_ =	shalt  }
0x84: {  	_ =	shalt  }
0x85: {  	_ =	shalt  }
0x86: {  	_ =	shalt  }
0x87: {  	_ =	shalt  }
.Lfunc_end0:
.L_simem_size_0:
called_computation_lowered:
.L_overlay_start_0:
0x88: {  	s2 =	sld [smem:$0x3FD9]  }
0x89: {  	s3 =	sld [smem:$0x3FFE];
	_ =	sdelay $0x1  }
0x8a: {  	s1 =	srdreg.scid  }
0x8b: {  	s0 =	sand.u32 $0x1, s1  }
0x8c: {  	s14 =	sshll.u32 s0, $0xA;
	s2 =	sadd.s32 s3, s2  }
0x8d: {  	s2 =	sadd.s32 s2, s14  }
0x8e: {  	[smem:$0x3FC5] =	sst s2  }
0x8f: {  	_ = 	snop  }
0x90: {  	s2 =	sld [smem:$0x3FD0];
	_ =	sdelay $0x2  }
0x91: {  	s15 =	simm.s32 $0xA;
	s4 =	simm.s32 $0x10  }
0x92: {  	[smem:s4], [sflag:s15] =	dma.local [hbm:s2], $0x1  }
0x93: {  	_ =	swait.eq [sflag:s15], $0x1  }
0x94: {  	s16 =	sld [smem:$0x10];
	[sflag:s15] =	ssyncset.done $0x0  }
0x95: {  	s17 =	sld [smem:$0x11];
	[sflag:s15] =	ssyncadd.s32 $0xFFFFFFFF  }
0x96: {  	s18 =	sld [smem:$0x12];
	(tm) =	ssettm $0x1  }
0x97: {  	s5 =	sld [smem:$0x3FFB];
	_ =	sdelay $0x3  }
0x98: {  	_ =	strace s5  }
0x99: {  	s5 =	sld [smem:$0x3FFC];
	_ =	sdelay $0x3  }
0x9a: {  	_ =	strace s5  }
0x9b: {  	s5 =	sld [smem:$0x3FFD];
	_ =	sdelay $0x3  }
0x9c: {  	_ =	strace s5  }
0x9d: {  	_ =	strace $0x8FFFFFFF  }
0x9e: {  	s19 =	sld [smem:$0x3FDB];
	_ =	sdelay $0x1  }
0x9f: {  	s6 =	simm.s32 $_scs_section_size  }
0xa0: {  	s7 =	simm.s32 $_size__tile_overlayer_lowered;
	s8 =	simm.s32 $_tile_overlayer_lowered  }
0xa1: {  	s22 =	simm.s32 $0x1BFF;
	s21 =	sshll.u32 s8, $0x1;
	s5 =	sadd.s32 s6, s19  }
0xa2: {  	s9 =	simm.s32 $0x0;
	s20 =	sshll.u32 s7, $0x1;
	s7 =	sadd.s32 s21, s5  }
0xa3: {  	[timem:s9], [sflag:s22] =	dma.local [hbm:s7], s20  }
0xa4: {  	_ =	swait.ge [sflag:s22], s20  }
0xa5: {  	s6 =	ssub.s32 $0x0, s20;
	[sflag:s22] =	ssyncset.done $0x0  }
0xa6: {  	[sflag:s22] =	ssyncadd.s32 s6;
	_ =	sdelay $0x1  }
0xa7: {  	s23 =	simm.s32 $0x1B8B  }
0xa8: {  	_ =	swait.ge [sflag:s23], $0x1  }
0xa9: {  	[sflag:s23] =	ssyncset.done $0x0  }
0xaa: {  	s25 =	simm.s32 $0x1B8E;
	s24 =	sld [smem:$0x3FFE];
	[sflag:s23] =	ssyncadd.s32 $0xFFFFFFFF  }
0xab: {  	s26 =	simm.s32 $execute0_lowered;
	[smem:$0x3FD2] =	sst s25  }
0xac: {  	s7 =	sshll.u32 s26, $0x1;
	_ =	strace $0x80000046;
	[dreg:$0x1] =	wrdreg $0xFFFFFFFF  }
0xad: {  	s28 =	simm.s32 $_size_execute0_lowered;
	s5 =	sadd.s32 s5, s7;
	[dreg:$0x0] =	wrdreg $0x0  }
0xae: {  	s7 =	sshll.u32 s28, $0x1;
	[dreg:$0x2] =	wrdreg s5  }
0xaf: {  	[dreg:$0x3] =	wrdreg s7  }
0xb0: {  	[dreg:$0x4] =	wrdreg $0xC0  }
0xb1: {  	_ =	task [dreg:s9], $0x5FFFF  }
0xb2: {  	[dreg:$0x1] =	wrdreg $0xFFFFFFFF  }
0xb3: {  	[dreg:$0x0] =	wrdreg $0x60  }
0xb4: {  	[dreg:$0x2] =	wrdreg s24  }
0xb5: {  	[dreg:$0x3] =	wrdreg s16  }
0xb6: {  	[dreg:$0x4] =	wrdreg s17  }
0xb7: {  	[dreg:$0x5] =	wrdreg s18  }
0xb8: {  	[dreg:$0x6] =	wrdreg $0x198800  }
0xb9: {  	[dreg:$0x7] =	wrdreg $0x199800  }
0xba: {  	[dreg:$0x8] =	wrdreg $0x9  }
0xbb: {  	_ =	task.clear_ibuf [dreg:s9], $0x9FFFF;
	_ =	strace $0x90000046  }
0xbc: {  	s29 =	simm.s32 $0x9;
	_ =	strace $0x80000048  }
0xbd: {  	_ =	swait.ge [sflag:s29], $0x1  }
0xbe: {  	[sflag:s29] =	ssyncadd.s32 $0xFFFFFFFF  }
0xbf: {  	_ =	strace $0x90000048  }
0xc0: {  	_ =	sfence  }
0xc1: {  	s30 =	sld [smem:$0x0];
	_ =	sdelay $0x2  }
0xc2: {  	s31 =	sshll.u32 s1, $0xD;
	s1 =	sshrl.u32 s1, $0x2  }
0xc3: {  	s3 =	sand.u32 $0x4000, s31;
	s1 =	sadd.s32 s1, s30  }
0xc4: {  	s0 =	sor.u32 s3, s0;
	s1 =	sshll.u32 s1, $0x11  }
0xc5: {  	s0 =	sor.u32 s1, s0  }
0xc6: {  	s0 =	sadd.s32 $0x8F2B, s0  }
0xc7: {  	[sflag:s0] =	ssyncadd.remote.s32 $0x1  }
0xc8: {  	_ =	sfence.sel $0xFFFF  }
0xc9: {  	[dreg:$0x0] =	wrdreg $0xFFFFFFFF;
	(pc) =	sbr.abs _section_cstart, $3  }
0xca: {  	[dreg:$0x1] =	wrdreg $0xFFFFFFFF  }
0xcb: {  	_ =	task.clear_ibuf [dreg:s9], $0x2FFFF;
	_ =	strace $0x9FFFFFFF  }
0xcc: {  	(tm) =	ssettm $0x7FFFFFFF  }
0xcd: {  	_ =	shalt  }
tec
execute0_lowered:
.L_overlay_start_1:
0x0: {  	(tag) =	ssettag $0x1  }
0x1: {  	s0 =	rddreg [dreg:$0x0]  }
0x2: {  	s1 =	rddreg [dreg:$0x1]  }
0x3: {  	s13 =	rddreg [dreg:$0x2]  }
0x4: {  	s14 =	rddreg [dreg:$0x3]  }
0x5: {  	s2 =	srdreg.scid;
	s7 =	rddreg [dreg:$0x4]  }
0x6: {  	s16 =	stileid.u32;
	s8 =	rddreg [dreg:$0x5];
	s28 =	simm.s32 $0x199C0  }
0x7: {  	s29 =	simm.s32 $0x0;
	s10 =	sand.u32 $0x1, s2;
	s3 =	sand.u32 $0x4, s16  }
0x8: {  	s6 =	sand.u32 $0x3, s16;
	s11 =	sshrl.u32 s16, $0x2;
	s25 =	sadd.s32 $0xFFFFFFF8, s16  }
0x9: {  	s18 =	sand.u32 $0xE, s16;
	s31 =	sshll.u32 s16, $0x4;
	p0 =	sgt.u32 s16, $0x7  }
0xa: {  	s16 =	simm.s32 $0x5000;
	s2 =	sshll.u32 s10, $0x3;
	s4 =	smul.u32 $0x28000, s10  }
0xb: {  	s19 =	ssub.s32 $0x2, s10;
	s20 =	sshll.u32 s11, $0xB;
	s22 =	sshll.u32 s6, $0x9  }
0xc: {  	s24 =	sshll.u32 s11, $0x9;
	s26 =	sshll.u32 s25, $0xB;
	s12 =	sshll.u32 s10, $0x5  }
0xd: {  	p1 =	sne.s32 s18, $0x8;
	s2 =	sor.u32 s3, s2;
	s9 =	sshrl.u32 s19, $0x1  }
0xe: {  	s21 =	sadd.s32 s20, s7;
	s30 =	sand.u32 $0x3FFFF800, s26;
	s3 =	sor.u32 s6, s2  }
0xf: {  	s20 =	simm.s32 $0x19000;
	s2 =	simm.s32 $0x0;
	s5 =	sshll.u32 s3, $0x7  }
0x10: {  	s15 =	ssub.s32 s19, s9;
	s6 =	sshll.u32 s6, $0x7;
	s5 =	sand.u32 $0x380, s5  }
0x11: {  	s9 =	sshll.u32 s25, $0x9;
	s3 =	smul.u32 $0x2800, s3;
	s4 =	sor.u32 s4, s5  }
0x12: {  	s7 =	sadd.s32 s30, s7;
	s19 =	simm.s32 $0x2;
	s4 =	sshrl.u32 s4, $0x3  }
0x13: {  	s25 =	simm.s32 $0x3;
	s4 =	sadd.s32 s4, s0;
	s0 =	sadd.s32 s3, s0  }
0x14: {  	[smem:$0x7FF] =	sst s2;
	s9 =	sand.u32 $0x3FFFFE00, s9;
	s0 =	sadd.s32 $0xE00, s0  }
0x15: {  	_ =	strace $0x80000047;
	s23 =	sadd.s32 $0x28E00, s4;
	[dreg:$0x7] =	wrdreg s0  }
0x16: {  	s15 =	smax.u32 s15, $0x1;
	s3 =	simm.s32 $0x80;
	[dreg:$0x8] =	wrdreg s23  }
0x17: {  	s0 =	sadd.s32 s22, s21;
	s21 =	simm.s32 $0x19500;
	s22 =	simm.s32 $0x19580  }
.Ltmp0:
0x18: {  	[dreg:$0x9] =	wrdreg s0;
	s0 =	sadd.s32 s24, s8;
	(pc) =	sbr.rel .LBB2_1-.Ltmp0, $4  }
0x19: {  	s8 =	sadd.s32 s9, s8;
	s6 =	sadd.s32 s6, s0;
	s0 =	sand.u32 $0x10, s31  }
0x1a: {  	v0 =	vimm.f32 $-4.000000000e+00;
	v1 =	vimm.f32 $-1.000000000e+09;
	v2 =	vimm.s32 $0x0;
	s23 =	simm.s32 $0x1;
	s9 =	sadd.s32 $0x80, s8;
	s0 =	sor.u32 s12, s0  }
0x1b: {  	v3 =	vimm.s32 $0x1;
	v4 =	vimm.s32 $0x2;
	v5 =	vimm.s32 $0x3;
	s10 =	sadd.s32 $0x100, s8;
	s11 =	sadd.s32 $0x180, s8;
	s12 =	sadd.s32 s1, s0  }
0x1c: {  	v6 =	vimm.s32 $0x4;
	v7 =	vlaneseq.u32;
	v8 =	vimm.f32 $0.0e+00;
	s13 =	sadd.s32 s13, s0;
	s14 =	sadd.s32 s14, s0;
	s1 =	simm.s32 $0x1A3C0  }
.LBB2_14:
0x1d: {  	_ =	sdelay $0x3  }
0x1e: {  	[tilespmem:v13+s31+$0x0] =	vst.idx.msk @p3 $0x1, v11  }
0x1f: {  	s3 =	simm.s32 @p3 $0x1A640;
	[tilespmem:v12+s31+$0x0] =	vst.idx.msk @p3 $0x1, v9  }
0x20: {  	v9 =	vmov s0;
	s0 =	simm.s32 @p3 $0x1A6C0;
	[tilespmem:v14+s3+$0x0] =	vst.idx.msk @p3 $0x1, v10  }
0x21: {  	s26 =	simm.s32 $0x200;
	s4 =	simm.s32 $0x1A440;
	s3 =	simm.s32 $0x80;
	[tilespmem:v14+s0+$0x0] =	vst.idx.msk @p3 $0x1, v9  }
0x22: {  	[hbm4b:s12+s3] =	stream.strided.scatter [tilespmem:s4], [sflag:$0x3], $0x200, s26, s3, $0x38;
	[tilespmem:$0x1A740] =	vst v63  }
0x23: {  	_ =	swait.ge [sflag:s25], $0x200  }
0x24: {  	[sflag:s25] =	ssyncset.done $0x0  }
0x25: {  	s30 =	simm.s32 $0x1A640;
	[sflag:s25] =	ssyncadd.s32 $0xFFFFFE00  }
0x26: {  	[hbm4b:s13+s2] =	stream.linear.scatter [tilespmem:s30], [sflag:$0x3], $0x80, $0x38;
	[tilespmem:$0x1A740] =	vst v63  }
0x27: {  	_ =	swait.ge [sflag:s25], $0x80  }
0x28: {  	[sflag:s25] =	ssyncset.done $0x0  }
0x29: {  	s31 =	simm.s32 $0x1A6C0;
	[sflag:s25] =	ssyncadd.s32 $0xFFFFFF80  }
0x2a: {  	[hbm4b:s14+s2] =	stream.linear.scatter [tilespmem:s31], [sflag:$0x3], $0x80, $0x38;
	[tilespmem:$0x1A740] =	vst v63  }
0x2b: {  	_ =	swait.ge [sflag:s25], $0x80  }
0x2c: {  	[sflag:s25] =	ssyncset.done $0x0  }
0x2d: {  	[sflag:s25] =	ssyncadd.s32 $0xFFFFFF80  }
.LBB2_15:
0x2e: {  	s29 =	sadd.s32 $0x1, s29  }
0x2f: {  	p2 =	sne.s32 s29, s15  }
.Ltmp1:
0x30: {  	_ = 	snop;
	(pc) =	sbr.rel @!p2 .LBB2_16-.Ltmp1, $1  }
0x31: {  	_ =	sdelay $0x3  }
.LBB2_1:
.Ltmp2:
0x32: {  	(pc) =	sbr.rel @p0 .LBB2_9-.Ltmp2, $1  }
0x33: {  	_ =	sdelay $0x3  }
0x34: {  	s0 =	rddreg [dreg:$0x7]  }
0x35: {  	[tilespmem:s16], [sflag:$0x1] =	stream.linear.gather [hbm4b:s0+s2], $0x14000, $0x38;
	[tilespmem:$0x1A740] =	vst v63  }
0x36: {  	s31 =	rddreg [dreg:$0x8];
	s4 =	simm.s32 $0x400  }
0x37: {  	[tilespmem:s2], [sflag:$0x2] =	stream.strided.gather [hbm4b:s31+s3], $0x5000, s4, s3, $0x38;
	[tilespmem:$0x1A740] =	vst v63  }
0x38: {  	[tilespmem:$0x19680] =	vst v0  }
0x39: {  	[tilespmem:$0x19700] =	vst v0  }
0x3a: {  	[tilespmem:$0x19780] =	vst v0  }
0x3b: {  	[tilespmem:$0x19800] =	vst v0  }
0x3c: {  	[tilespmem:$0x19600] =	vst v1  }
0x3d: {  	[tilespmem:$0x19690] =	vst v0  }
0x3e: {  	[tilespmem:$0x19710] =	vst v0  }
0x3f: {  	[tilespmem:$0x19790] =	vst v0  }
0x40: {  	[tilespmem:$0x19810] =	vst v0  }
0x41: {  	[tilespmem:$0x19610] =	vst v1  }
0x42: {  	[tilespmem:$0x196A0] =	vst v0  }
0x43: {  	[tilespmem:$0x19720] =	vst v0  }
0x44: {  	[tilespmem:$0x197A0] =	vst v0  }
0x45: {  	[tilespmem:$0x19820] =	vst v0  }
0x46: {  	[tilespmem:$0x19620] =	vst v1  }
0x47: {  	[tilespmem:$0x196B0] =	vst v0  }
0x48: {  	[tilespmem:$0x19730] =	vst v0  }
0x49: {  	[tilespmem:$0x197B0] =	vst v0  }
0x4a: {  	[tilespmem:$0x19830] =	vst v0  }
0x4b: {  	[tilespmem:$0x19630] =	vst v1  }
0x4c: {  	[tilespmem:$0x196C0] =	vst v0  }
0x4d: {  	[tilespmem:$0x19740] =	vst v0  }
0x4e: {  	[tilespmem:$0x197C0] =	vst v0  }
0x4f: {  	[tilespmem:$0x19840] =	vst v0  }
0x50: {  	[tilespmem:$0x19640] =	vst v1  }
0x51: {  	[tilespmem:$0x196D0] =	vst v0  }
0x52: {  	[tilespmem:$0x19750] =	vst v0  }
0x53: {  	[tilespmem:$0x197D0] =	vst v0  }
0x54: {  	[tilespmem:$0x19850] =	vst v0  }
0x55: {  	[tilespmem:$0x19650] =	vst v1  }
0x56: {  	[tilespmem:$0x196E0] =	vst v0  }
0x57: {  	[tilespmem:$0x19760] =	vst v0  }
0x58: {  	[tilespmem:$0x197E0] =	vst v0  }
0x59: {  	[tilespmem:$0x19860] =	vst v0  }
0x5a: {  	[tilespmem:$0x19660] =	vst v1  }
0x5b: {  	[tilespmem:$0x196F0] =	vst v0  }
0x5c: {  	[tilespmem:$0x19770] =	vst v0  }
0x5d: {  	[tilespmem:$0x197F0] =	vst v0  }
0x5e: {  	[tilespmem:$0x19870] =	vst v0  }
0x5f: {  	[tilespmem:$0x19670] =	vst v1  }
0x60: {  	_ =	swait.ge [sflag:s19], $0x5000  }
0x61: {  	[sflag:s19] =	ssyncset.done $0x0  }
0x62: {  	s0 =	simm.s32 $0x40;
	[sflag:s19] =	ssyncadd.s32 $0xFFFFB000  }
0x63: {  	v9 =	vld [tilespmem:s0+$0xFFFFFFC0];
	_ =	sdelay $0x4  }
0x64: {  	s18 =	simm.s32 $0x0;
	(xrf0) =	vmax.scan.msk.f32 $0xffff, v9  }
0x65: {  	v9 =	vmov s18  }
0x66: {  	v9 =	vand.u32 $0xFFFFFFF8, v9  }
0x67: {  	v9 =	vbroadcast v9, $0x0;
	_ =	sdelay $0x2  }
0x68: {  	v10, _, _ =	vpop (xrf0)  }
0x69: {  	v10 =	vbroadcast v10, $0xF;
	_ =	sdelay $0x1  }
0x6a: {  	[tilespmem:v9+s20+$0x0] =	vst.idx.msk $0x1, v10  }
0x6b: {  	v10 =	vld [tilespmem:s0+$0xFFFFFFD0];
	_ =	sdelay $0x4  }
0x6c: {  	s5 =	simm.s32 $0x1;
	(xrf0) =	vmax.scan.msk.f32 $0xffff, v10  }
0x6d: {  	v10 =	vmov s5  }
0x6e: {  	v10 =	vand.u32 $0xFFFFFFF9, v10  }
0x6f: {  	v10 =	vbroadcast v10, $0x0;
	_ =	sdelay $0x2  }
0x70: {  	v11, _, _ =	vpop (xrf0)  }
0x71: {  	v11 =	vbroadcast v11, $0xF;
	_ =	sdelay $0x1  }
0x72: {  	[tilespmem:v10+s20+$0x0] =	vst.idx.msk $0x1, v11  }
0x73: {  	v11 =	vld [tilespmem:s0+$0xFFFFFFE0];
	_ =	sdelay $0x4  }
0x74: {  	s17 =	simm.s32 $0x2;
	(xrf0) =	vmax.scan.msk.f32 $0xffff, v11  }
0x75: {  	v11 =	vmov s17  }
0x76: {  	v11 =	vand.u32 $0xFFFFFFFA, v11  }
0x77: {  	v11 =	vbroadcast v11, $0x0;
	_ =	sdelay $0x2  }
0x78: {  	v12, _, _ =	vpop (xrf0)  }
0x79: {  	v12 =	vbroadcast v12, $0xF;
	_ =	sdelay $0x1  }
0x7a: {  	[tilespmem:v11+s20+$0x0] =	vst.idx.msk $0x1, v12  }
0x7b: {  	v12 =	vld [tilespmem:s0+$0xFFFFFFF0];
	_ =	sdelay $0x4  }
0x7c: {  	s24 =	simm.s32 $0x3;
	(xrf0) =	vmax.scan.msk.f32 $0xffff, v12  }
0x7d: {  	v12 =	vmov s24  }
0x7e: {  	v12 =	vand.u32 $0xFFFFFFFB, v12  }
0x7f: {  	v12 =	vbroadcast v12, $0x0;
	_ =	sdelay $0x2  }
0x80: {  	v13, _, _ =	vpop (xrf0)  }
0x81: {  	v13 =	vbroadcast v13, $0xF;
	_ =	sdelay $0x1  }
0x82: {  	[tilespmem:v12+s20+$0x0] =	vst.idx.msk $0x1, v13  }
0x83: {  	v13 =	vld [tilespmem:s0+$0x0];
	_ =	sdelay $0x4  }
0x84: {  	s26 =	simm.s32 $0x4;
	(xrf0) =	vmax.scan.msk.f32 $0xffff, v13  }
0x85: {  	v13 =	vmov s26  }
0x86: {  	v13 =	vand.u32 $0xFFFFFFFC, v13  }
0x87: {  	v13 =	vbroadcast v13, $0x0;
	_ =	sdelay $0x2  }
0x88: {  	v14, _, _ =	vpop (xrf0)  }
0x89: {  	v14 =	vbroadcast v14, $0xF;
	_ =	sdelay $0x1  }
0x8a: {  	[tilespmem:v13+s20+$0x0] =	vst.idx.msk $0x1, v14  }
0x8b: {  	v14 =	vld [tilespmem:s0+$0x10];
	_ =	sdelay $0x4  }
0x8c: {  	s30 =	simm.s32 $0x5;
	(xrf0) =	vmax.scan.msk.f32 $0xffff, v14  }
0x8d: {  	v14 =	vmov s30  }
0x8e: {  	v14 =	vand.u32 $0xFFFFFFFD, v14  }
0x8f: {  	v14 =	vbroadcast v14, $0x0;
	_ =	sdelay $0x2  }
0x90: {  	v15, _, _ =	vpop (xrf0)  }
0x91: {  	v15 =	vbroadcast v15, $0xF;
	_ =	sdelay $0x1  }
0x92: {  	[tilespmem:v14+s20+$0x0] =	vst.idx.msk $0x1, v15  }
0x93: {  	v15 =	vld [tilespmem:s0+$0x20];
	_ =	sdelay $0x4  }
0x94: {  	s31 =	simm.s32 $0x6;
	(xrf0) =	vmax.scan.msk.f32 $0xffff, v15  }
0x95: {  	v15 =	vmov s31  }
0x96: {  	v15 =	vand.u32 $0xFFFFFFFE, v15  }
0x97: {  	v15 =	vbroadcast v15, $0x0;
	_ =	sdelay $0x2  }
0x98: {  	v16, _, _ =	vpop (xrf0)  }
0x99: {  	v16 =	vbroadcast v16, $0xF;
	_ =	sdelay $0x1  }
0x9a: {  	[tilespmem:v15+s20+$0x0] =	vst.idx.msk $0x1, v16  }
0x9b: {  	v16 =	vld [tilespmem:s0+$0x30];
	_ =	sdelay $0x4  }
0x9c: {  	(xrf0) =	vmax.scan.msk.f32 $0xffff, v16;
	_ =	sdelay $0x2  }
0x9d: {  	s18 =	simm.s32 $0x7  }
0x9e: {  	v16 =	vmov s18;
	_ =	sdelay $0x1  }
0x9f: {  	v17, _, _ =	vpop (xrf0)  }
0xa0: {  	s24 =	simm.s32 $0xF;
	v17 =	vbroadcast v17, $0xF  }
.LBB2_3:
0xa1: {  	p2 =	sne.s32 s24, $0x4FF  }
0xa2: {  	s0 =	sadd.s32 $0x80, s0;
	s30 =	smov.u32 s24;
	s24 =	sadd.s32 $0x8, s24;
	[tilespmem:v16+s20+$0x0] =	vst.idx.msk $0x1, v17  }
0xa3: {  	v16 =	vld [tilespmem:s0+$0xFFFFFFC0];
	_ =	sdelay $0x4  }
0xa4: {  	s31 =	sadd.s32 $0xFFFFFFF9, s30;
	(xrf0) =	vmax.scan.msk.f32 $0xffff, v16  }
0xa5: {  	v16 =	vmov s31  }
0xa6: {  	v16 =	vand.u32 $0xFFFFFFF8, v16  }
0xa7: {  	v16 =	vbroadcast v16, $0x0;
	_ =	sdelay $0x2  }
0xa8: {  	v17, _, _ =	vpop (xrf0)  }
0xa9: {  	v17 =	vbroadcast v17, $0xF;
	_ =	sdelay $0x1  }
0xaa: {  	[tilespmem:v16+s20+$0x0] =	vst.idx.msk $0x1, v17  }
0xab: {  	v16 =	vld [tilespmem:s0+$0xFFFFFFD0];
	_ =	sdelay $0x4  }
0xac: {  	s31 =	sadd.s32 $0xFFFFFFFA, s30;
	(xrf0) =	vmax.scan.msk.f32 $0xffff, v16  }
0xad: {  	v16 =	vmov s31  }
0xae: {  	v16 =	vand.u32 $0xFFFFFFF9, v16  }
0xaf: {  	v16 =	vbroadcast v16, $0x0;
	_ =	sdelay $0x2  }
0xb0: {  	v17, _, _ =	vpop (xrf0)  }
0xb1: {  	v17 =	vbroadcast v17, $0xF;
	_ =	sdelay $0x1  }
0xb2: {  	[tilespmem:v16+s20+$0x0] =	vst.idx.msk $0x1, v17  }
0xb3: {  	v16 =	vld [tilespmem:s0+$0xFFFFFFE0];
	_ =	sdelay $0x4  }
0xb4: {  	s31 =	sadd.s32 $0xFFFFFFFB, s30;
	(xrf0) =	vmax.scan.msk.f32 $0xffff, v16  }
0xb5: {  	v16 =	vmov s31  }
0xb6: {  	v16 =	vand.u32 $0xFFFFFFFA, v16  }
0xb7: {  	v16 =	vbroadcast v16, $0x0;
	_ =	sdelay $0x2  }
0xb8: {  	v17, _, _ =	vpop (xrf0)  }
0xb9: {  	v17 =	vbroadcast v17, $0xF;
	_ =	sdelay $0x1  }
0xba: {  	[tilespmem:v16+s20+$0x0] =	vst.idx.msk $0x1, v17  }
0xbb: {  	v16 =	vld [tilespmem:s0+$0xFFFFFFF0];
	_ =	sdelay $0x4  }
0xbc: {  	s31 =	sadd.s32 $0xFFFFFFFC, s30;
	(xrf0) =	vmax.scan.msk.f32 $0xffff, v16  }
0xbd: {  	v16 =	vmov s31  }
0xbe: {  	v16 =	vand.u32 $0xFFFFFFFB, v16  }
0xbf: {  	v16 =	vbroadcast v16, $0x0;
	_ =	sdelay $0x2  }
0xc0: {  	v17, _, _ =	vpop (xrf0)  }
0xc1: {  	v17 =	vbroadcast v17, $0xF;
	_ =	sdelay $0x1  }
0xc2: {  	[tilespmem:v16+s20+$0x0] =	vst.idx.msk $0x1, v17  }
0xc3: {  	v16 =	vld [tilespmem:s0+$0x0];
	_ =	sdelay $0x4  }
0xc4: {  	s31 =	sadd.s32 $0xFFFFFFFD, s30;
	(xrf0) =	vmax.scan.msk.f32 $0xffff, v16  }
0xc5: {  	v16 =	vmov s31  }
0xc6: {  	v16 =	vand.u32 $0xFFFFFFFC, v16  }
0xc7: {  	v16 =	vbroadcast v16, $0x0;
	_ =	sdelay $0x2  }
0xc8: {  	v17, _, _ =	vpop (xrf0)  }
0xc9: {  	v17 =	vbroadcast v17, $0xF;
	_ =	sdelay $0x1  }
0xca: {  	[tilespmem:v16+s20+$0x0] =	vst.idx.msk $0x1, v17  }
0xcb: {  	v16 =	vld [tilespmem:s0+$0x10];
	_ =	sdelay $0x4  }
0xcc: {  	s31 =	sadd.s32 $0xFFFFFFFE, s30;
	(xrf0) =	vmax.scan.msk.f32 $0xffff, v16  }
0xcd: {  	v16 =	vmov s31  }
0xce: {  	v16 =	vand.u32 $0xFFFFFFFD, v16  }
0xcf: {  	v16 =	vbroadcast v16, $0x0;
	_ =	sdelay $0x2  }
0xd0: {  	v17, _, _ =	vpop (xrf0)  }
0xd1: {  	v17 =	vbroadcast v17, $0xF;
	_ =	sdelay $0x1  }
0xd2: {  	[tilespmem:v16+s20+$0x0] =	vst.idx.msk $0x1, v17  }
0xd3: {  	v16 =	vld [tilespmem:s0+$0x20];
	_ =	sdelay $0x4  }
0xd4: {  	s31 =	sadd.s32 $0xFFFFFFFF, s30;
	(xrf0) =	vmax.scan.msk.f32 $0xffff, v16  }
0xd5: {  	v16 =	vmov s31  }
0xd6: {  	v16 =	vand.u32 $0xFFFFFFFE, v16  }
0xd7: {  	v16 =	vbroadcast v16, $0x0;
	_ =	sdelay $0x2  }
0xd8: {  	v17, _, _ =	vpop (xrf0)  }
0xd9: {  	v17 =	vbroadcast v17, $0xF;
	_ =	sdelay $0x1  }
0xda: {  	[tilespmem:v16+s20+$0x0] =	vst.idx.msk $0x1, v17  }
0xdb: {  	v16 =	vld [tilespmem:s0+$0x30];
	_ =	sdelay $0x4  }
0xdc: {  	(xrf0) =	vmax.scan.msk.f32 $0xffff, v16;
	_ =	sdelay $0x2  }
.Ltmp3:
0xdd: {  	(pc) =	sbr.rel @p2 .LBB2_3-.Ltmp3, $3  }
0xde: {  	v16 =	vmov s30;
	_ =	sdelay $0x1  }
0xdf: {  	v17, _, _ =	vpop (xrf0)  }
0xe0: {  	v17 =	vbroadcast v17, $0xF  }
0xe1: {  	_ =	sdelay $0x3  }
0xe2: {  	s0 =	simm.s32 $0x19040;
	[tilespmem:v16+s20+$0x0] =	vst.idx.msk $0x1, v17  }
0xe3: {  	v16 =	vld [tilespmem:s0+$0xFFFFFFC0];
	_ =	sdelay $0x4  }
0xe4: {  	(xrf0) =	vmax.scan.msk.f32 $0xffff, v16;
	_ =	sdelay $0x5  }
0xe5: {  	v16, _, _ =	vpop (xrf0)  }
0xe6: {  	v16 =	vbroadcast v16, $0xF;
	_ =	sdelay $0x1  }
0xe7: {  	[tilespmem:v9+s21+$0x0] =	vst.idx.msk $0x1, v16  }
0xe8: {  	v9 =	vld [tilespmem:s0+$0xFFFFFFD0];
	_ =	sdelay $0x4  }
0xe9: {  	(xrf0) =	vmax.scan.msk.f32 $0xffff, v9;
	_ =	sdelay $0x5  }
0xea: {  	v9, _, _ =	vpop (xrf0)  }
0xeb: {  	v9 =	vbroadcast v9, $0xF;
	_ =	sdelay $0x1  }
0xec: {  	[tilespmem:v10+s21+$0x0] =	vst.idx.msk $0x1, v9  }
0xed: {  	v9 =	vld [tilespmem:s0+$0xFFFFFFE0];
	_ =	sdelay $0x4  }
0xee: {  	(xrf0) =	vmax.scan.msk.f32 $0xffff, v9;
	_ =	sdelay $0x5  }
0xef: {  	v9, _, _ =	vpop (xrf0)  }
0xf0: {  	v9 =	vbroadcast v9, $0xF;
	_ =	sdelay $0x1  }
0xf1: {  	[tilespmem:v11+s21+$0x0] =	vst.idx.msk $0x1, v9  }
0xf2: {  	v9 =	vld [tilespmem:s0+$0xFFFFFFF0];
	_ =	sdelay $0x4  }
0xf3: {  	(xrf0) =	vmax.scan.msk.f32 $0xffff, v9;
	_ =	sdelay $0x5  }
0xf4: {  	v9, _, _ =	vpop (xrf0)  }
0xf5: {  	v9 =	vbroadcast v9, $0xF;
	_ =	sdelay $0x1  }
0xf6: {  	[tilespmem:v12+s21+$0x0] =	vst.idx.msk $0x1, v9  }
0xf7: {  	v9 =	vld [tilespmem:s0+$0x0];
	_ =	sdelay $0x4  }
0xf8: {  	(xrf0) =	vmax.scan.msk.f32 $0xffff, v9;
	_ =	sdelay $0x5  }
0xf9: {  	v9, _, _ =	vpop (xrf0)  }
0xfa: {  	v9 =	vbroadcast v9, $0xF;
	_ =	sdelay $0x1  }
0xfb: {  	[tilespmem:v13+s21+$0x0] =	vst.idx.msk $0x1, v9  }
0xfc: {  	v9 =	vld [tilespmem:s0+$0x10];
	_ =	sdelay $0x4  }
0xfd: {  	(xrf0) =	vmax.scan.msk.f32 $0xffff, v9;
	_ =	sdelay $0x5  }
0xfe: {  	v9, _, _ =	vpop (xrf0)  }
0xff: {  	v9 =	vbroadcast v9, $0xF;
	_ =	sdelay $0x1  }
0x100: {  	[tilespmem:v14+s21+$0x0] =	vst.idx.msk $0x1, v9  }
0x101: {  	v9 =	vld [tilespmem:s0+$0x20];
	_ =	sdelay $0x4  }
0x102: {  	(xrf0) =	vmax.scan.msk.f32 $0xffff, v9;
	_ =	sdelay $0x5  }
0x103: {  	v9, _, _ =	vpop (xrf0)  }
0x104: {  	v9 =	vbroadcast v9, $0xF;
	_ =	sdelay $0x1  }
0x105: {  	[tilespmem:v15+s21+$0x0] =	vst.idx.msk $0x1, v9  }
0x106: {  	v9 =	vld [tilespmem:s0+$0x30];
	_ =	sdelay $0x4  }
0x107: {  	(xrf0) =	vmax.scan.msk.f32 $0xffff, v9;
	_ =	sdelay $0x3  }
0x108: {  	v9 =	vmov s18;
	_ =	sdelay $0x1  }
0x109: {  	v10, _, _ =	vpop (xrf0)  }
0x10a: {  	s24 =	simm.s32 $0xF;
	v10 =	vbroadcast v10, $0xF  }
.LBB2_5:
0x10b: {  	p2 =	sne.s32 s24, $0x4F  }
0x10c: {  	s0 =	sadd.s32 $0x80, s0;
	s18 =	smov.u32 s24;
	s24 =	sadd.s32 $0x8, s24;
	[tilespmem:v9+s21+$0x0] =	vst.idx.msk $0x1, v10  }
0x10d: {  	v9 =	vld [tilespmem:s0+$0xFFFFFFC0];
	_ =	sdelay $0x4  }
0x10e: {  	s30 =	sadd.s32 $0xFFFFFFF9, s18;
	(xrf0) =	vmax.scan.msk.f32 $0xffff, v9  }
0x10f: {  	v9 =	vmov s30  }
0x110: {  	v9 =	vand.u32 $0xFFFFFFF8, v9  }
0x111: {  	v9 =	vbroadcast v9, $0x0;
	_ =	sdelay $0x2  }
0x112: {  	v10, _, _ =	vpop (xrf0)  }
0x113: {  	v10 =	vbroadcast v10, $0xF;
	_ =	sdelay $0x1  }
0x114: {  	[tilespmem:v9+s21+$0x0] =	vst.idx.msk $0x1, v10  }
0x115: {  	v9 =	vld [tilespmem:s0+$0xFFFFFFD0];
	_ =	sdelay $0x4  }
0x116: {  	s30 =	sadd.s32 $0xFFFFFFFA, s18;
	(xrf0) =	vmax.scan.msk.f32 $0xffff, v9  }
0x117: {  	v9 =	vmov s30  }
0x118: {  	v9 =	vand.u32 $0xFFFFFFF9, v9  }
0x119: {  	v9 =	vbroadcast v9, $0x0;
	_ =	sdelay $0x2  }
0x11a: {  	v10, _, _ =	vpop (xrf0)  }
0x11b: {  	v10 =	vbroadcast v10, $0xF;
	_ =	sdelay $0x1  }
0x11c: {  	[tilespmem:v9+s21+$0x0] =	vst.idx.msk $0x1, v10  }
0x11d: {  	v9 =	vld [tilespmem:s0+$0xFFFFFFE0];
	_ =	sdelay $0x4  }
0x11e: {  	s30 =	sadd.s32 $0xFFFFFFFB, s18;
	(xrf0) =	vmax.scan.msk.f32 $0xffff, v9  }
0x11f: {  	v9 =	vmov s30  }
0x120: {  	v9 =	vand.u32 $0xFFFFFFFA, v9  }
0x121: {  	v9 =	vbroadcast v9, $0x0;
	_ =	sdelay $0x2  }
0x122: {  	v10, _, _ =	vpop (xrf0)  }
0x123: {  	v10 =	vbroadcast v10, $0xF;
	_ =	sdelay $0x1  }
0x124: {  	[tilespmem:v9+s21+$0x0] =	vst.idx.msk $0x1, v10  }
0x125: {  	v9 =	vld [tilespmem:s0+$0xFFFFFFF0];
	_ =	sdelay $0x4  }
0x126: {  	s30 =	sadd.s32 $0xFFFFFFFC, s18;
	(xrf0) =	vmax.scan.msk.f32 $0xffff, v9  }
0x127: {  	v9 =	vmov s30  }
0x128: {  	v9 =	vand.u32 $0xFFFFFFFB, v9  }
0x129: {  	v9 =	vbroadcast v9, $0x0;
	_ =	sdelay $0x2  }
0x12a: {  	v10, _, _ =	vpop (xrf0)  }
0x12b: {  	v10 =	vbroadcast v10, $0xF;
	_ =	sdelay $0x1  }
0x12c: {  	[tilespmem:v9+s21+$0x0] =	vst.idx.msk $0x1, v10  }
0x12d: {  	v9 =	vld [tilespmem:s0+$0x0];
	_ =	sdelay $0x4  }
0x12e: {  	s30 =	sadd.s32 $0xFFFFFFFD, s18;
	(xrf0) =	vmax.scan.msk.f32 $0xffff, v9  }
0x12f: {  	v9 =	vmov s30  }
0x130: {  	v9 =	vand.u32 $0xFFFFFFFC, v9  }
0x131: {  	v9 =	vbroadcast v9, $0x0;
	_ =	sdelay $0x2  }
0x132: {  	v10, _, _ =	vpop (xrf0)  }
0x133: {  	v10 =	vbroadcast v10, $0xF;
	_ =	sdelay $0x1  }
0x134: {  	[tilespmem:v9+s21+$0x0] =	vst.idx.msk $0x1, v10  }
0x135: {  	v9 =	vld [tilespmem:s0+$0x10];
	_ =	sdelay $0x4  }
0x136: {  	s30 =	sadd.s32 $0xFFFFFFFE, s18;
	(xrf0) =	vmax.scan.msk.f32 $0xffff, v9  }
0x137: {  	v9 =	vmov s30  }
0x138: {  	v9 =	vand.u32 $0xFFFFFFFD, v9  }
0x139: {  	v9 =	vbroadcast v9, $0x0;
	_ =	sdelay $0x2  }
0x13a: {  	v10, _, _ =	vpop (xrf0)  }
0x13b: {  	v10 =	vbroadcast v10, $0xF;
	_ =	sdelay $0x1  }
0x13c: {  	[tilespmem:v9+s21+$0x0] =	vst.idx.msk $0x1, v10  }
0x13d: {  	v9 =	vld [tilespmem:s0+$0x20];
	_ =	sdelay $0x4  }
0x13e: {  	s30 =	sadd.s32 $0xFFFFFFFF, s18;
	(xrf0) =	vmax.scan.msk.f32 $0xffff, v9  }
0x13f: {  	v9 =	vmov s30  }
0x140: {  	v9 =	vand.u32 $0xFFFFFFFE, v9  }
0x141: {  	v9 =	vbroadcast v9, $0x0;
	_ =	sdelay $0x2  }
0x142: {  	v10, _, _ =	vpop (xrf0)  }
0x143: {  	v10 =	vbroadcast v10, $0xF;
	_ =	sdelay $0x1  }
0x144: {  	[tilespmem:v9+s21+$0x0] =	vst.idx.msk $0x1, v10  }
0x145: {  	v9 =	vld [tilespmem:s0+$0x30];
	_ =	sdelay $0x4  }
0x146: {  	(xrf0) =	vmax.scan.msk.f32 $0xffff, v9;
	_ =	sdelay $0x2  }
.Ltmp4:
0x147: {  	(pc) =	sbr.rel @p2 .LBB2_5-.Ltmp4, $3  }
0x148: {  	v9 =	vmov s18;
	_ =	sdelay $0x1  }
0x149: {  	v10, _, _ =	vpop (xrf0)  }
0x14a: {  	v10 =	vbroadcast v10, $0xF  }
0x14b: {  	_ =	sdelay $0x3  }
0x14c: {  	[tilespmem:v9+s21+$0x0] =	vst.idx.msk $0x1, v10  }
0x14d: {  	v9 =	vld [tilespmem:$0x19500];
	_ =	sdelay $0x4  }
0x14e: {  	(xrf0) =	vmax.scan.msk.f32 $0xffff, v9;
	_ =	sdelay $0x5  }
0x14f: {  	v9, _, _ =	vpop (xrf0)  }
0x150: {  	v9 =	vbroadcast v9, $0xF  }
0x151: {  	[tilespmem:$0x19580] =	vst v1  }
0x152: {  	[tilespmem:v2+s22+$0x0] =	vst.idx.msk $0x1, v9  }
0x153: {  	v9 =	vld [tilespmem:$0x19510];
	_ =	sdelay $0x4  }
0x154: {  	(xrf0) =	vmax.scan.msk.f32 $0xffff, v9;
	_ =	sdelay $0x5  }
0x155: {  	v9, _, _ =	vpop (xrf0)  }
0x156: {  	v9 =	vbroadcast v9, $0xF;
	_ =	sdelay $0x1  }
0x157: {  	[tilespmem:v3+s22+$0x0] =	vst.idx.msk $0x1, v9  }
0x158: {  	v9 =	vld [tilespmem:$0x19520];
	_ =	sdelay $0x4  }
0x159: {  	(xrf0) =	vmax.scan.msk.f32 $0xffff, v9;
	_ =	sdelay $0x5  }
0x15a: {  	v9, _, _ =	vpop (xrf0)  }
0x15b: {  	v9 =	vbroadcast v9, $0xF;
	_ =	sdelay $0x1  }
0x15c: {  	[tilespmem:v4+s22+$0x0] =	vst.idx.msk $0x1, v9  }
0x15d: {  	v9 =	vld [tilespmem:$0x19530];
	_ =	sdelay $0x4  }
0x15e: {  	(xrf0) =	vmax.scan.msk.f32 $0xffff, v9;
	_ =	sdelay $0x5  }
0x15f: {  	v9, _, _ =	vpop (xrf0)  }
0x160: {  	v9 =	vbroadcast v9, $0xF;
	_ =	sdelay $0x1  }
0x161: {  	[tilespmem:v5+s22+$0x0] =	vst.idx.msk $0x1, v9  }
0x162: {  	v9 =	vld [tilespmem:$0x19540];
	_ =	sdelay $0x4  }
0x163: {  	(xrf0) =	vmax.scan.msk.f32 $0xffff, v9;
	_ =	sdelay $0x5  }
0x164: {  	v9, _, _ =	vpop (xrf0)  }
0x165: {  	v9 =	vbroadcast v9, $0xF;
	_ =	sdelay $0x1  }
0x166: {  	[tilespmem:v6+s22+$0x0] =	vst.idx.msk $0x1, v9  }
0x167: {  	_ =	swait.ge [sflag:s23], $0x14000  }
0x168: {  	[sflag:s23] =	ssyncset.done $0x0  }
0x169: {  	s30 =	simm.s32 $0x0;
	[sflag:s23] =	ssyncadd.s32 $0xFFFEC000  }
.LBB2_7:
0x16a: {  	v10 =	vld [tilespmem:$0x19580];
	_ =	sdelay $0x4  }
0x16b: {  	(xrf0) =	vmax.scan.msk.f32 $0xffff, v10;
	_ =	sdelay $0x5  }
0x16c: {  	v12, _, _ =	vpop (xrf0)  }
0x16d: {  	v9 =	vbroadcast v12, $0xF;
	_ =	sdelay $0x1  }
0x16e: {  	vm0 =	veq.f32 v10, v9  }
0x16f: {  	v11 =	vmctz.xlane vm0  }
0x170: {  	(v2sf) =	vpush v12, $0xF  }
0x171: {  	(v2sf) =	vpush v11, $0x0;
	_ =	sdelay $0xd  }
0x172: {  	s31 =	spop (v2sf)  }
0x173: {  	s0 =	spop (v2sf)  }
0x174: {  	s0 =	sshll.u32 s0, $0x4  }
0x175: {  	v13 =	vld [tilespmem:s0+$0x19500];
	_ =	sdelay $0x4  }
0x176: {  	vm14 =	veq.f32 v13, v9  }
0x177: {  	v17 =	vmctz.xlane vm14;
	_ =	sdelay $0x1  }
0x178: {  	(v2sf) =	vpush v17, $0x0;
	_ =	sdelay $0xe  }
0x179: {  	s18 =	spop (v2sf)  }
0x17a: {  	s18 =	sadd.s32 s0, s18  }
0x17b: {  	s18 =	sshll.u32 s18, $0x4  }
0x17c: {  	v18 =	vld [tilespmem:s18+$0x19000];
	_ =	sdelay $0x4  }
0x17d: {  	vm15 =	veq.f32 v18, v9  }
0x17e: {  	v19 =	vmctz.xlane vm15;
	_ =	sdelay $0x1  }
0x17f: {  	(v2sf) =	vpush v19, $0x0;
	_ =	sdelay $0xe  }
0x180: {  	s24 =	spop (v2sf)  }
0x181: {  	s24 =	sadd.s32 s24, s18  }
0x182: {  	s24 =	sshll.u32 s24, $0x4  }
0x183: {  	v20 =	vld [tilespmem:s24+$0x0];
	_ =	sdelay $0x4  }
0x184: {  	vm4 =	veq.f32 v20, v9  }
0x185: {  	v21 =	vmctz.xlane vm4;
	_ =	sdelay $0x1  }
0x186: {  	(v2sf) =	vpush v21, $0x0;
	_ =	sdelay $0xc  }
0x187: {  	v41 =	vld [tilespmem:$0x19680]  }
0x188: {  	v42 =	vld [tilespmem:$0x19700]  }
0x189: {  	v24 =	vld [tilespmem:$0x19780];
	s26 =	spop (v2sf)  }
0x18a: {  	v25 =	vld [tilespmem:$0x19800];
	s26 =	sadd.s32 s26, s24  }
0x18b: {  	v30 =	vld [tilespmem:$0x19690];
	v40 =	vmov s26  }
0x18c: {  	v44 =	vld [tilespmem:$0x19710];
	v14 =	vshll.u32 v40, $0x2  }
0x18d: {  	v31 =	vld [tilespmem:$0x19790];
	v12 =	vand.u32 $0x7F, v40;
	v14 =	vand.u32 $0xFFFFFE00, v14  }
0x18e: {  	v46 =	vld [tilespmem:$0x19810];
	v12 =	vor.u32 v12, v14  }
0x18f: {  	v48 =	vld [tilespmem:$0x196A0];
	v14 =	vor.u32 $0x80, v12  }
0x190: {  	v50 =	vld [tilespmem:$0x19720];
	v22 =	vor.u32 $0x100, v12  }
0x191: {  	v51 =	vld [tilespmem:$0x197A0];
	v23 =	vor.u32 $0x180, v12  }
0x192: {  	v52 =	vld [tilespmem:$0x196B0]  }
0x193: {  	v16 =	vld.idx.msk [tilespmem:v12+s16+$0x0], $0xffff  }
0x194: {  	v15 =	vld.idx.msk [tilespmem:v14+s16+$0x0], $0xffff  }
0x195: {  	v14 =	vld.idx.msk [tilespmem:v22+s16+$0x0], $0xffff  }
0x196: {  	v43 =	vsub.f32 v25, v42;
	v12 =	vld.idx.msk [tilespmem:v23+s16+$0x0], $0xffff  }
0x197: {  	v34 =	vld [tilespmem:$0x19820];
	v22 =	vsub.f32 v24, v41  }
0x198: {  	v54 =	vld [tilespmem:$0x19730];
	v45 =	vmax.f32 v43, $0.0e+00  }
0x199: {  	v55 =	vld [tilespmem:$0x197B0];
	v22 =	vmax.f32 v22, $0.0e+00;
	v28 =	vmax.f32 v16, v41;
	v32 =	vmax.f32 v16, v30  }
0x19a: {  	v38 =	vld [tilespmem:$0x19830];
	v30 =	vsub.f32 v31, v30;
	v36 =	vmax.f32 v16, v48;
	v61 =	vmax.f32 v16, v52  }
0x19b: {  	v60 =	vld [tilespmem:$0x19740];
	v26 =	vsub.f32 v14, v16;
	v27 =	vsub.f32 v12, v15;
	v29 =	vmin.f32 v14, v24  }
0x19c: {  	v23 =	vmax.f32 v15, v42;
	v25 =	vmin.f32 v12, v25;
	v33 =	vmin.f32 v14, v31  }
0x19d: {  	v53 =	vmax.f32 v15, v44;
	v35 =	vmin.f32 v12, v46;
	v37 =	vmin.f32 v14, v51  }
0x19e: {  	v57 =	vmax.f32 v15, v50;
	v58 =	vmin.f32 v12, v34;
	v39 =	vmax.f32 v15, v54  }
0x19f: {  	v62 =	vld [tilespmem:$0x197C0];
	v40 =	vmin.f32 v14, v55;
	v41 =	vmin.f32 v12, v38;
	v31 =	vsub.f32 v55, v52  }
0x1a0: {  	v52 =	vmax.f32 v15, v60;
	v28 =	vsub.f32 v29, v28;
	v23 =	vsub.f32 v25, v23  }
0x1a1: {  	v25 =	vmul.f32 v45, v22;
	v32 =	vsub.f32 v33, v32;
	v33 =	vsub.f32 v35, v53  }
0x1a2: {  	v30 =	vmax.f32 v30, $0.0e+00;
	v56 =	vsub.f32 v37, v36;
	v39 =	vsub.f32 v41, v39  }
0x1a3: {  	v29 =	vsub.f32 v38, v54;
	v26 =	vmax.f32 v26, $0.0e+00;
	v27 =	vmax.f32 v27, $0.0e+00  }
0x1a4: {  	v53 =	vmin.f32 v14, v62;
	v31 =	vmax.f32 v31, $0.0e+00;
	v24 =	vmul.f32 v27, v26  }
0x1a5: {  	v59 =	vld [tilespmem:$0x196C0];
	v47 =	vmax.f32 v28, $0.0e+00;
	v23 =	vmax.f32 v23, $0.0e+00;
	v26 =	vsub.f32 v46, v44  }
0x1a6: {  	v42 =	vld [tilespmem:$0x19840];
	v32 =	vmax.f32 v32, $0.0e+00;
	v33 =	vmax.f32 v33, $0.0e+00;
	v27 =	vsub.f32 v51, v48  }
0x1a7: {  	v28 =	vsub.f32 v40, v61;
	v48 =	vmax.f32 v39, $0.0e+00;
	v29 =	vmax.f32 v29, $0.0e+00  }
0x1a8: {  	v22 =	vmul.f32 v23, v47;
	v32 =	vmul.f32 v33, v32;
	v33 =	vsub.f32 v58, v57  }
0x1a9: {  	v29 =	vmul.f32 v29, v31;
	v49 =	vadd.f32 v25, v24;
	v26 =	vmax.f32 v26, $0.0e+00  }
0x1aa: {  	v25 =	vsub.f32 v34, v50;
	v27 =	vmax.f32 v27, $0.0e+00;
	v63 =	vmax.f32 v28, $0.0e+00  }
0x1ab: {  	v51 =	vld [tilespmem:$0x197D0];
	v50 =	vmax.f32 v16, v59;
	v43 =	vmin.f32 v12, v42;
	v34 =	vsub.f32 v62, v59  }
0x1ac: {  	v44 =	vld [tilespmem:$0x19850];
	v36 =	vsub.f32 v42, v60;
	v26 =	vmul.f32 v26, v30;
	v30 =	vmax.f32 v56, $0.0e+00  }
0x1ad: {  	v40 =	vld [tilespmem:$0x196E0];
	v33 =	vmax.f32 v33, $0.0e+00;
	v54 =	vsub.f32 v53, v50;
	v55 =	vsub.f32 v43, v52  }
0x1ae: {  	v56 =	vld [tilespmem:$0x197E0];
	v29 =	vadd.f32 v29, v24;
	v23 =	vsub.f32 v49, v22;
	v30 =	vmul.f32 v33, v30  }
0x1af: {  	v25 =	vmax.f32 v25, $0.0e+00;
	v33 =	vld [tilespmem:$0x196D0];
	v57 =	vmax.f32 v34, $0.0e+00;
	v58 =	vmax.f32 v36, $0.0e+00  }
0x1b0: {  	v49 =	vld [tilespmem:$0x19750];
	v26 =	vadd.f32 v26, v24;
	v25 =	vmul.f32 v25, v27;
	v27 =	vmul.f32 v48, v63  }
0x1b1: {  	v37 =	vld [tilespmem:$0x19760];
	v28 =	vmax.f32 v54, $0.0e+00;
	v35 =	vmax.f32 v55, $0.0e+00;
	v60 =	vmin.f32 v14, v51  }
0x1b2: {  	v34 =	vld [tilespmem:$0x19860];
	v62 =	vmin.f32 v12, v44;
	v31 =	vmul.f32 v58, v57;
	v28 =	vmul.f32 v35, v28  }
0x1b3: {  	(erf) = vrcp.f32 v23;
	v25 =	vadd.f32 v25, v24;
	v26 =	vsub.f32 v26, v32  }
0x1b4: {  	v53 =	vld [tilespmem:$0x196F0];
	v29 =	vsub.f32 v29, v27;
	v31 =	vadd.f32 v31, v24;
	v50 =	vmin.f32 v14, v56  }
0x1b5: {  	v54 =	vld [tilespmem:$0x197F0];
	v56 =	vsub.f32 v56, v40;
	v59 =	vmax.f32 v16, v33;
	v61 =	vmax.f32 v15, v49  }
0x1b6: {  	v58 =	vld [tilespmem:$0x19770];
	v33 =	vsub.f32 v51, v33;
	v48 =	vsub.f32 v44, v49;
	v49 =	vmax.f32 v16, v40  }
0x1b7: {  	v52 =	vmin.f32 v12, v34;
	v34 =	vsub.f32 v34, v37;
	v25 =	vsub.f32 v25, v30  }
0x1b8: {  	v51 =	vmax.f32 v15, v37;
	v31 =	vsub.f32 v31, v28;
	v36 =	vsub.f32 v60, v59  }
0x1b9: {  	(erf) = vrcp.f32 v26;
	v63 =	vsub.f32 v62, v61;
	v39 =	vsub.f32 v50, v49  }
0x1ba: {  	v43 =	vsub.f32 v52, v51;
	v38 =	vmax.f32 v56, $0.0e+00;
	v60 =	vld [tilespmem:$0x19870];
	v61 =	vmax.f32 v16, v53  }
0x1bb: {  	v62 =	vmin.f32 v14, v54;
	v45 =	vsub.f32 v54, v53;
	v46 =	vmax.f32 v15, v58  }
0x1bc: {  	v33 =	vmax.f32 v33, $0.0e+00;
	v55 =	vmax.f32 v48, $0.0e+00;
	v34 =	vmax.f32 v34, $0.0e+00  }
0x1bd: {  	(erf) = vrcp.f32 v25;
	v36 =	vmax.f32 v36, $0.0e+00;
	v35 =	vmax.f32 v63, $0.0e+00  }
0x1be: {  	v39 =	vmax.f32 v39, $0.0e+00;
	v57 =	vmax.f32 v43, $0.0e+00;
	v33 =	vmul.f32 v55, v33  }
0x1bf: {  	v34 =	vmul.f32 v34, v38;
	v63 =	vsub.f32 v62, v61;
	v37 =	vsub.f32 v60, v58  }
0x1c0: {  	(erf) = vrcp.f32 v29;
	v59 =	vmul.f32 v57, v39;
	v39 =	vmin.f32 v12, v60  }
0x1c1: {  	v40 =	vmax.f32 v45, $0.0e+00;
	v39 =	vsub.f32 v39, v46;
	v37 =	vmax.f32 v37, $0.0e+00  }
0x1c2: {  	v35 =	vmul.f32 v35, v36;
	v33 =	vadd.f32 v33, v24;
	v37 =	vmul.f32 v37, v40  }
0x1c3: {  	v34 =	vadd.f32 v34, v24;
	v38 =	vmax.f32 v63, $0.0e+00;
	v39 =	vmax.f32 v39, $0.0e+00  }
0x1c4: {  	v33 =	vsub.f32 v33, v35;
	v38 =	vmul.f32 v39, v38;
	v24 =	vadd.f32 v37, v24  }
0x1c5: {  	(erf) = vrcp.f32 v31;
	v34 =	vsub.f32 v34, v59  }
0x1c6: {  	(erf) = vrcp.f32 v33;
	v24 =	vsub.f32 v24, v38  }
0x1c7: {  	(erf) = vrcp.f32 v34  }
0x1c8: {  	v47 =	vpop (erf);
	(erf) = vrcp.f32 v24;
	_ =	sdelay $0x1  }
0x1c9: {  	vm5 =	vgt.f32 v23, $0.0e+00;
	v22 =	vmul.f32 v47, v22  }
0x1ca: {  	vm1 =	vgt.f32 v26, $0.0e+00;
	vm7 =	vgt.f32 v29, $0.0e+00;
	vm6 =	vgt.f32 v25, $0.0e+00;
	v48 =	vpop (erf)  }
0x1cb: {  	vm8 =	vgt.f32 v31, $0.0e+00;
	v22 =	vmax.f32 v22, $0.0e+00;
	v32 =	vmul.f32 v48, v32;
	v49 =	vpop (erf)  }
0x1cc: {  	vm9 =	vgt.f32 v33, $0.0e+00;
	vm10 =	vgt.f32 v34, $0.0e+00;
	v50 =	vpop (erf);
	v30 =	vmul.f32 v49, v30  }
0x1cd: {  	v22 =	vnsel vm5, $0x0, v22;
	v26 =	vnsel vm1, $0x0, v32;
	v51 =	vpop (erf);
	v23 =	vmul.f32 v50, v27  }
0x1ce: {  	v22 =	vmax.f32 v22, v26;
	v25 =	vnsel vm6, $0x0, v30;
	v52 =	vmul.f32 v51, v28;
	v53 =	vpop (erf)  }
0x1cf: {  	v22 =	vmax.f32 v22, v25;
	v23 =	vnsel vm7, $0x0, v23;
	v54 =	vpop (erf);
	v56 =	vmul.f32 v53, v35  }
0x1d0: {  	v22 =	vmax.f32 v22, v23;
	v55 =	vnsel vm8, $0x0, v52;
	v57 =	vmul.f32 v54, v59;
	v58 =	vpop (erf)  }
0x1d1: {  	v22 =	vmax.f32 v22, v55;
	v26 =	vnsel vm9, $0x0, v56;
	v25 =	vmul.f32 v58, v38  }
0x1d2: {  	vm11 =	vgt.f32 v24, $0.0e+00;
	v22 =	vmax.f32 v22, v26;
	v23 =	vnsel vm10, $0x0, v57  }
0x1d3: {  	v22 =	vmax.f32 v22, v23;
	v59 =	vnsel vm11, $0x0, v25  }
0x1d4: {  	v21 =	vbroadcast v21, $0x0;
	v22 =	vmax.f32 v22, v59  }
0x1d5: {  	(xrf0) =	vmax.scan.msk.f32 $0xffff, v22  }
0x1d6: {  	vm12 =	veq.s32 v21, v7  }
0x1d7: {  	v20 =	vsel vm12, $0xCE6E6B28, v20  }
0x1d8: {  	(xrf0) =	vmax.scan.msk.f32 $0xffff, v20;
	_ =	sdelay $0x2  }
0x1d9: {  	v60, _, _ =	vpop (xrf0)  }
0x1da: {  	(v2sf) =	vpush v60, $0xF;
	_ =	sdelay $0x1  }
0x1db: {  	v19 =	vbroadcast v19, $0x0;
	v61, _, _ =	vpop (xrf0)  }
0x1dc: {  	v21 =	vbroadcast v61, $0xF  }
0x1dd: {  	vm13 =	veq.s32 v19, v7  }
0x1de: {  	v18 =	vsel vm13, v21, v18  }
0x1df: {  	(xrf0) =	vmax.scan.msk.f32 $0xffff, v18;
	_ =	sdelay $0x5  }
0x1e0: {  	v17 =	vbroadcast v17, $0x0;
	v62, _, _ =	vpop (xrf0)  }
0x1e1: {  	v19 =	vbroadcast v62, $0xF  }
0x1e2: {  	vm14 =	veq.s32 v17, v7  }
0x1e3: {  	v13 =	vsel vm14, v19, v13;
	s17 =	spop (v2sf)  }
0x1e4: {  	(xrf0) =	vmax.scan.msk.f32 $0xffff, v13;
	p2 =	sgt.f32 s17, $5.000000000e-01  }
0x1e5: {  	p3 =	sgt.f32 s31, $-5.000000000e+08  }
0x1e6: {  	p2 =	por !p2, !p2  }
0x1e7: {  	[tilespmem:s24+$0x0] =	vst v20;
	p2 =	por !p3, !p2  }
0x1e8: {  	[tilespmem:s18+$0x19000] =	vst v18;
	s18 =	simm.s32 $0x1;
	p2 =	por !p2, !p2  }
0x1e9: {  	s18 =	simm.s32 @!p2 $0x0  }
0x1ea: {  	v11 =	vbroadcast v11, $0x0;
	v63, _, _ =	vpop (xrf0);
	v19 =	vmov @p2 s30;
	s30 =	sadd.s32 s18, s30  }
0x1eb: {  	v17 =	vbroadcast v63, $0xF;
	v20 =	vor.u32 @p2 $0x80, v19;
	p3 =	sgt.u32 s30, $0x63  }
0x1ec: {  	vm15 =	veq.s32 v11, v7;
	v11 =	vor.u32 @p2 $0x100, v19;
	p4 =	sgt.f32 @!p3 s31, $-5.000000000e+08  }
0x1ed: {  	[tilespmem:s0+$0x19500] =	vst v13;
	v13 =	vor.u32 @p2 $0x180, v19;
	v10 =	vsel vm15, v17, v10  }
0x1ee: {  	s0 =	simm.s32 @p2 $0x19680;
	[tilespmem:$0x19580] =	vst v10;
	p3 =	por p3, !p4  }
.Ltmp5:
0x1ef: {  	[tilespmem:v19+s0+$0x0] =	vst.idx.msk @p2 $0x1, v16;
	(pc) =	sbr.rel @!p3 .LBB2_7-.Ltmp5, $4  }
0x1f0: {  	[tilespmem:v20+s0+$0x0] =	vst.idx.msk @p2 $0x1, v15  }
0x1f1: {  	[tilespmem:v11+s0+$0x0] =	vst.idx.msk @p2 $0x1, v14  }
0x1f2: {  	[tilespmem:v13+s0+$0x0] =	vst.idx.msk @p2 $0x1, v12;
	s0 =	simm.s32 @p2 $0x19600  }
0x1f3: {  	[tilespmem:v19+s0+$0x0] =	vst.idx.msk @p2 $0x1, v9  }
0x1f4: {  	s0 =	rddreg [dreg:$0x9];
	s4 =	simm.s32 $0x19680  }
0x1f5: {  	[spmem:s0] =	stream.linear.scatter [tilespmem:s4], [sflag:$0x3], $0x200, $0x38;
	[tilespmem:$0x1A740] =	vst v63  }
0x1f6: {  	_ =	swait.ge [sflag:s25], $0x200  }
0x1f7: {  	[sflag:s25] =	ssyncset.done $0x0  }
0x1f8: {  	s31 =	simm.s32 $0x19600;
	[sflag:s25] =	ssyncadd.s32 $0xFFFFFE00  }
0x1f9: {  	[spmem:s6] =	stream.linear.scatter [tilespmem:s31], [sflag:$0x3], $0x80, $0x38;
	[tilespmem:$0x1A740] =	vst v63  }
0x1fa: {  	_ =	swait.ge [sflag:s25], $0x80  }
0x1fb: {  	[sflag:s25] =	ssyncset.done $0x0  }
0x1fc: {  	[sflag:s25] =	ssyncadd.s32 $0xFFFFFF80  }
.LBB2_9:
.Ltmp6:
0x1fd: {  	(pc) =	sbr.rel @p1 .LBB2_15-.Ltmp6, $2  }
0x1fe: {  	_ =	sdelay $0x1  }
0x1ff: {  	[bflag:$0x0] =	sbarrier.arrive $0xFFFF;
	_ =	sdelay $0x1  }
0x200: {  	[tilespmem:s28], [sflag:$0x3] =	stream.linear.gather [spmem:s7], $0x800, $0x38;
	[tilespmem:$0x1A740] =	vst v63  }
0x201: {  	_ =	swait.ge [sflag:s25], $0x800  }
0x202: {  	[sflag:s25] =	ssyncset.done $0x0  }
0x203: {  	s0 =	simm.s32 $0x1A1C0;
	[sflag:s25] =	ssyncadd.s32 $0xFFFFF800  }
0x204: {  	[tilespmem:s0], [sflag:$0x3] =	stream.linear.gather [spmem:s8], $0x80, $0x38;
	[tilespmem:$0x1A740] =	vst v63  }
0x205: {  	_ =	swait.ge [sflag:s25], $0x80  }
0x206: {  	[sflag:s25] =	ssyncset.done $0x0  }
0x207: {  	s3 =	simm.s32 $0x1A240;
	[sflag:s25] =	ssyncadd.s32 $0xFFFFFF80  }
0x208: {  	[tilespmem:s3], [sflag:$0x3] =	stream.linear.gather [spmem:s9], $0x80, $0x38;
	[tilespmem:$0x1A740] =	vst v63  }
0x209: {  	_ =	swait.ge [sflag:s25], $0x80  }
0x20a: {  	[sflag:s25] =	ssyncset.done $0x0  }
0x20b: {  	s30 =	simm.s32 $0x1A2C0;
	[sflag:s25] =	ssyncadd.s32 $0xFFFFFF80  }
0x20c: {  	[tilespmem:s30], [sflag:$0x3] =	stream.linear.gather [spmem:s10], $0x80, $0x38;
	[tilespmem:$0x1A740] =	vst v63  }
0x20d: {  	_ =	swait.ge [sflag:s25], $0x80  }
0x20e: {  	[sflag:s25] =	ssyncset.done $0x0  }
0x20f: {  	s31 =	simm.s32 $0x1A340;
	[sflag:s25] =	ssyncadd.s32 $0xFFFFFF80  }
0x210: {  	[tilespmem:s31], [sflag:$0x3] =	stream.linear.gather [spmem:s11], $0x80, $0x38;
	[tilespmem:$0x1A740] =	vst v63  }
0x211: {  	_ =	swait.ge [sflag:s25], $0x80  }
0x212: {  	[sflag:s25] =	ssyncset.done $0x0  }
0x213: {  	[sflag:s25] =	ssyncadd.s32 $0xFFFFFF80  }
0x214: {  	s18 =	simm.s32 $0x0;
	s24 =	simm.s32 $0x1;
	v9 =	vld [tilespmem:s0+$0x0]  }
.LBB2_11:
0x215: {  	p2 =	sne.s32 s24, $0x1F;
	_ =	sdelay $0x3  }
0x216: {  	(xrf0) =	vmax.scan.msk.f32 $0xffff, v9;
	_ =	sdelay $0x3  }
0x217: {  	v9 =	vmov s18;
	s18 =	smov.u32 s24;
	_ =	sdelay $0x1  }
.Ltmp7:
0x218: {  	v10, _, _ =	vpop (xrf0);
	(pc) =	sbr.rel @p2 .LBB2_11-.Ltmp7, $3  }
0x219: {  	v10 =	vbroadcast v10, $0xF;
	_ =	sdelay $0x1  }
0x21a: {  	s0 =	sadd.s32 $0x10, s0;
	[tilespmem:v9+s1+$0x0] =	vst.idx.msk $0x1, v10  }
0x21b: {  	s24 =	sadd.s32 $0x1, s24;
	v9 =	vld [tilespmem:s0+$0x0]  }
0x21c: {  	_ =	sdelay $0x3  }
0x21d: {  	(xrf0) =	vmax.scan.msk.f32 $0xffff, v9;
	_ =	sdelay $0x3  }
0x21e: {  	v9 =	vmov s18;
	_ =	sdelay $0x1  }
0x21f: {  	v10, _, _ =	vpop (xrf0)  }
0x220: {  	v10 =	vbroadcast v10, $0xF;
	_ =	sdelay $0x1  }
0x221: {  	[tilespmem:v9+s1+$0x0] =	vst.idx.msk $0x1, v10  }
0x222: {  	v9 =	vld [tilespmem:$0x1A3C0]  }
0x223: {  	v10 =	vld [tilespmem:$0x1A3D0];
	_ =	sdelay $0x3  }
0x224: {  	(xrf0) =	vmax.scan.msk.f32 $0xffff, v9  }
0x225: {  	(xrf0) =	vmax.scan.msk.f32 $0xffff, v10;
	_ =	sdelay $0x4  }
0x226: {  	v11, _, _ =	vpop (xrf0)  }
0x227: {  	(v2sf) =	vpush v11, $0xF;
	v11, _, _ =	vpop (xrf0)  }
0x228: {  	(v2sf) =	vpush v11, $0xF  }
0x229: {  	[tilespmem:$0x1A440] =	vst v8  }
0x22a: {  	[tilespmem:$0x1A450] =	vst v8  }
0x22b: {  	[tilespmem:$0x1A460] =	vst v8  }
0x22c: {  	[tilespmem:$0x1A470] =	vst v8  }
0x22d: {  	[tilespmem:$0x1A480] =	vst v8  }
0x22e: {  	[tilespmem:$0x1A490] =	vst v8  }
0x22f: {  	[tilespmem:$0x1A4A0] =	vst v8  }
0x230: {  	[tilespmem:$0x1A4B0] =	vst v8  }
0x231: {  	[tilespmem:$0x1A4C0] =	vst v8  }
0x232: {  	[tilespmem:$0x1A4D0] =	vst v8  }
0x233: {  	[tilespmem:$0x1A4E0] =	vst v8  }
0x234: {  	[tilespmem:$0x1A4F0] =	vst v8  }
0x235: {  	[tilespmem:$0x1A500] =	vst v8  }
0x236: {  	[tilespmem:$0x1A510] =	vst v8;
	s0 =	spop (v2sf)  }
0x237: {  	[tilespmem:$0x1A520] =	vst v8;
	s30 =	spop (v2sf)  }
0x238: {  	[tilespmem:$0x1A530] =	vst v8;
	s0 =	smax.f32 s0, s30  }
0x239: {  	[tilespmem:$0x1A540] =	vst v8;
	vm0 =	veq.f32 v9, s0  }
0x23a: {  	[tilespmem:$0x1A550] =	vst v8;
	vm1 =	veq.f32 v10, s0;
	v9 =	vmctz.xlane vm0  }
0x23b: {  	[tilespmem:$0x1A560] =	vst v8;
	v10 =	vmctz.xlane vm1  }
0x23c: {  	[tilespmem:$0x1A570] =	vst v8;
	(v2sf) =	vpush v9, $0x0  }
0x23d: {  	[tilespmem:$0x1A580] =	vst v8;
	(v2sf) =	vpush v10, $0x0  }
0x23e: {  	[tilespmem:$0x1A590] =	vst v8  }
0x23f: {  	[tilespmem:$0x1A5A0] =	vst v8  }
0x240: {  	[tilespmem:$0x1A5B0] =	vst v8  }
0x241: {  	[tilespmem:$0x1A5C0] =	vst v8  }
0x242: {  	[tilespmem:$0x1A640] =	vst v8  }
0x243: {  	[tilespmem:$0x1A6C0] =	vst v8  }
0x244: {  	[tilespmem:$0x1A650] =	vst v8  }
0x245: {  	[tilespmem:$0x1A6D0] =	vst v8  }
0x246: {  	[tilespmem:$0x1A660] =	vst v8  }
0x247: {  	[tilespmem:$0x1A6E0] =	vst v8  }
0x248: {  	[tilespmem:$0x1A670] =	vst v8  }
0x249: {  	[tilespmem:$0x1A6F0] =	vst v8  }
0x24a: {  	[tilespmem:$0x1A680] =	vst v8  }
0x24b: {  	[tilespmem:$0x1A700] =	vst v8;
	s18 =	spop (v2sf)  }
0x24c: {  	[tilespmem:$0x1A690] =	vst v8;
	s24 =	spop (v2sf)  }
0x24d: {  	[tilespmem:$0x1A710] =	vst v8;
	p2 =	slt.s32 s18, $0x10;
	s24 =	sadd.s32 $0x10, s24  }
0x24e: {  	[tilespmem:$0x1A698] =	vst v8;
	s24 =	smov.u32 @p2 s18  }
0x24f: {  	[tilespmem:$0x1A718] =	vst v8;
	s18 =	sshll.u32 s24, $0x4  }
0x250: {  	v9 =	vld [tilespmem:s18+$0x1A1C0];
	_ =	sdelay $0x4  }
0x251: {  	vm15 =	veq.f32 v9, s0  }
0x252: {  	v9 =	vmctz.xlane vm15;
	_ =	sdelay $0x1  }
0x253: {  	(v2sf) =	vpush v9, $0x0;
	_ =	sdelay $0xe  }
0x254: {  	s26 =	spop (v2sf)  }
0x255: {  	s26 =	sadd.s32 s26, s18  }
0x256: {  	s30 =	sshrl.u32 s26, $0x7  }
0x257: {  	s31 =	sand.u32 $0x7F, s26;
	s17 =	sshll.u32 s30, $0x9  }
0x258: {  	s17 =	sor.u32 s31, s17  }
0x259: {  	v9 =	vmov s17  }
0x25a: {  	p3 =	sgt.f32 s0, $-5.000000000e+08;
	v10 =	vor.u32 $0x180, v9  }
0x25b: {  	v11 =	vor.u32 $0x80, v9  }
0x25c: {  	v13 =	vmov @p3 s26;
	v12 =	vor.u32 $0x100, v9;
	_ =	sdelay $0x1  }
0x25d: {  	v14 =	vld.idx.msk [tilespmem:v9+s28+$0x0], $0xffff  }
0x25e: {  	v9 =	vld.idx.msk [tilespmem:v10+s28+$0x0], $0xffff  }
0x25f: {  	s17 =	simm.s32 @p3 $0x1A1C0;
	v15 =	vld.idx.msk [tilespmem:v11+s28+$0x0], $0xffff;
	v10 =	vimm.f32 @p3 $-1.000000000e+09  }
0x260: {  	v11 =	vld.idx.msk [tilespmem:v12+s28+$0x0], $0xffff;
	[tilespmem:v13+s17+$0x0] =	vst.idx.msk @p3 $0x1, v10  }
0x261: {  	v10 =	vld @p3 [tilespmem:s18+$0x1A1C0];
	_ =	sdelay $0x4  }
0x262: {  	s18 =	simm.s32 $0x0;
	(xrf0) =	vmax.scan.msk.f32 @p3 $0xffff, v10  }
0x263: {  	s17 =	simm.s32 @p3 $0x1;
	v10 =	vmov @p3 s18  }
0x264: {  	v12 =	vmov @p3 s17;
	v10 =	vand.u32 @p3 $0xFFFFFFFC, v10  }
0x265: {  	v16 =	vbroadcast @p3 v10, $0x0;
	v10 =	vand.u32 @p3 $0xFFFFFFFD, v12  }
0x266: {  	v13 =	vmov @p3 s24;
	_ =	sdelay $0x1  }
0x267: {  	v17 =	vbroadcast @p3 v10, $0x0;
	v10, _, _ =	vpop @p3 (xrf0)  }
0x268: {  	s24 =	simm.s32 @p3 $0x2;
	v10 =	vbroadcast @p3 v10, $0xF  }
0x269: {  	s26 =	simm.s32 @p3 $0x1A3C0;
	v12 =	vmov @p3 s24  }
0x26a: {  	[tilespmem:v13+s26+$0x0] =	vst.idx.msk @p3 $0x1, v10;
	v13 =	vand.u32 @p3 $0xFFFFFFFE, v12  }
0x26b: {  	v13 =	vbroadcast @p3 v13, $0x0  }
0x26c: {  	s26 =	simm.s32 @p3 $0x3  }
0x26d: {  	s31 =	simm.s32 @p3 $0x1A440;
	v12 =	vmov @p3 s26  }
0x26e: {  	s17 =	scvt.s32.f32 @p3 s30;
	[tilespmem:v16+s31+$0x0] =	vst.idx.msk @p3 $0x1, v14;
	v14 =	vmov @p3 s18;
	_ =	sdelay $0x1  }
0x26f: {  	s24 =	simm.s32 $0x1;
	v10 =	vmov @p3 s17;
	[tilespmem:v17+s31+$0x0] =	vst.idx.msk @p3 $0x1, v15  }
.LBB2_13:
0x270: {  	[tilespmem:v13+s31+$0x0] =	vst.idx.msk @p3 $0x1, v11;
	s18 =	sadd.s32 $0x4, s18;
	s30 =	smov.u32 s24;
	s24 =	sadd.s32 $0x1, s24  }
0x271: {  	s17 =	simm.s32 @p3 $0x1A640;
	p2 =	sne.s32 s24, $0x64;
	[tilespmem:v12+s31+$0x0] =	vst.idx.msk @p3 $0x1, v9  }
0x272: {  	v9 =	vmov s0;
	s0 =	simm.s32 @p3 $0x1A6C0;
	[tilespmem:v14+s17+$0x0] =	vst.idx.msk @p3 $0x1, v10  }
0x273: {  	[tilespmem:v14+s0+$0x0] =	vst.idx.msk @p3 $0x1, v9  }
0x274: {  	v9 =	vld [tilespmem:$0x1A3C0]  }
0x275: {  	v10 =	vld [tilespmem:$0x1A3D0];
	_ =	sdelay $0x3  }
0x276: {  	(xrf0) =	vmax.scan.msk.f32 $0xffff, v9  }
0x277: {  	(xrf0) =	vmax.scan.msk.f32 $0xffff, v10;
	_ =	sdelay $0x4  }
0x278: {  	v11, _, _ =	vpop (xrf0)  }
0x279: {  	(v2sf) =	vpush v11, $0xF;
	v11, _, _ =	vpop (xrf0)  }
0x27a: {  	(v2sf) =	vpush v11, $0xF;
	_ =	sdelay $0xd  }
0x27b: {  	s0 =	spop (v2sf)  }
0x27c: {  	s17 =	spop (v2sf)  }
0x27d: {  	s0 =	smax.f32 s0, s17  }
0x27e: {  	vm0 =	veq.f32 v9, s0;
	vm1 =	veq.f32 v10, s0  }
0x27f: {  	v9 =	vmctz.xlane vm0;
	v10 =	vmctz.xlane vm1;
	_ =	sdelay $0x1  }
0x280: {  	(v2sf) =	vpush v9, $0x0  }
0x281: {  	(v2sf) =	vpush v10, $0x0;
	_ =	sdelay $0xd  }
0x282: {  	s17 =	spop (v2sf)  }
0x283: {  	p3 =	slt.s32 s17, $0x10;
	s26 =	spop (v2sf)  }
0x284: {  	s26 =	sadd.s32 $0x10, s26  }
0x285: {  	s26 =	smov.u32 @p3 s17  }
0x286: {  	s31 =	sshll.u32 s26, $0x4  }
0x287: {  	v9 =	vld [tilespmem:s31+$0x1A1C0];
	_ =	sdelay $0x4  }
0x288: {  	vm0 =	veq.f32 v9, s0  }
0x289: {  	v9 =	vmctz.xlane vm0;
	_ =	sdelay $0x1  }
0x28a: {  	(v2sf) =	vpush v9, $0x0;
	_ =	sdelay $0xe  }
0x28b: {  	s17 =	spop (v2sf)  }
0x28c: {  	p3 =	sgt.f32 s0, $-5.000000000e+08;
	s17 =	sadd.s32 s17, s31  }
0x28d: {  	s3 =	sshrl.u32 s17, $0x7;
	s4 =	sand.u32 $0x7F, s17  }
0x28e: {  	v14 =	vmov @p3 s26;
	s26 =	sadd.s32 @p3 $0x1, s18;
	v9 =	vmov @p3 s18;
	s5 =	sshll.u32 s3, $0x9;
	s3 =	scvt.s32.f32 @p3 s3  }
0x28f: {  	v11 =	vmov @p3 s26;
	s26 =	sadd.s32 @p3 $0x3, s18;
	v9 =	vand.u32 @p3 $0xFFFFFFFC, v9;
	s4 =	sor.u32 s4, s5;
	s5 =	sadd.s32 @p3 $0x2, s18  }
0x290: {  	v16 =	vbroadcast @p3 v9, $0x0;
	v15 =	vmov s4;
	v10 =	vmov @p3 s3  }
0x291: {  	v17 =	vor.u32 $0x80, v15;
	v18 =	vor.u32 $0x100, v15;
	v9 =	vor.u32 $0x180, v15  }
0x292: {  	v11 =	vand.u32 @p3 $0xFFFFFFFD, v11;
	v12 =	vmov @p3 s26;
	v13 =	vmov @p3 s5  }
0x293: {  	v20 =	vbroadcast @p3 v11, $0x0;
	v19 =	vmov @p3 s17;
	v11 =	vand.u32 @p3 $0xFFFFFFFE, v13  }
0x294: {  	v13 =	vbroadcast @p3 v11, $0x0  }
0x295: {  	v15 =	vld.idx.msk [tilespmem:v15+s28+$0x0], $0xffff  }
0x296: {  	v9 =	vld.idx.msk [tilespmem:v9+s28+$0x0], $0xffff  }
0x297: {  	v21 =	vimm.f32 @p3 $-1.000000000e+09;
	s3 =	simm.s32 @p3 $0x1A1C0;
	v17 =	vld.idx.msk [tilespmem:v17+s28+$0x0], $0xffff  }
0x298: {  	v11 =	vld.idx.msk [tilespmem:v18+s28+$0x0], $0xffff  }
0x299: {  	[tilespmem:v19+s3+$0x0] =	vst.idx.msk @p3 $0x1, v21  }
0x29a: {  	v18 =	vld @p3 [tilespmem:s31+$0x1A1C0];
	_ =	sdelay $0x4  }
0x29b: {  	(xrf0) =	vmax.scan.msk.f32 @p3 $0xffff, v18;
	_ =	sdelay $0x5  }
0x29c: {  	v18, _, _ =	vpop @p3 (xrf0)  }
.Ltmp8:
0x29d: {  	v18 =	vbroadcast @p3 v18, $0xF;
	(pc) =	sbr.rel @p2 .LBB2_13-.Ltmp8, $4  }
0x29e: {  	s3 =	simm.s32 @p3 $0x1A3C0  }
0x29f: {  	s31 =	simm.s32 @p3 $0x1A440;
	[tilespmem:v14+s3+$0x0] =	vst.idx.msk @p3 $0x1, v18;
	v14 =	vmov @p3 s30  }
0x2a0: {  	[tilespmem:v16+s31+$0x0] =	vst.idx.msk @p3 $0x1, v15  }
0x2a1: {  	[tilespmem:v20+s31+$0x0] =	vst.idx.msk @p3 $0x1, v17  }
.Ltmp9:
0x2a2: {  	_ = 	snop;
	(pc) =	sbr.rel .LBB2_14-.Ltmp9, $1  }
0x2a3: {  	_ =	sdelay $0x3  }
.LBB2_16:
0x2a4: {  	_ =	sfence.sel $0x180000  }
0x2a5: {  	[bflag:$0x0] =	sbarrier.arrive $0xFFFF  }
0x2a6: {  	_ =	strace $0x90000047  }
0x2a7: {  	s0 =	stileid.u32;
	[bflag:$0x2] =	sbarrier.arrive $0xFFFF  }
0x2a8: {  	p0 =	sne.s32 s0, $0x0;
	s0 =	rddreg [dreg:$0x6]  }
0x2a9: {  	s0 =	sadd.s32 @!p0 $0x100000, s0  }
0x2aa: {  	[sflag:s0] =	ssyncadd.tile.s32 @!p0 $0x1;
	_ =	shalt  }
.Lfunc_end2:
_tile_overlayer_lowered:
.L_overlay_start_2:
0x2ab: {  	(tag) =	ssettag $0x2  }
0x2ac: {  	s0 =	rddreg [dreg:$0x0];
	s2 =	stileid.u32  }
0x2ad: {  	s1 =	rddreg [dreg:$0x1];
	p0 =	sne.s32 s2, $0x0  }
0x2ae: {  	s3 =	rddreg [dreg:$0x2];
	[bflag:$0x3] =	sbarrier.arrive $0xFFFF;
	s2 =	simm.s32 @!p0 $0x1C03  }
0x2af: {  	[timem:s3], [sflag:s2] =	dma.local @!p0 [hbm:s0], s1  }
0x2b0: {  	s0 =	simm.s32 @!p0 $0x3  }
0x2b1: {  	_ =	swait.ge @!p0 [sflag:s0], s1  }
0x2b2: {  	s1 =	ssub.s32 @!p0 $0x0, s1;
	[sflag:s0] =	ssyncset.done @!p0 $0x0  }
0x2b3: {  	[sflag:s0] =	ssyncadd.s32 @!p0 s1  }
0x2b4: {  	[bflag:$0x3] =	sbarrier.arrive $0xFFFF  }
0x2b5: {  	_ =	shalt  }

</sc_bundles>
